<compile_context>
chip_gen: v7x
topology: tpu7x:2x2x1
jax: 0.10.2.dev20260603
libtpu: 0.0.44.dev20260713+nightly
codegen_flags: <defaults>
</compile_context>

<pallas_src>
import functools

import jax
import jax.numpy as jnp
from jax import lax
from jax.experimental import pallas as pl
from jax.experimental.pallas import tpu as pltpu
from jax.experimental.pallas import tpu_sc as plsc

B, N, H = 32, 128, 32
NP = N + 1
JP = 144
NG = JP // 16
VS = 512
VE = 1537
RB = 8
NBLK = 17
TS = H // 2 + 1

_mesh = plsc.VectorSubcoreMesh(core_axis_name="c", subcore_axis_name="s")


@functools.partial(
    pl.kernel,
    mesh=_mesh,
    compiler_params=pltpu.CompilerParams(use_tc_tiling_on_sc=False,
                                         needs_layout_passes=False),
    out_type=jax.ShapeDtypeStruct((B, H, NP, NP), jnp.float32),
    scratch_types=[
        pltpu.VMEM(((VS + 1) * TS,), jnp.int32),
        pltpu.VMEM(((VE + 1) * TS,), jnp.int32),
        pltpu.VMEM((RB, N), jnp.int32),
        pltpu.VMEM((RB, N, 3), jnp.int32),
        pltpu.VMEM((RB, JP), jnp.float32),
        pltpu.VMEM((2, H, RB, NP), jnp.float32),
        pltpu.SemaphoreType.DMA,
        pltpu.SemaphoreType.DMA,
    ],
)
def _graph_attn_bias_sc(sp_h, ed_h, spi_h, ei_h, bias_h, out_h,
                        sp_tab, ed_tab, spi, ei, brow, obuf2, sem, osem):
    b = lax.axis_index("s") * 2 + lax.axis_index("c")
    pltpu.async_copy(sp_h, sp_tab, sem).wait()
    pltpu.async_copy(ed_h, ed_tab, sem).wait()
    c128 = jnp.full((16,), N, jnp.int32)
    hv = jax.lax.iota(jnp.int32, 16)

    def blk_body(blk, carry):
        r0 = jnp.minimum(blk * RB, NP - RB)
        p = jnp.bitwise_and(blk, 1)
        obuf = obuf2.at[p]
        rm = jnp.maximum(r0 - 1, 0)
        c1 = pltpu.async_copy(spi_h.at[b, pl.ds(rm, RB)], spi, sem)
        c2 = pltpu.async_copy(ei_h.at[b, pl.ds(rm, RB)], ei, sem)
        c3 = pltpu.async_copy(bias_h.at[b, pl.ds(r0, RB)], brow, sem)
        c1.wait()
        c2.wait()
        c3.wait()

        @pl.when(blk >= 2)
        def _drain_older():
            pltpu.make_async_copy(out_h.at[b, :, pl.ds(0, RB), :],
                                  obuf2.at[p], osem).wait()

        def gload2(tab, a):
            g = plsc.load_gather(tab, [a])
            lo, hi = plsc.unpack(plsc.bitcast(g, jnp.bfloat16),
                                 format=plsc.PackFormat.INTERLEAVED)
            return lo.astype(jnp.float32), hi.astype(jnp.float32)

        def row_body(rr, c2):
            rzv = jnp.broadcast_to(r0 + rr == 0, (16,))
            brr = jnp.zeros((16,), jnp.int32) + jnp.maximum(r0 + rr - 1 - rm,
                                                            0)
            for jg in range(N // 16):
                sl = pl.ds(jg * 16, 16)
                jvec = hv + jg * 16
                jm1 = jnp.maximum(jvec - 1, 0)
                sel = (jvec == 0) | rzv
                sidx = jnp.where(sel, VS, plsc.load_gather(spi, [brr, jm1]))
                bsp = jnp.clip(sidx, 0, VS) * TS
                eidx = [jnp.where(sel, VE,
                                  plsc.load_gather(
                                      ei, [brr, jm1,
                                           jnp.full((16,), k, jnp.int32)]))
                        for k in range(3)]
                be0, be1, be2 = (jnp.clip(x, 0, VE) * TS for x in eidx)
                bv = brow[rr, sl]

                @plsc.parallel_loop(0, H // 2, 1, unroll=4)
                def _h_loop(h, sl=sl, bsp=bsp, be0=be0, be1=be1, be2=be2,
                            bv=bv, rr=rr):
                    vl, vh = gload2(sp_tab, bsp + h)
                    e0l, e0h = gload2(ed_tab, be0 + h)
                    e1l, e1h = gload2(ed_tab, be1 + h)
                    e2l, e2h = gload2(ed_tab, be2 + h)
                    obuf[h, rr, sl] = bv + vl + (e0l + e1l + e2l) * (1.0 / 3.0)
                    obuf[h + H // 2, rr, sl] = (bv + vh
                                                + (e0h + e1h + e2h)
                                                * (1.0 / 3.0))
            rrv = jnp.zeros((16,), jnp.int32) + rr
            j127 = jnp.full((16,), N - 1, jnp.int32)
            isp = jnp.where(rzv, VS, plsc.load_gather(spi, [brr, j127]))
            isp = jnp.clip(isp, 0, VS) * TS
            ies = [jnp.where(rzv, VE,
                             plsc.load_gather(
                                 ei, [brr, j127,
                                      jnp.full((16,), k, jnp.int32)]))
                   for k in range(3)]
            ie0, ie1, ie2 = (jnp.clip(x, 0, VE) * TS for x in ies)
            bvc = plsc.load_gather(brow, [rrv, c128])
            vl, vh = gload2(sp_tab, isp + hv)
            e0l, e0h = gload2(ed_tab, ie0 + hv)
            e1l, e1h = gload2(ed_tab, ie1 + hv)
            e2l, e2h = gload2(ed_tab, ie2 + hv)
            plsc.store_scatter(obuf, [hv, rrv, c128],
                               bvc + vl + (e0l + e1l + e2l) * (1.0 / 3.0))
            plsc.store_scatter(obuf, [hv + H // 2, rrv, c128],
                               bvc + vh + (e0h + e1h + e2h) * (1.0 / 3.0))
            return c2

        lax.fori_loop(0, RB, row_body, 0)
        pltpu.async_copy(obuf, out_h.at[b, :, pl.ds(r0, RB), :], osem)
        return carry

    lax.fori_loop(0, NBLK, blk_body, 0)
    for _ in range(2):
        pltpu.make_async_copy(out_h.at[b, :, pl.ds(0, RB), :],
                              obuf2.at[0], osem).wait()


def kernel(attn_bias, spatial_pos, attn_edge_type, spatial_pos_table,
           edge_table, virtual_dist):
    f32 = jnp.float32
    sp_aug = jnp.concatenate(
        [spatial_pos_table.astype(f32), virtual_dist.astype(f32).reshape(1, H)],
        axis=0)
    ed_aug = jnp.concatenate(
        [edge_table.astype(f32), jnp.zeros((1, H), f32)], axis=0)

    def _pack(t):
        bb = jax.lax.bitcast_convert_type(t.astype(jnp.bfloat16), jnp.uint16)
        w = (bb[:, :H // 2].astype(jnp.uint32)
             | (bb[:, H // 2:].astype(jnp.uint32) << 16))
        w = jnp.pad(w, ((0, 0), (0, TS - H // 2)))
        return jax.lax.bitcast_convert_type(w, jnp.int32).reshape(-1)

    sp_aug = _pack(sp_aug)
    ed_aug = _pack(ed_aug)
    spi = spatial_pos.astype(jnp.int32)
    ei = attn_edge_type.astype(jnp.int32)
    biasp = jnp.pad(attn_bias.astype(f32), ((0, 0), (0, 0), (0, JP - NP)))
    return _graph_attn_bias_sc(sp_aug, ed_aug, spi, ei, biasp)

# --- scband reference (transcript-rebuilt; emitter-appended) ---
"""Pipeline reference for scband-graph-attn-bias-25812753449659 (READ-ONLY COPY).

The authoritative reference and input builder live on the scoring server;
editing this copy changes nothing except your own understanding.
"""

import jax, jax.numpy as jnp
import numpy as np

B, N, H = 32, 128, 32
NUM_SPATIAL = 512
NUM_EDGES = 1536
NEF = 3

def setup_inputs(seed: int = 0) -> dict:
    key = jax.random.key(seed)
    ks = jax.random.split(key, 6)
    attn_bias = jax.random.normal(ks[0], (B, N + 1, N + 1), dtype=jnp.float32)
    spatial_pos = jax.random.randint(ks[1], (B, N, N), 0, NUM_SPATIAL, dtype=jnp.int64)
    attn_edge_type = jax.random.randint(ks[2], (B, N, N, NEF), 0, NUM_EDGES + 1, dtype=jnp.int64)
    # embedding tables (padding_idx=0 -> zero row), init std 0.02
    spatial_pos_table = (jax.random.normal(ks[3], (NUM_SPATIAL, H), dtype=jnp.float32) * 0.02).at[0].set(0.0)
    edge_table = (jax.random.normal(ks[4], (NUM_EDGES + 1, H), dtype=jnp.float32) * 0.02).at[0].set(0.0)
    virtual_dist = jax.random.normal(ks[5], (1, H), dtype=jnp.float32) * 0.02
    return {
        'attn_bias': attn_bias,
        'spatial_pos': spatial_pos,
        'attn_edge_type': attn_edge_type,
        'spatial_pos_table': spatial_pos_table,
        'edge_table': edge_table,
        'virtual_dist': virtual_dist,
    }

def reference(attn_bias, spatial_pos, attn_edge_type, spatial_pos_table, edge_table, virtual_dist):
    num_heads = spatial_pos_table.shape[1]
    sp_idx = jnp.clip(spatial_pos, 0, spatial_pos_table.shape[0] - 1)
    et_idx = jnp.clip(attn_edge_type, 0, edge_table.shape[0] - 1)
    # [B, H, N+1, N+1]
    g = jnp.repeat(attn_bias[:, None, :, :], num_heads, axis=1)
    # spatial position bias: embedding lookup [B,N,N,H] -> [B,H,N,N]
    spatial_pos_bias = jnp.take(spatial_pos_table, sp_idx, axis=0).transpose(0, 3, 1, 2)
    g = g.at[:, :, 1:, 1:].add(spatial_pos_bias)
    # virtual graph-token distance
    t = virtual_dist.reshape(1, num_heads, 1)
    g = g.at[:, :, 1:, 0].add(t)
    g = g.at[:, :, 0, :].add(t)
    # edge encoding: [B,N,N,NEF,H] -> mean over NEF -> [B,H,N,N]
    edge_input = jnp.take(edge_table, et_idx, axis=0).mean(axis=-2).transpose(0, 3, 1, 2)
    g = g.at[:, :, 1:, 1:].add(edge_input)
    return g

if False:  # reference __main__ guard neutralized (emitter)
    out = reference(**setup_inputs())
    print(out.shape, out.dtype)

if __name__ == "__main__":
    import jax
    _d = setup_inputs()
    print(jax.jit(kernel)(*tuple(_d.values())))

</pallas_src>

<mosaic_0001>
#map = affine_map<(d0, d1) -> (0)>
#map1 = affine_map<(d0, d1) -> (0, 0, 0)>
#map2 = affine_map<(d0, d1) -> (0, 0, 0, 0)>
module attributes {stable_mosaic.version = 14 : i64} {
  func.func @_graph_attn_bias_sc(%arg0: i32, %arg1: i32, %arg2: memref<8721xi32, #tpu.memory_space<hbm>>, %arg3: memref<26146xi32, #tpu.memory_space<hbm>>, %arg4: memref<32x128x128xi32, #tpu.memory_space<hbm>>, %arg5: memref<32x128x128x3xi32, #tpu.memory_space<hbm>>, %arg6: memref<32x129x144xf32, #tpu.memory_space<hbm>>, %arg7: memref<32x32x129x129xf32, #tpu.memory_space<hbm>>, %arg8: memref<8721xi32, #tpu.memory_space<vmem>>, %arg9: memref<26146xi32, #tpu.memory_space<vmem>>, %arg10: memref<8x128xi32, #tpu.memory_space<vmem>>, %arg11: memref<8x128x3xi32, #tpu.memory_space<vmem>>, %arg12: memref<8x144xf32, #tpu.memory_space<vmem>>, %arg13: memref<2x32x8x129xf32, #tpu.memory_space<vmem>>, %arg14: memref<!tpu.dma_semaphore, #tpu.memory_space<semaphore_mem>>, %arg15: memref<!tpu.dma_semaphore, #tpu.memory_space<semaphore_mem>>) attributes {dimension_semantics = [#tpu.dimension_semantics<core_parallel>, #tpu.dimension_semantics<subcore_parallel>], iteration_bounds = array<i64: 2, 16>, scalar_prefetch = 0 : i64, scratch_operands = 8 : i64, tpu.core_type = #tpu.core_type<sc_vector_subcore>, window_params = [{transform_indices = #map}, {transform_indices = #map}, {transform_indices = #map1}, {transform_indices = #map2}, {transform_indices = #map1}, {transform_indices = #map2}]} {
    %mul3A = arith.constant 2 : i32
    %mul3A_0 = arith.muli %arg1, %mul3A : i32
    %add3A = arith.addi %mul3A_0, %arg0 : i32
    tpu.enqueue_dma source(%arg2 : memref<8721xi32, #tpu.memory_space<hbm>>) target(%arg8 : memref<8721xi32, #tpu.memory_space<vmem>>) target_semaphore(%arg14 : memref<!tpu.dma_semaphore, #tpu.memory_space<semaphore_mem>>)
    tpu.wait_dma2 semaphore(%arg14 : memref<!tpu.dma_semaphore, #tpu.memory_space<semaphore_mem>>) src(%arg2 : memref<8721xi32, #tpu.memory_space<hbm>>) dst(%arg8 : memref<8721xi32, #tpu.memory_space<vmem>>)
    tpu.enqueue_dma source(%arg3 : memref<26146xi32, #tpu.memory_space<hbm>>) target(%arg9 : memref<26146xi32, #tpu.memory_space<vmem>>) target_semaphore(%arg14 : memref<!tpu.dma_semaphore, #tpu.memory_space<semaphore_mem>>)
    tpu.wait_dma2 semaphore(%arg14 : memref<!tpu.dma_semaphore, #tpu.memory_space<semaphore_mem>>) src(%arg3 : memref<26146xi32, #tpu.memory_space<hbm>>) dst(%arg9 : memref<26146xi32, #tpu.memory_space<vmem>>)
    %broadcast_in_dim3A = arith.constant 128 : i32
    %broadcast_in_dim3A_1 = vector.broadcast %broadcast_in_dim3A : i32 to vector<16xi32>
    %iota3A = tpu.iota {dimensions = array<i32: 0>} : vector<16xi32>
    %scan3A = arith.constant 0 : i32
    %scan3A_2 = arith.constant 0 : i32
    %scan3A_3 = arith.constant 17 : i32
    %scan3A_4 = arith.addi %scan3A_2, %scan3A_3 : i32
    %scan3A_5 = arith.constant 1 : i32
    scf.for %scan3A_48 = %scan3A_2 to %scan3A_4 step %scan3A_5  : i32 {
      %mul3A_49 = arith.constant 8 : i32
      %mul3A_50 = arith.muli %scan3A_48, %mul3A_49 : i32
      %min3A = arith.constant 121 : i32
      %min3A_51 = arith.minsi %mul3A_50, %min3A : i32
      %and3A = arith.constant 1 : i32
      %and3A_52 = arith.andi %scan3A_48, %and3A : i32
      %sub3A = arith.constant 1 : i32
      %sub3A_53 = arith.subi %min3A_51, %sub3A : i32
      %max3A = arith.constant 0 : i32
      %max3A_54 = arith.maxsi %sub3A_53, %max3A : i32
      %dma_start3A = arith.constant 0 : i32
      %dma_start3A_55 = tpu.memref_slice %arg4[%add3A, %max3A_54, %dma_start3A] : memref<32x128x128xi32, #tpu.memory_space<hbm>> -> memref<1x8x128xi32, #tpu.memory_space<hbm>>
      %dma_start3A_56 = tpu.memref_squeeze %dma_start3A_55 : memref<1x8x128xi32, #tpu.memory_space<hbm>> -> memref<8x128xi32, #tpu.memory_space<hbm>>
      %dma_start3A_57 = arith.constant 0 : i32
      %dma_start3A_58 = tpu.memref_slice %arg4[%add3A, %max3A_54, %dma_start3A_57] : memref<32x128x128xi32, #tpu.memory_space<hbm>> -> memref<1x8x128xi32, #tpu.memory_space<hbm>>
      %dma_start3A_59 = tpu.memref_squeeze %dma_start3A_58 : memref<1x8x128xi32, #tpu.memory_space<hbm>> -> memref<8x128xi32, #tpu.memory_space<hbm>>
      tpu.enqueue_dma source(%dma_start3A_59 : memref<8x128xi32, #tpu.memory_space<hbm>>) target(%arg10 : memref<8x128xi32, #tpu.memory_space<vmem>>) target_semaphore(%arg14 : memref<!tpu.dma_semaphore, #tpu.memory_space<semaphore_mem>>)
      %dma_start3A_60 = arith.constant 0 : i32
      %dma_start3A_61 = arith.constant 0 : i32
      %dma_start3A_62 = tpu.memref_slice %arg5[%add3A, %max3A_54, %dma_start3A_60, %dma_start3A_61] : memref<32x128x128x3xi32, #tpu.memory_space<hbm>> -> memref<1x8x128x3xi32, #tpu.memory_space<hbm>>
      %dma_start3A_63 = tpu.memref_squeeze %dma_start3A_62 : memref<1x8x128x3xi32, #tpu.memory_space<hbm>> -> memref<8x128x3xi32, #tpu.memory_space<hbm>>
      %dma_start3A_64 = arith.constant 0 : i32
      %dma_start3A_65 = arith.constant 0 : i32
      %dma_start3A_66 = tpu.memref_slice %arg5[%add3A, %max3A_54, %dma_start3A_64, %dma_start3A_65] : memref<32x128x128x3xi32, #tpu.memory_space<hbm>> -> memref<1x8x128x3xi32, #tpu.memory_space<hbm>>
      %dma_start3A_67 = tpu.memref_squeeze %dma_start3A_66 : memref<1x8x128x3xi32, #tpu.memory_space<hbm>> -> memref<8x128x3xi32, #tpu.memory_space<hbm>>
      tpu.enqueue_dma source(%dma_start3A_67 : memref<8x128x3xi32, #tpu.memory_space<hbm>>) target(%arg11 : memref<8x128x3xi32, #tpu.memory_space<vmem>>) target_semaphore(%arg14 : memref<!tpu.dma_semaphore, #tpu.memory_space<semaphore_mem>>)
      %dma_start3A_68 = arith.constant 0 : i32
      %dma_start3A_69 = tpu.memref_slice %arg6[%add3A, %min3A_51, %dma_start3A_68] : memref<32x129x144xf32, #tpu.memory_space<hbm>> -> memref<1x8x144xf32, #tpu.memory_space<hbm>>
      %dma_start3A_70 = tpu.memref_squeeze %dma_start3A_69 : memref<1x8x144xf32, #tpu.memory_space<hbm>> -> memref<8x144xf32, #tpu.memory_space<hbm>>
      %dma_start3A_71 = arith.constant 0 : i32
      %dma_start3A_72 = tpu.memref_slice %arg6[%add3A, %min3A_51, %dma_start3A_71] : memref<32x129x144xf32, #tpu.memory_space<hbm>> -> memref<1x8x144xf32, #tpu.memory_space<hbm>>
      %dma_start3A_73 = tpu.memref_squeeze %dma_start3A_72 : memref<1x8x144xf32, #tpu.memory_space<hbm>> -> memref<8x144xf32, #tpu.memory_space<hbm>>
      tpu.enqueue_dma source(%dma_start3A_73 : memref<8x144xf32, #tpu.memory_space<hbm>>) target(%arg12 : memref<8x144xf32, #tpu.memory_space<vmem>>) target_semaphore(%arg14 : memref<!tpu.dma_semaphore, #tpu.memory_space<semaphore_mem>>)
      %dma_wait3A_74 = arith.constant 0 : i32
      %dma_wait3A_75 = tpu.memref_slice %arg4[%add3A, %max3A_54, %dma_wait3A_74] : memref<32x128x128xi32, #tpu.memory_space<hbm>> -> memref<1x8x128xi32, #tpu.memory_space<hbm>>
      %dma_wait3A_76 = tpu.memref_squeeze %dma_wait3A_75 : memref<1x8x128xi32, #tpu.memory_space<hbm>> -> memref<8x128xi32, #tpu.memory_space<hbm>>
      %dma_wait3A_77 = arith.constant 0 : i32
      %dma_wait3A_78 = tpu.memref_slice %arg4[%add3A, %max3A_54, %dma_wait3A_77] : memref<32x128x128xi32, #tpu.memory_space<hbm>> -> memref<1x8x128xi32, #tpu.memory_space<hbm>>
      %dma_wait3A_79 = tpu.memref_squeeze %dma_wait3A_78 : memref<1x8x128xi32, #tpu.memory_space<hbm>> -> memref<8x128xi32, #tpu.memory_space<hbm>>
      tpu.wait_dma2 semaphore(%arg14 : memref<!tpu.dma_semaphore, #tpu.memory_space<semaphore_mem>>) src(%dma_wait3A_79 : memref<8x128xi32, #tpu.memory_space<hbm>>) dst(%arg10 : memref<8x128xi32, #tpu.memory_space<vmem>>)
      %dma_wait3A_80 = arith.constant 0 : i32
      %dma_wait3A_81 = arith.constant 0 : i32
      %dma_wait3A_82 = tpu.memref_slice %arg5[%add3A, %max3A_54, %dma_wait3A_80, %dma_wait3A_81] : memref<32x128x128x3xi32, #tpu.memory_space<hbm>> -> memref<1x8x128x3xi32, #tpu.memory_space<hbm>>
      %dma_wait3A_83 = tpu.memref_squeeze %dma_wait3A_82 : memref<1x8x128x3xi32, #tpu.memory_space<hbm>> -> memref<8x128x3xi32, #tpu.memory_space<hbm>>
      %dma_wait3A_84 = arith.constant 0 : i32
      %dma_wait3A_85 = arith.constant 0 : i32
      %dma_wait3A_86 = tpu.memref_slice %arg5[%add3A, %max3A_54, %dma_wait3A_84, %dma_wait3A_85] : memref<32x128x128x3xi32, #tpu.memory_space<hbm>> -> memref<1x8x128x3xi32, #tpu.memory_space<hbm>>
      %dma_wait3A_87 = tpu.memref_squeeze %dma_wait3A_86 : memref<1x8x128x3xi32, #tpu.memory_space<hbm>> -> memref<8x128x3xi32, #tpu.memory_space<hbm>>
      tpu.wait_dma2 semaphore(%arg14 : memref<!tpu.dma_semaphore, #tpu.memory_space<semaphore_mem>>) src(%dma_wait3A_87 : memref<8x128x3xi32, #tpu.memory_space<hbm>>) dst(%arg11 : memref<8x128x3xi32, #tpu.memory_space<vmem>>)
      %dma_wait3A_88 = arith.constant 0 : i32
      %dma_wait3A_89 = tpu.memref_slice %arg6[%add3A, %min3A_51, %dma_wait3A_88] : memref<32x129x144xf32, #tpu.memory_space<hbm>> -> memref<1x8x144xf32, #tpu.memory_space<hbm>>
      %dma_wait3A_90 = tpu.memref_squeeze %dma_wait3A_89 : memref<1x8x144xf32, #tpu.memory_space<hbm>> -> memref<8x144xf32, #tpu.memory_space<hbm>>
      %dma_wait3A_91 = arith.constant 0 : i32
      %dma_wait3A_92 = tpu.memref_slice %arg6[%add3A, %min3A_51, %dma_wait3A_91] : memref<32x129x144xf32, #tpu.memory_space<hbm>> -> memref<1x8x144xf32, #tpu.memory_space<hbm>>
      %dma_wait3A_93 = tpu.memref_squeeze %dma_wait3A_92 : memref<1x8x144xf32, #tpu.memory_space<hbm>> -> memref<8x144xf32, #tpu.memory_space<hbm>>
      tpu.wait_dma2 semaphore(%arg14 : memref<!tpu.dma_semaphore, #tpu.memory_space<semaphore_mem>>) src(%dma_wait3A_93 : memref<8x144xf32, #tpu.memory_space<hbm>>) dst(%arg12 : memref<8x144xf32, #tpu.memory_space<vmem>>)
      %ge3A = arith.constant 2 : i32
      %ge3A_94 = arith.cmpi sge, %scan3A_48, %ge3A : i32
      %convert_element_type3A = arith.extui %ge3A_94 : i1 to i32
      %cond3A = arith.constant 0 : i32
      %cond3A_95 = arith.cmpi ne, %convert_element_type3A, %cond3A : i32
      scf.if %cond3A_95 {
        %dma_wait3A_120 = arith.constant 0 : i32
        %dma_wait3A_121 = arith.constant 0 : i32
        %dma_wait3A_122 = arith.constant 0 : i32
        %dma_wait3A_123 = tpu.memref_slice %arg13[%and3A_52, %dma_wait3A_120, %dma_wait3A_121, %dma_wait3A_122] : memref<2x32x8x129xf32, #tpu.memory_space<vmem>> -> memref<1x32x8x129xf32, #tpu.memory_space<vmem>>
        %dma_wait3A_124 = tpu.memref_squeeze %dma_wait3A_123 : memref<1x32x8x129xf32, #tpu.memory_space<vmem>> -> memref<32x8x129xf32, #tpu.memory_space<vmem>>
        %dma_wait3A_125 = arith.constant 0 : i32
        %dma_wait3A_126 = arith.constant 0 : i32
        %dma_wait3A_127 = arith.constant 0 : i32
        %dma_wait3A_128 = tpu.memref_slice %arg7[%add3A, %dma_wait3A_125, %dma_wait3A_126, %dma_wait3A_127] : memref<32x32x129x129xf32, #tpu.memory_space<hbm>> -> memref<1x32x8x129xf32, #tpu.memory_space<hbm>>
        %dma_wait3A_129 = tpu.memref_squeeze %dma_wait3A_128 : memref<1x32x8x129xf32, #tpu.memory_space<hbm>> -> memref<32x8x129xf32, #tpu.memory_space<hbm>>
        %dma_wait3A_130 = arith.constant 0 : i32
        %dma_wait3A_131 = arith.constant 0 : i32
        %dma_wait3A_132 = arith.constant 0 : i32
        %dma_wait3A_133 = tpu.memref_slice %arg13[%and3A_52, %dma_wait3A_130, %dma_wait3A_131, %dma_wait3A_132] : memref<2x32x8x129xf32, #tpu.memory_space<vmem>> -> memref<1x32x8x129xf32, #tpu.memory_space<vmem>>
        %dma_wait3A_134 = tpu.memref_squeeze %dma_wait3A_133 : memref<1x32x8x129xf32, #tpu.memory_space<vmem>> -> memref<32x8x129xf32, #tpu.memory_space<vmem>>
        %dma_wait3A_135 = arith.constant 0 : i32
        %dma_wait3A_136 = arith.constant 0 : i32
        %dma_wait3A_137 = arith.constant 0 : i32
        %dma_wait3A_138 = tpu.memref_slice %arg7[%add3A, %dma_wait3A_135, %dma_wait3A_136, %dma_wait3A_137] : memref<32x32x129x129xf32, #tpu.memory_space<hbm>> -> memref<1x32x8x129xf32, #tpu.memory_space<hbm>>
        %dma_wait3A_139 = tpu.memref_squeeze %dma_wait3A_138 : memref<1x32x8x129xf32, #tpu.memory_space<hbm>> -> memref<32x8x129xf32, #tpu.memory_space<hbm>>
        tpu.wait_dma2 semaphore(%arg15 : memref<!tpu.dma_semaphore, #tpu.memory_space<semaphore_mem>>) src(%dma_wait3A_139 : memref<32x8x129xf32, #tpu.memory_space<hbm>>) dst(%dma_wait3A_134 : memref<32x8x129xf32, #tpu.memory_space<vmem>>)
      } else {
      }
      %scan3A_96 = arith.constant 0 : i32
      %scan3A_97 = arith.constant 0 : i32
      %scan3A_98 = arith.constant 8 : i32
      %scan3A_99 = arith.addi %scan3A_97, %scan3A_98 : i32
      %scan3A_100 = arith.constant 1 : i32
      scf.for %scan3A_120 = %scan3A_97 to %scan3A_99 step %scan3A_100  : i32 {
        %add3A_121 = arith.addi %min3A_51, %scan3A_120 : i32
        %eq3A = arith.constant 0 : i32
        %eq3A_122 = arith.cmpi eq, %add3A_121, %eq3A : i32
        %broadcast_in_dim3A_123 = vector.broadcast %eq3A_122 : i1 to vector<16xi1>
        %broadcast_in_dim3A_124 = arith.constant 0 : i32
        %broadcast_in_dim3A_125 = vector.broadcast %broadcast_in_dim3A_124 : i32 to vector<16xi32>
        %add3A_126 = arith.addi %min3A_51, %scan3A_120 : i32
        %sub3A_127 = arith.constant 1 : i32
        %sub3A_128 = arith.subi %add3A_126, %sub3A_127 : i32
        %sub3A_129 = arith.subi %sub3A_128, %max3A_54 : i32
        %max3A_130 = arith.constant 0 : i32
        %max3A_131 = arith.maxsi %sub3A_129, %max3A_130 : i32
        %add3A_132 = vector.broadcast %max3A_131 : i32 to vector<16xi32>
        %add3A_133 = arith.addi %broadcast_in_dim3A_125, %add3A_132 : vector<16xi32>
        %add3A_134 = arith.constant 0 : i32
        %add3A_135 = vector.broadcast %add3A_134 : i32 to vector<16xi32>
        %add3A_136 = arith.addi %iota3A, %add3A_135 : vector<16xi32>
        %sub3A_137 = arith.constant 1 : i32
        %sub3A_138 = vector.broadcast %sub3A_137 : i32 to vector<16xi32>
        %sub3A_139 = arith.subi %add3A_136, %sub3A_138 : vector<16xi32>
        %max3A_140 = arith.constant 0 : i32
        %max3A_141 = vector.broadcast %max3A_140 : i32 to vector<16xi32>
        %max3A_142 = arith.maxsi %sub3A_139, %max3A_141 : vector<16xi32>
        %eq3A_143 = arith.constant 0 : i32
        %eq3A_144 = vector.broadcast %eq3A_143 : i32 to vector<16xi32>
        %eq3A_145 = arith.cmpi eq, %add3A_136, %eq3A_144 : vector<16xi32>
        %or3A = arith.ori %eq3A_145, %broadcast_in_dim3A_123 : vector<16xi1>
        %gather3A = tpu.vector_load_idx %arg10[%add3A_133, %max3A_142] : memref<8x128xi32, #tpu.memory_space<vmem>>[vector<16xi32>, vector<16xi32>], vector<16xi32>,
        %jit3A = arith.constant 512 : i32
        %broadcast_in_dim3A_146 = vector.broadcast %jit3A : i32 to vector<16xi32>
        %select_n3A = arith.select %or3A, %broadcast_in_dim3A_146, %gather3A : vector<16xi1>, vector<16xi32>
        %jit3A_147 = arith.constant 0 : i32
        %jit3A_148 = arith.constant 512 : i32
        %max3A_149 = vector.broadcast %jit3A_147 : i32 to vector<16xi32>
        %max3A_150 = arith.maxsi %max3A_149, %select_n3A : vector<16xi32>
        %min3A_151 = vector.broadcast %jit3A_148 : i32 to vector<16xi32>
        %min3A_152 = arith.minsi %min3A_151, %max3A_150 : vector<16xi32>
        %mul3A_153 = arith.constant 17 : i32
        %mul3A_154 = vector.broadcast %mul3A_153 : i32 to vector<16xi32>
        %mul3A_155 = arith.muli %min3A_152, %mul3A_154 : vector<16xi32>
        %broadcast_in_dim3A_156 = arith.constant 0 : i32
        %broadcast_in_dim3A_157 = vector.broadcast %broadcast_in_dim3A_156 : i32 to vector<16xi32>
        %gather3A_158 = tpu.vector_load_idx %arg11[%add3A_133, %max3A_142, %broadcast_in_dim3A_157] : memref<8x128x3xi32, #tpu.memory_space<vmem>>[vector<16xi32>, vector<16xi32>, vector<16xi32>], vector<16xi32>,
        %jit3A_159 = arith.constant 1537 : i32
        %broadcast_in_dim3A_160 = vector.broadcast %jit3A_159 : i32 to vector<16xi32>
        %select_n3A_161 = arith.select %or3A, %broadcast_in_dim3A_160, %gather3A_158 : vector<16xi1>, vector<16xi32>
        %broadcast_in_dim3A_162 = arith.constant 1 : i32
        %broadcast_in_dim3A_163 = vector.broadcast %broadcast_in_dim3A_162 : i32 to vector<16xi32>
        %gather3A_164 = tpu.vector_load_idx %arg11[%add3A_133, %max3A_142, %broadcast_in_dim3A_163] : memref<8x128x3xi32, #tpu.memory_space<vmem>>[vector<16xi32>, vector<16xi32>, vector<16xi32>], vector<16xi32>,
        %jit3A_165 = arith.constant 1537 : i32
        %broadcast_in_dim3A_166 = vector.broadcast %jit3A_165 : i32 to vector<16xi32>
        %select_n3A_167 = arith.select %or3A, %broadcast_in_dim3A_166, %gather3A_164 : vector<16xi1>, vector<16xi32>
        %broadcast_in_dim3A_168 = arith.constant 2 : i32
        %broadcast_in_dim3A_169 = vector.broadcast %broadcast_in_dim3A_168 : i32 to vector<16xi32>
        %gather3A_170 = tpu.vector_load_idx %arg11[%add3A_133, %max3A_142, %broadcast_in_dim3A_169] : memref<8x128x3xi32, #tpu.memory_space<vmem>>[vector<16xi32>, vector<16xi32>, vector<16xi32>], vector<16xi32>,
        %jit3A_171 = arith.constant 1537 : i32
        %broadcast_in_dim3A_172 = vector.broadcast %jit3A_171 : i32 to vector<16xi32>
        %select_n3A_173 = arith.select %or3A, %broadcast_in_dim3A_172, %gather3A_170 : vector<16xi1>, vector<16xi32>
        %jit3A_174 = arith.constant 0 : i32
        %jit3A_175 = arith.constant 1537 : i32
        %max3A_176 = vector.broadcast %jit3A_174 : i32 to vector<16xi32>
        %max3A_177 = arith.maxsi %max3A_176, %select_n3A_161 : vector<16xi32>
        %min3A_178 = vector.broadcast %jit3A_175 : i32 to vector<16xi32>
        %min3A_179 = arith.minsi %min3A_178, %max3A_177 : vector<16xi32>
        %mul3A_180 = arith.constant 17 : i32
        %mul3A_181 = vector.broadcast %mul3A_180 : i32 to vector<16xi32>
        %mul3A_182 = arith.muli %min3A_179, %mul3A_181 : vector<16xi32>
        %jit3A_183 = arith.constant 0 : i32
        %jit3A_184 = arith.constant 1537 : i32
        %max3A_185 = vector.broadcast %jit3A_183 : i32 to vector<16xi32>
        %max3A_186 = arith.maxsi %max3A_185, %select_n3A_167 : vector<16xi32>
        %min3A_187 = vector.broadcast %jit3A_184 : i32 to vector<16xi32>
        %min3A_188 = arith.minsi %min3A_187, %max3A_186 : vector<16xi32>
        %mul3A_189 = arith.constant 17 : i32
        %mul3A_190 = vector.broadcast %mul3A_189 : i32 to vector<16xi32>
        %mul3A_191 = arith.muli %min3A_188, %mul3A_190 : vector<16xi32>
        %jit3A_192 = arith.constant 0 : i32
        %jit3A_193 = arith.constant 1537 : i32
        %max3A_194 = vector.broadcast %jit3A_192 : i32 to vector<16xi32>
        %max3A_195 = arith.maxsi %max3A_194, %select_n3A_173 : vector<16xi32>
        %min3A_196 = vector.broadcast %jit3A_193 : i32 to vector<16xi32>
        %min3A_197 = arith.minsi %min3A_196, %max3A_195 : vector<16xi32>
        %mul3A_198 = arith.constant 17 : i32
        %mul3A_199 = vector.broadcast %mul3A_198 : i32 to vector<16xi32>
        %mul3A_200 = arith.muli %min3A_197, %mul3A_199 : vector<16xi32>
        %get3A = arith.index_cast %scan3A_120 : i32 to index
        %get3A_201 = arith.constant 0 : index
        %get3A_202 = tpu.vector_load %arg12[%get3A, %get3A_201] {strides = array<i32>} : memref<8x144xf32, #tpu.memory_space<vmem>>, vector<16xf32>,
        %parallel_loop3A = arith.constant 0 : i32
        %parallel_loop3A_203 = arith.constant 16 : i32
        %parallel_loop3A_204 = arith.constant 1 : i32
        scf.for %parallel_loop3A_853 = %parallel_loop3A to %parallel_loop3A_203 step %parallel_loop3A_204  : i32 {
          %parallel_loop3A_854 = vector.broadcast %parallel_loop3A_853 : i32 to vector<16xi32>
          %parallel_loop3A_855 = arith.addi %mul3A_155, %parallel_loop3A_854 : vector<16xi32>
          %parallel_loop3A_856 = tpu.vector_load_idx %arg8[%parallel_loop3A_855] : memref<8721xi32, #tpu.memory_space<vmem>>[vector<16xi32>], vector<16xi32>,
          %parallel_loop3A_857 = vector.bitcast %parallel_loop3A_856 : vector<16xi32> to vector<32xbf16>
          %parallel_loop3A_858 = tpu.unpack_subelements %parallel_loop3A_857, 0 {pack_format = #tpu.pack_format<interleaved>} : vector<32xbf16> -> vector<16xf32>
          %parallel_loop3A_859 = tpu.unpack_subelements %parallel_loop3A_857, 1 {pack_format = #tpu.pack_format<interleaved>} : vector<32xbf16> -> vector<16xf32>
          %parallel_loop3A_860 = vector.broadcast %parallel_loop3A_853 : i32 to vector<16xi32>
          %parallel_loop3A_861 = arith.addi %mul3A_182, %parallel_loop3A_860 : vector<16xi32>
          %parallel_loop3A_862 = tpu.vector_load_idx %arg9[%parallel_loop3A_861] : memref<26146xi32, #tpu.memory_space<vmem>>[vector<16xi32>], vector<16xi32>,
          %parallel_loop3A_863 = vector.bitcast %parallel_loop3A_862 : vector<16xi32> to vector<32xbf16>
          %parallel_loop3A_864 = tpu.unpack_subelements %parallel_loop3A_863, 0 {pack_format = #tpu.pack_format<interleaved>} : vector<32xbf16> -> vector<16xf32>
          %parallel_loop3A_865 = tpu.unpack_subelements %parallel_loop3A_863, 1 {pack_format = #tpu.pack_format<interleaved>} : vector<32xbf16> -> vector<16xf32>
          %parallel_loop3A_866 = vector.broadcast %parallel_loop3A_853 : i32 to vector<16xi32>
          %parallel_loop3A_867 = arith.addi %mul3A_191, %parallel_loop3A_866 : vector<16xi32>
          %parallel_loop3A_868 = tpu.vector_load_idx %arg9[%parallel_loop3A_867] : memref<26146xi32, #tpu.memory_space<vmem>>[vector<16xi32>], vector<16xi32>,
          %parallel_loop3A_869 = vector.bitcast %parallel_loop3A_868 : vector<16xi32> to vector<32xbf16>
          %parallel_loop3A_870 = tpu.unpack_subelements %parallel_loop3A_869, 0 {pack_format = #tpu.pack_format<interleaved>} : vector<32xbf16> -> vector<16xf32>
          %parallel_loop3A_871 = tpu.unpack_subelements %parallel_loop3A_869, 1 {pack_format = #tpu.pack_format<interleaved>} : vector<32xbf16> -> vector<16xf32>
          %parallel_loop3A_872 = vector.broadcast %parallel_loop3A_853 : i32 to vector<16xi32>
          %parallel_loop3A_873 = arith.addi %mul3A_200, %parallel_loop3A_872 : vector<16xi32>
          %parallel_loop3A_874 = tpu.vector_load_idx %arg9[%parallel_loop3A_873] : memref<26146xi32, #tpu.memory_space<vmem>>[vector<16xi32>], vector<16xi32>,
          %parallel_loop3A_875 = vector.bitcast %parallel_loop3A_874 : vector<16xi32> to vector<32xbf16>
          %parallel_loop3A_876 = tpu.unpack_subelements %parallel_loop3A_875, 0 {pack_format = #tpu.pack_format<interleaved>} : vector<32xbf16> -> vector<16xf32>
          %parallel_loop3A_877 = tpu.unpack_subelements %parallel_loop3A_875, 1 {pack_format = #tpu.pack_format<interleaved>} : vector<32xbf16> -> vector<16xf32>
          %parallel_loop3A_878 = arith.addf %get3A_202, %parallel_loop3A_858 : vector<16xf32>
          %parallel_loop3A_879 = arith.addf %parallel_loop3A_864, %parallel_loop3A_870 : vector<16xf32>
          %parallel_loop3A_880 = arith.addf %parallel_loop3A_879, %parallel_loop3A_876 : vector<16xf32>
          %parallel_loop3A_881 = arith.constant 0.333333343 : f32
          %parallel_loop3A_882 = vector.broadcast %parallel_loop3A_881 : f32 to vector<16xf32>
          %parallel_loop3A_883 = arith.mulf %parallel_loop3A_880, %parallel_loop3A_882 : vector<16xf32>
          %parallel_loop3A_884 = arith.addf %parallel_loop3A_878, %parallel_loop3A_883 : vector<16xf32>
          %parallel_loop3A_885 = arith.constant 0 : i32
          %parallel_loop3A_886 = arith.constant 0 : i32
          %parallel_loop3A_887 = arith.constant 0 : i32
          %parallel_loop3A_888 = tpu.memref_slice %arg13[%and3A_52, %parallel_loop3A_885, %parallel_loop3A_886, %parallel_loop3A_887] : memref<2x32x8x129xf32, #tpu.memory_space<vmem>> -> memref<1x32x8x129xf32, #tpu.memory_space<vmem>>
          %parallel_loop3A_889 = tpu.memref_squeeze %parallel_loop3A_888 : memref<1x32x8x129xf32, #tpu.memory_space<vmem>> -> memref<32x8x129xf32, #tpu.memory_space<vmem>>
          %parallel_loop3A_890 = arith.index_cast %parallel_loop3A_853 : i32 to index
          %parallel_loop3A_891 = arith.index_cast %scan3A_120 : i32 to index
          %parallel_loop3A_892 = arith.constant 0 : index
          %parallel_loop3A_893 = tpu.vector_load %parallel_loop3A_889[%parallel_loop3A_890, %parallel_loop3A_891, %parallel_loop3A_892] {strides = array<i32>} : memref<32x8x129xf32, #tpu.memory_space<vmem>>, vector<16xf32>,
          tpu.vector_store %parallel_loop3A_889[%parallel_loop3A_890, %parallel_loop3A_891, %parallel_loop3A_892], %parallel_loop3A_884 {strides = array<i32>} : memref<32x8x129xf32, #tpu.memory_space<vmem>>, vector<16xf32>,
          %parallel_loop3A_894 = arith.addf %get3A_202, %parallel_loop3A_859 : vector<16xf32>
          %parallel_loop3A_895 = arith.addf %parallel_loop3A_865, %parallel_loop3A_871 : vector<16xf32>
          %parallel_loop3A_896 = arith.addf %parallel_loop3A_895, %parallel_loop3A_877 : vector<16xf32>
          %parallel_loop3A_897 = arith.constant 0.333333343 : f32
          %parallel_loop3A_898 = vector.broadcast %parallel_loop3A_897 : f32 to vector<16xf32>
          %parallel_loop3A_899 = arith.mulf %parallel_loop3A_896, %parallel_loop3A_898 : vector<16xf32>
          %parallel_loop3A_900 = arith.addf %parallel_loop3A_894, %parallel_loop3A_899 : vector<16xf32>
          %parallel_loop3A_901 = arith.constant 16 : i32
          %parallel_loop3A_902 = arith.addi %parallel_loop3A_853, %parallel_loop3A_901 : i32
          %parallel_loop3A_903 = arith.constant 0 : i32
          %parallel_loop3A_904 = arith.constant 0 : i32
          %parallel_loop3A_905 = arith.constant 0 : i32
          %parallel_loop3A_906 = tpu.memref_slice %arg13[%and3A_52, %parallel_loop3A_903, %parallel_loop3A_904, %parallel_loop3A_905] : memref<2x32x8x129xf32, #tpu.memory_space<vmem>> -> memref<1x32x8x129xf32, #tpu.memory_space<vmem>>
          %parallel_loop3A_907 = tpu.memref_squeeze %parallel_loop3A_906 : memref<1x32x8x129xf32, #tpu.memory_space<vmem>> -> memref<32x8x129xf32, #tpu.memory_space<vmem>>
          %parallel_loop3A_908 = arith.index_cast %parallel_loop3A_902 : i32 to index
          %parallel_loop3A_909 = arith.index_cast %scan3A_120 : i32 to index
          %parallel_loop3A_910 = arith.constant 0 : index
          %parallel_loop3A_911 = tpu.vector_load %parallel_loop3A_907[%parallel_loop3A_908, %parallel_loop3A_909, %parallel_loop3A_910] {strides = array<i32>} : memref<32x8x129xf32, #tpu.memory_space<vmem>>, vector<16xf32>,
          tpu.vector_store %parallel_loop3A_907[%parallel_loop3A_908, %parallel_loop3A_909, %parallel_loop3A_910], %parallel_loop3A_900 {strides = array<i32>} : memref<32x8x129xf32, #tpu.memory_space<vmem>>, vector<16xf32>,
        } {sc.loop_unroll_factor = 4 : i64, sc.parallel_access}
        %add3A_205 = arith.constant 16 : i32
        %add3A_206 = vector.broadcast %add3A_205 : i32 to vector<16xi32>
        %add3A_207 = arith.addi %iota3A, %add3A_206 : vector<16xi32>
        %sub3A_208 = arith.constant 1 : i32
        %sub3A_209 = vector.broadcast %sub3A_208 : i32 to vector<16xi32>
        %sub3A_210 = arith.subi %add3A_207, %sub3A_209 : vector<16xi32>
        %max3A_211 = arith.constant 0 : i32
        %max3A_212 = vector.broadcast %max3A_211 : i32 to vector<16xi32>
        %max3A_213 = arith.maxsi %sub3A_210, %max3A_212 : vector<16xi32>
        %eq3A_214 = arith.constant 0 : i32
        %eq3A_215 = vector.broadcast %eq3A_214 : i32 to vector<16xi32>
        %eq3A_216 = arith.cmpi eq, %add3A_207, %eq3A_215 : vector<16xi32>
        %or3A_217 = arith.ori %eq3A_216, %broadcast_in_dim3A_123 : vector<16xi1>
        %gather3A_218 = tpu.vector_load_idx %arg10[%add3A_133, %max3A_213] : memref<8x128xi32, #tpu.memory_space<vmem>>[vector<16xi32>, vector<16xi32>], vector<16xi32>,
        %jit3A_219 = arith.constant 512 : i32
        %broadcast_in_dim3A_220 = vector.broadcast %jit3A_219 : i32 to vector<16xi32>
        %select_n3A_221 = arith.select %or3A_217, %broadcast_in_dim3A_220, %gather3A_218 : vector<16xi1>, vector<16xi32>
        %jit3A_222 = arith.constant 0 : i32
        %jit3A_223 = arith.constant 512 : i32
        %max3A_224 = vector.broadcast %jit3A_222 : i32 to vector<16xi32>
        %max3A_225 = arith.maxsi %max3A_224, %select_n3A_221 : vector<16xi32>
        %min3A_226 = vector.broadcast %jit3A_223 : i32 to vector<16xi32>
        %min3A_227 = arith.minsi %min3A_226, %max3A_225 : vector<16xi32>
        %mul3A_228 = arith.constant 17 : i32
        %mul3A_229 = vector.broadcast %mul3A_228 : i32 to vector<16xi32>
        %mul3A_230 = arith.muli %min3A_227, %mul3A_229 : vector<16xi32>
        %broadcast_in_dim3A_231 = arith.constant 0 : i32
        %broadcast_in_dim3A_232 = vector.broadcast %broadcast_in_dim3A_231 : i32 to vector<16xi32>
        %gather3A_233 = tpu.vector_load_idx %arg11[%add3A_133, %max3A_213, %broadcast_in_dim3A_232] : memref<8x128x3xi32, #tpu.memory_space<vmem>>[vector<16xi32>, vector<16xi32>, vector<16xi32>], vector<16xi32>,
        %jit3A_234 = arith.constant 1537 : i32
        %broadcast_in_dim3A_235 = vector.broadcast %jit3A_234 : i32 to vector<16xi32>
        %select_n3A_236 = arith.select %or3A_217, %broadcast_in_dim3A_235, %gather3A_233 : vector<16xi1>, vector<16xi32>
        %broadcast_in_dim3A_237 = arith.constant 1 : i32
        %broadcast_in_dim3A_238 = vector.broadcast %broadcast_in_dim3A_237 : i32 to vector<16xi32>
        %gather3A_239 = tpu.vector_load_idx %arg11[%add3A_133, %max3A_213, %broadcast_in_dim3A_238] : memref<8x128x3xi32, #tpu.memory_space<vmem>>[vector<16xi32>, vector<16xi32>, vector<16xi32>], vector<16xi32>,
        %jit3A_240 = arith.constant 1537 : i32
        %broadcast_in_dim3A_241 = vector.broadcast %jit3A_240 : i32 to vector<16xi32>
        %select_n3A_242 = arith.select %or3A_217, %broadcast_in_dim3A_241, %gather3A_239 : vector<16xi1>, vector<16xi32>
        %broadcast_in_dim3A_243 = arith.constant 2 : i32
        %broadcast_in_dim3A_244 = vector.broadcast %broadcast_in_dim3A_243 : i32 to vector<16xi32>
        %gather3A_245 = tpu.vector_load_idx %arg11[%add3A_133, %max3A_213, %broadcast_in_dim3A_244] : memref<8x128x3xi32, #tpu.memory_space<vmem>>[vector<16xi32>, vector<16xi32>, vector<16xi32>], vector<16xi32>,
        %jit3A_246 = arith.constant 1537 : i32
        %broadcast_in_dim3A_247 = vector.broadcast %jit3A_246 : i32 to vector<16xi32>
        %select_n3A_248 = arith.select %or3A_217, %broadcast_in_dim3A_247, %gather3A_245 : vector<16xi1>, vector<16xi32>
        %jit3A_249 = arith.constant 0 : i32
        %jit3A_250 = arith.constant 1537 : i32
        %max3A_251 = vector.broadcast %jit3A_249 : i32 to vector<16xi32>
        %max3A_252 = arith.maxsi %max3A_251, %select_n3A_236 : vector<16xi32>
        %min3A_253 = vector.broadcast %jit3A_250 : i32 to vector<16xi32>
        %min3A_254 = arith.minsi %min3A_253, %max3A_252 : vector<16xi32>
        %mul3A_255 = arith.constant 17 : i32
        %mul3A_256 = vector.broadcast %mul3A_255 : i32 to vector<16xi32>
        %mul3A_257 = arith.muli %min3A_254, %mul3A_256 : vector<16xi32>
        %jit3A_258 = arith.constant 0 : i32
        %jit3A_259 = arith.constant 1537 : i32
        %max3A_260 = vector.broadcast %jit3A_258 : i32 to vector<16xi32>
        %max3A_261 = arith.maxsi %max3A_260, %select_n3A_242 : vector<16xi32>
        %min3A_262 = vector.broadcast %jit3A_259 : i32 to vector<16xi32>
        %min3A_263 = arith.minsi %min3A_262, %max3A_261 : vector<16xi32>
        %mul3A_264 = arith.constant 17 : i32
        %mul3A_265 = vector.broadcast %mul3A_264 : i32 to vector<16xi32>
        %mul3A_266 = arith.muli %min3A_263, %mul3A_265 : vector<16xi32>
        %jit3A_267 = arith.constant 0 : i32
        %jit3A_268 = arith.constant 1537 : i32
        %max3A_269 = vector.broadcast %jit3A_267 : i32 to vector<16xi32>
        %max3A_270 = arith.maxsi %max3A_269, %select_n3A_248 : vector<16xi32>
        %min3A_271 = vector.broadcast %jit3A_268 : i32 to vector<16xi32>
        %min3A_272 = arith.minsi %min3A_271, %max3A_270 : vector<16xi32>
        %mul3A_273 = arith.constant 17 : i32
        %mul3A_274 = vector.broadcast %mul3A_273 : i32 to vector<16xi32>
        %mul3A_275 = arith.muli %min3A_272, %mul3A_274 : vector<16xi32>
        %get3A_276 = arith.index_cast %scan3A_120 : i32 to index
        %get3A_277 = arith.constant 16 : index
        %get3A_278 = tpu.vector_load %arg12[%get3A_276, %get3A_277] {strides = array<i32>} : memref<8x144xf32, #tpu.memory_space<vmem>>, vector<16xf32>,
        %parallel_loop3A_279 = arith.constant 0 : i32
        %parallel_loop3A_280 = arith.constant 16 : i32
        %parallel_loop3A_281 = arith.constant 1 : i32
        scf.for %parallel_loop3A_853 = %parallel_loop3A_279 to %parallel_loop3A_280 step %parallel_loop3A_281  : i32 {
          %parallel_loop3A_854 = vector.broadcast %parallel_loop3A_853 : i32 to vector<16xi32>
          %parallel_loop3A_855 = arith.addi %mul3A_230, %parallel_loop3A_854 : vector<16xi32>
          %parallel_loop3A_856 = tpu.vector_load_idx %arg8[%parallel_loop3A_855] : memref<8721xi32, #tpu.memory_space<vmem>>[vector<16xi32>], vector<16xi32>,
          %parallel_loop3A_857 = vector.bitcast %parallel_loop3A_856 : vector<16xi32> to vector<32xbf16>
          %parallel_loop3A_858 = tpu.unpack_subelements %parallel_loop3A_857, 0 {pack_format = #tpu.pack_format<interleaved>} : vector<32xbf16> -> vector<16xf32>
          %parallel_loop3A_859 = tpu.unpack_subelements %parallel_loop3A_857, 1 {pack_format = #tpu.pack_format<interleaved>} : vector<32xbf16> -> vector<16xf32>
          %parallel_loop3A_860 = vector.broadcast %parallel_loop3A_853 : i32 to vector<16xi32>
          %parallel_loop3A_861 = arith.addi %mul3A_257, %parallel_loop3A_860 : vector<16xi32>
          %parallel_loop3A_862 = tpu.vector_load_idx %arg9[%parallel_loop3A_861] : memref<26146xi32, #tpu.memory_space<vmem>>[vector<16xi32>], vector<16xi32>,
          %parallel_loop3A_863 = vector.bitcast %parallel_loop3A_862 : vector<16xi32> to vector<32xbf16>
          %parallel_loop3A_864 = tpu.unpack_subelements %parallel_loop3A_863, 0 {pack_format = #tpu.pack_format<interleaved>} : vector<32xbf16> -> vector<16xf32>
          %parallel_loop3A_865 = tpu.unpack_subelements %parallel_loop3A_863, 1 {pack_format = #tpu.pack_format<interleaved>} : vector<32xbf16> -> vector<16xf32>
          %parallel_loop3A_866 = vector.broadcast %parallel_loop3A_853 : i32 to vector<16xi32>
          %parallel_loop3A_867 = arith.addi %mul3A_266, %parallel_loop3A_866 : vector<16xi32>
          %parallel_loop3A_868 = tpu.vector_load_idx %arg9[%parallel_loop3A_867] : memref<26146xi32, #tpu.memory_space<vmem>>[vector<16xi32>], vector<16xi32>,
          %parallel_loop3A_869 = vector.bitcast %parallel_loop3A_868 : vector<16xi32> to vector<32xbf16>
          %parallel_loop3A_870 = tpu.unpack_subelements %parallel_loop3A_869, 0 {pack_format = #tpu.pack_format<interleaved>} : vector<32xbf16> -> vector<16xf32>
          %parallel_loop3A_871 = tpu.unpack_subelements %parallel_loop3A_869, 1 {pack_format = #tpu.pack_format<interleaved>} : vector<32xbf16> -> vector<16xf32>
          %parallel_loop3A_872 = vector.broadcast %parallel_loop3A_853 : i32 to vector<16xi32>
          %parallel_loop3A_873 = arith.addi %mul3A_275, %parallel_loop3A_872 : vector<16xi32>
          %parallel_loop3A_874 = tpu.vector_load_idx %arg9[%parallel_loop3A_873] : memref<26146xi32, #tpu.memory_space<vmem>>[vector<16xi32>], vector<16xi32>,
          %parallel_loop3A_875 = vector.bitcast %parallel_loop3A_874 : vector<16xi32> to vector<32xbf16>
          %parallel_loop3A_876 = tpu.unpack_subelements %parallel_loop3A_875, 0 {pack_format = #tpu.pack_format<interleaved>} : vector<32xbf16> -> vector<16xf32>
          %parallel_loop3A_877 = tpu.unpack_subelements %parallel_loop3A_875, 1 {pack_format = #tpu.pack_format<interleaved>} : vector<32xbf16> -> vector<16xf32>
          %parallel_loop3A_878 = arith.addf %get3A_278, %parallel_loop3A_858 : vector<16xf32>
          %parallel_loop3A_879 = arith.addf %parallel_loop3A_864, %parallel_loop3A_870 : vector<16xf32>
          %parallel_loop3A_880 = arith.addf %parallel_loop3A_879, %parallel_loop3A_876 : vector<16xf32>
          %parallel_loop3A_881 = arith.constant 0.333333343 : f32
          %parallel_loop3A_882 = vector.broadcast %parallel_loop3A_881 : f32 to vector<16xf32>
          %parallel_loop3A_883 = arith.mulf %parallel_loop3A_880, %parallel_loop3A_882 : vector<16xf32>
          %parallel_loop3A_884 = arith.addf %parallel_loop3A_878, %parallel_loop3A_883 : vector<16xf32>
          %parallel_loop3A_885 = arith.constant 0 : i32
          %parallel_loop3A_886 = arith.constant 0 : i32
          %parallel_loop3A_887 = arith.constant 0 : i32
          %parallel_loop3A_888 = tpu.memref_slice %arg13[%and3A_52, %parallel_loop3A_885, %parallel_loop3A_886, %parallel_loop3A_887] : memref<2x32x8x129xf32, #tpu.memory_space<vmem>> -> memref<1x32x8x129xf32, #tpu.memory_space<vmem>>
          %parallel_loop3A_889 = tpu.memref_squeeze %parallel_loop3A_888 : memref<1x32x8x129xf32, #tpu.memory_space<vmem>> -> memref<32x8x129xf32, #tpu.memory_space<vmem>>
          %parallel_loop3A_890 = arith.index_cast %parallel_loop3A_853 : i32 to index
          %parallel_loop3A_891 = arith.index_cast %scan3A_120 : i32 to index
          %parallel_loop3A_892 = arith.constant 16 : index
          %parallel_loop3A_893 = tpu.vector_load %parallel_loop3A_889[%parallel_loop3A_890, %parallel_loop3A_891, %parallel_loop3A_892] {strides = array<i32>} : memref<32x8x129xf32, #tpu.memory_space<vmem>>, vector<16xf32>,
          tpu.vector_store %parallel_loop3A_889[%parallel_loop3A_890, %parallel_loop3A_891, %parallel_loop3A_892], %parallel_loop3A_884 {strides = array<i32>} : memref<32x8x129xf32, #tpu.memory_space<vmem>>, vector<16xf32>,
          %parallel_loop3A_894 = arith.addf %get3A_278, %parallel_loop3A_859 : vector<16xf32>
          %parallel_loop3A_895 = arith.addf %parallel_loop3A_865, %parallel_loop3A_871 : vector<16xf32>
          %parallel_loop3A_896 = arith.addf %parallel_loop3A_895, %parallel_loop3A_877 : vector<16xf32>
          %parallel_loop3A_897 = arith.constant 0.333333343 : f32
          %parallel_loop3A_898 = vector.broadcast %parallel_loop3A_897 : f32 to vector<16xf32>
          %parallel_loop3A_899 = arith.mulf %parallel_loop3A_896, %parallel_loop3A_898 : vector<16xf32>
          %parallel_loop3A_900 = arith.addf %parallel_loop3A_894, %parallel_loop3A_899 : vector<16xf32>
          %parallel_loop3A_901 = arith.constant 16 : i32
          %parallel_loop3A_902 = arith.addi %parallel_loop3A_853, %parallel_loop3A_901 : i32
          %parallel_loop3A_903 = arith.constant 0 : i32
          %parallel_loop3A_904 = arith.constant 0 : i32
          %parallel_loop3A_905 = arith.constant 0 : i32
          %parallel_loop3A_906 = tpu.memref_slice %arg13[%and3A_52, %parallel_loop3A_903, %parallel_loop3A_904, %parallel_loop3A_905] : memref<2x32x8x129xf32, #tpu.memory_space<vmem>> -> memref<1x32x8x129xf32, #tpu.memory_space<vmem>>
          %parallel_loop3A_907 = tpu.memref_squeeze %parallel_loop3A_906 : memref<1x32x8x129xf32, #tpu.memory_space<vmem>> -> memref<32x8x129xf32, #tpu.memory_space<vmem>>
          %parallel_loop3A_908 = arith.index_cast %parallel_loop3A_902 : i32 to index
          %parallel_loop3A_909 = arith.index_cast %scan3A_120 : i32 to index
          %parallel_loop3A_910 = arith.constant 16 : index
          %parallel_loop3A_911 = tpu.vector_load %parallel_loop3A_907[%parallel_loop3A_908, %parallel_loop3A_909, %parallel_loop3A_910] {strides = array<i32>} : memref<32x8x129xf32, #tpu.memory_space<vmem>>, vector<16xf32>,
          tpu.vector_store %parallel_loop3A_907[%parallel_loop3A_908, %parallel_loop3A_909, %parallel_loop3A_910], %parallel_loop3A_900 {strides = array<i32>} : memref<32x8x129xf32, #tpu.memory_space<vmem>>, vector<16xf32>,
        } {sc.loop_unroll_factor = 4 : i64, sc.parallel_access}
        %add3A_282 = arith.constant 32 : i32
        %add3A_283 = vector.broadcast %add3A_282 : i32 to vector<16xi32>
        %add3A_284 = arith.addi %iota3A, %add3A_283 : vector<16xi32>
        %sub3A_285 = arith.constant 1 : i32
        %sub3A_286 = vector.broadcast %sub3A_285 : i32 to vector<16xi32>
        %sub3A_287 = arith.subi %add3A_284, %sub3A_286 : vector<16xi32>
        %max3A_288 = arith.constant 0 : i32
        %max3A_289 = vector.broadcast %max3A_288 : i32 to vector<16xi32>
        %max3A_290 = arith.maxsi %sub3A_287, %max3A_289 : vector<16xi32>
        %eq3A_291 = arith.constant 0 : i32
        %eq3A_292 = vector.broadcast %eq3A_291 : i32 to vector<16xi32>
        %eq3A_293 = arith.cmpi eq, %add3A_284, %eq3A_292 : vector<16xi32>
        %or3A_294 = arith.ori %eq3A_293, %broadcast_in_dim3A_123 : vector<16xi1>
        %gather3A_295 = tpu.vector_load_idx %arg10[%add3A_133, %max3A_290] : memref<8x128xi32, #tpu.memory_space<vmem>>[vector<16xi32>, vector<16xi32>], vector<16xi32>,
        %jit3A_296 = arith.constant 512 : i32
        %broadcast_in_dim3A_297 = vector.broadcast %jit3A_296 : i32 to vector<16xi32>
        %select_n3A_298 = arith.select %or3A_294, %broadcast_in_dim3A_297, %gather3A_295 : vector<16xi1>, vector<16xi32>
        %jit3A_299 = arith.constant 0 : i32
        %jit3A_300 = arith.constant 512 : i32
        %max3A_301 = vector.broadcast %jit3A_299 : i32 to vector<16xi32>
        %max3A_302 = arith.maxsi %max3A_301, %select_n3A_298 : vector<16xi32>
        %min3A_303 = vector.broadcast %jit3A_300 : i32 to vector<16xi32>
        %min3A_304 = arith.minsi %min3A_303, %max3A_302 : vector<16xi32>
        %mul3A_305 = arith.constant 17 : i32
        %mul3A_306 = vector.broadcast %mul3A_305 : i32 to vector<16xi32>
        %mul3A_307 = arith.muli %min3A_304, %mul3A_306 : vector<16xi32>
        %broadcast_in_dim3A_308 = arith.constant 0 : i32
        %broadcast_in_dim3A_309 = vector.broadcast %broadcast_in_dim3A_308 : i32 to vector<16xi32>
        %gather3A_310 = tpu.vector_load_idx %arg11[%add3A_133, %max3A_290, %broadcast_in_dim3A_309] : memref<8x128x3xi32, #tpu.memory_space<vmem>>[vector<16xi32>, vector<16xi32>, vector<16xi32>], vector<16xi32>,
        %jit3A_311 = arith.constant 1537 : i32
        %broadcast_in_dim3A_312 = vector.broadcast %jit3A_311 : i32 to vector<16xi32>
        %select_n3A_313 = arith.select %or3A_294, %broadcast_in_dim3A_312, %gather3A_310 : vector<16xi1>, vector<16xi32>
        %broadcast_in_dim3A_314 = arith.constant 1 : i32
        %broadcast_in_dim3A_315 = vector.broadcast %broadcast_in_dim3A_314 : i32 to vector<16xi32>
        %gather3A_316 = tpu.vector_load_idx %arg11[%add3A_133, %max3A_290, %broadcast_in_dim3A_315] : memref<8x128x3xi32, #tpu.memory_space<vmem>>[vector<16xi32>, vector<16xi32>, vector<16xi32>], vector<16xi32>,
        %jit3A_317 = arith.constant 1537 : i32
        %broadcast_in_dim3A_318 = vector.broadcast %jit3A_317 : i32 to vector<16xi32>
        %select_n3A_319 = arith.select %or3A_294, %broadcast_in_dim3A_318, %gather3A_316 : vector<16xi1>, vector<16xi32>
        %broadcast_in_dim3A_320 = arith.constant 2 : i32
        %broadcast_in_dim3A_321 = vector.broadcast %broadcast_in_dim3A_320 : i32 to vector<16xi32>
        %gather3A_322 = tpu.vector_load_idx %arg11[%add3A_133, %max3A_290, %broadcast_in_dim3A_321] : memref<8x128x3xi32, #tpu.memory_space<vmem>>[vector<16xi32>, vector<16xi32>, vector<16xi32>], vector<16xi32>,
        %jit3A_323 = arith.constant 1537 : i32
        %broadcast_in_dim3A_324 = vector.broadcast %jit3A_323 : i32 to vector<16xi32>
        %select_n3A_325 = arith.select %or3A_294, %broadcast_in_dim3A_324, %gather3A_322 : vector<16xi1>, vector<16xi32>
        %jit3A_326 = arith.constant 0 : i32
        %jit3A_327 = arith.constant 1537 : i32
        %max3A_328 = vector.broadcast %jit3A_326 : i32 to vector<16xi32>
        %max3A_329 = arith.maxsi %max3A_328, %select_n3A_313 : vector<16xi32>
        %min3A_330 = vector.broadcast %jit3A_327 : i32 to vector<16xi32>
        %min3A_331 = arith.minsi %min3A_330, %max3A_329 : vector<16xi32>
        %mul3A_332 = arith.constant 17 : i32
        %mul3A_333 = vector.broadcast %mul3A_332 : i32 to vector<16xi32>
        %mul3A_334 = arith.muli %min3A_331, %mul3A_333 : vector<16xi32>
        %jit3A_335 = arith.constant 0 : i32
        %jit3A_336 = arith.constant 1537 : i32
        %max3A_337 = vector.broadcast %jit3A_335 : i32 to vector<16xi32>
        %max3A_338 = arith.maxsi %max3A_337, %select_n3A_319 : vector<16xi32>
        %min3A_339 = vector.broadcast %jit3A_336 : i32 to vector<16xi32>
        %min3A_340 = arith.minsi %min3A_339, %max3A_338 : vector<16xi32>
        %mul3A_341 = arith.constant 17 : i32
        %mul3A_342 = vector.broadcast %mul3A_341 : i32 to vector<16xi32>
        %mul3A_343 = arith.muli %min3A_340, %mul3A_342 : vector<16xi32>
        %jit3A_344 = arith.constant 0 : i32
        %jit3A_345 = arith.constant 1537 : i32
        %max3A_346 = vector.broadcast %jit3A_344 : i32 to vector<16xi32>
        %max3A_347 = arith.maxsi %max3A_346, %select_n3A_325 : vector<16xi32>
        %min3A_348 = vector.broadcast %jit3A_345 : i32 to vector<16xi32>
        %min3A_349 = arith.minsi %min3A_348, %max3A_347 : vector<16xi32>
        %mul3A_350 = arith.constant 17 : i32
        %mul3A_351 = vector.broadcast %mul3A_350 : i32 to vector<16xi32>
        %mul3A_352 = arith.muli %min3A_349, %mul3A_351 : vector<16xi32>
        %get3A_353 = arith.index_cast %scan3A_120 : i32 to index
        %get3A_354 = arith.constant 32 : index
        %get3A_355 = tpu.vector_load %arg12[%get3A_353, %get3A_354] {strides = array<i32>} : memref<8x144xf32, #tpu.memory_space<vmem>>, vector<16xf32>,
        %parallel_loop3A_356 = arith.constant 0 : i32
        %parallel_loop3A_357 = arith.constant 16 : i32
        %parallel_loop3A_358 = arith.constant 1 : i32
        scf.for %parallel_loop3A_853 = %parallel_loop3A_356 to %parallel_loop3A_357 step %parallel_loop3A_358  : i32 {
          %parallel_loop3A_854 = vector.broadcast %parallel_loop3A_853 : i32 to vector<16xi32>
          %parallel_loop3A_855 = arith.addi %mul3A_307, %parallel_loop3A_854 : vector<16xi32>
          %parallel_loop3A_856 = tpu.vector_load_idx %arg8[%parallel_loop3A_855] : memref<8721xi32, #tpu.memory_space<vmem>>[vector<16xi32>], vector<16xi32>,
          %parallel_loop3A_857 = vector.bitcast %parallel_loop3A_856 : vector<16xi32> to vector<32xbf16>
          %parallel_loop3A_858 = tpu.unpack_subelements %parallel_loop3A_857, 0 {pack_format = #tpu.pack_format<interleaved>} : vector<32xbf16> -> vector<16xf32>
          %parallel_loop3A_859 = tpu.unpack_subelements %parallel_loop3A_857, 1 {pack_format = #tpu.pack_format<interleaved>} : vector<32xbf16> -> vector<16xf32>
          %parallel_loop3A_860 = vector.broadcast %parallel_loop3A_853 : i32 to vector<16xi32>
          %parallel_loop3A_861 = arith.addi %mul3A_334, %parallel_loop3A_860 : vector<16xi32>
          %parallel_loop3A_862 = tpu.vector_load_idx %arg9[%parallel_loop3A_861] : memref<26146xi32, #tpu.memory_space<vmem>>[vector<16xi32>], vector<16xi32>,
          %parallel_loop3A_863 = vector.bitcast %parallel_loop3A_862 : vector<16xi32> to vector<32xbf16>
          %parallel_loop3A_864 = tpu.unpack_subelements %parallel_loop3A_863, 0 {pack_format = #tpu.pack_format<interleaved>} : vector<32xbf16> -> vector<16xf32>
          %parallel_loop3A_865 = tpu.unpack_subelements %parallel_loop3A_863, 1 {pack_format = #tpu.pack_format<interleaved>} : vector<32xbf16> -> vector<16xf32>
          %parallel_loop3A_866 = vector.broadcast %parallel_loop3A_853 : i32 to vector<16xi32>
          %parallel_loop3A_867 = arith.addi %mul3A_343, %parallel_loop3A_866 : vector<16xi32>
          %parallel_loop3A_868 = tpu.vector_load_idx %arg9[%parallel_loop3A_867] : memref<26146xi32, #tpu.memory_space<vmem>>[vector<16xi32>], vector<16xi32>,
          %parallel_loop3A_869 = vector.bitcast %parallel_loop3A_868 : vector<16xi32> to vector<32xbf16>
          %parallel_loop3A_870 = tpu.unpack_subelements %parallel_loop3A_869, 0 {pack_format = #tpu.pack_format<interleaved>} : vector<32xbf16> -> vector<16xf32>
          %parallel_loop3A_871 = tpu.unpack_subelements %parallel_loop3A_869, 1 {pack_format = #tpu.pack_format<interleaved>} : vector<32xbf16> -> vector<16xf32>
          %parallel_loop3A_872 = vector.broadcast %parallel_loop3A_853 : i32 to vector<16xi32>
          %parallel_loop3A_873 = arith.addi %mul3A_352, %parallel_loop3A_872 : vector<16xi32>
          %parallel_loop3A_874 = tpu.vector_load_idx %arg9[%parallel_loop3A_873] : memref<26146xi32, #tpu.memory_space<vmem>>[vector<16xi32>], vector<16xi32>,
          %parallel_loop3A_875 = vector.bitcast %parallel_loop3A_874 : vector<16xi32> to vector<32xbf16>
          %parallel_loop3A_876 = tpu.unpack_subelements %parallel_loop3A_875, 0 {pack_format = #tpu.pack_format<interleaved>} : vector<32xbf16> -> vector<16xf32>
          %parallel_loop3A_877 = tpu.unpack_subelements %parallel_loop3A_875, 1 {pack_format = #tpu.pack_format<interleaved>} : vector<32xbf16> -> vector<16xf32>
          %parallel_loop3A_878 = arith.addf %get3A_355, %parallel_loop3A_858 : vector<16xf32>
          %parallel_loop3A_879 = arith.addf %parallel_loop3A_864, %parallel_loop3A_870 : vector<16xf32>
          %parallel_loop3A_880 = arith.addf %parallel_loop3A_879, %parallel_loop3A_876 : vector<16xf32>
          %parallel_loop3A_881 = arith.constant 0.333333343 : f32
          %parallel_loop3A_882 = vector.broadcast %parallel_loop3A_881 : f32 to vector<16xf32>
          %parallel_loop3A_883 = arith.mulf %parallel_loop3A_880, %parallel_loop3A_882 : vector<16xf32>
          %parallel_loop3A_884 = arith.addf %parallel_loop3A_878, %parallel_loop3A_883 : vector<16xf32>
          %parallel_loop3A_885 = arith.constant 0 : i32
          %parallel_loop3A_886 = arith.constant 0 : i32
          %parallel_loop3A_887 = arith.constant 0 : i32
          %parallel_loop3A_888 = tpu.memref_slice %arg13[%and3A_52, %parallel_loop3A_885, %parallel_loop3A_886, %parallel_loop3A_887] : memref<2x32x8x129xf32, #tpu.memory_space<vmem>> -> memref<1x32x8x129xf32, #tpu.memory_space<vmem>>
          %parallel_loop3A_889 = tpu.memref_squeeze %parallel_loop3A_888 : memref<1x32x8x129xf32, #tpu.memory_space<vmem>> -> memref<32x8x129xf32, #tpu.memory_space<vmem>>
          %parallel_loop3A_890 = arith.index_cast %parallel_loop3A_853 : i32 to index
          %parallel_loop3A_891 = arith.index_cast %scan3A_120 : i32 to index
          %parallel_loop3A_892 = arith.constant 32 : index
          %parallel_loop3A_893 = tpu.vector_load %parallel_loop3A_889[%parallel_loop3A_890, %parallel_loop3A_891, %parallel_loop3A_892] {strides = array<i32>} : memref<32x8x129xf32, #tpu.memory_space<vmem>>, vector<16xf32>,
          tpu.vector_store %parallel_loop3A_889[%parallel_loop3A_890, %parallel_loop3A_891, %parallel_loop3A_892], %parallel_loop3A_884 {strides = array<i32>} : memref<32x8x129xf32, #tpu.memory_space<vmem>>, vector<16xf32>,
          %parallel_loop3A_894 = arith.addf %get3A_355, %parallel_loop3A_859 : vector<16xf32>
          %parallel_loop3A_895 = arith.addf %parallel_loop3A_865, %parallel_loop3A_871 : vector<16xf32>
          %parallel_loop3A_896 = arith.addf %parallel_loop3A_895, %parallel_loop3A_877 : vector<16xf32>
          %parallel_loop3A_897 = arith.constant 0.333333343 : f32
          %parallel_loop3A_898 = vector.broadcast %parallel_loop3A_897 : f32 to vector<16xf32>
          %parallel_loop3A_899 = arith.mulf %parallel_loop3A_896, %parallel_loop3A_898 : vector<16xf32>
          %parallel_loop3A_900 = arith.addf %parallel_loop3A_894, %parallel_loop3A_899 : vector<16xf32>
          %parallel_loop3A_901 = arith.constant 16 : i32
          %parallel_loop3A_902 = arith.addi %parallel_loop3A_853, %parallel_loop3A_901 : i32
          %parallel_loop3A_903 = arith.constant 0 : i32
          %parallel_loop3A_904 = arith.constant 0 : i32
          %parallel_loop3A_905 = arith.constant 0 : i32
          %parallel_loop3A_906 = tpu.memref_slice %arg13[%and3A_52, %parallel_loop3A_903, %parallel_loop3A_904, %parallel_loop3A_905] : memref<2x32x8x129xf32, #tpu.memory_space<vmem>> -> memref<1x32x8x129xf32, #tpu.memory_space<vmem>>
          %parallel_loop3A_907 = tpu.memref_squeeze %parallel_loop3A_906 : memref<1x32x8x129xf32, #tpu.memory_space<vmem>> -> memref<32x8x129xf32, #tpu.memory_space<vmem>>
          %parallel_loop3A_908 = arith.index_cast %parallel_loop3A_902 : i32 to index
          %parallel_loop3A_909 = arith.index_cast %scan3A_120 : i32 to index
          %parallel_loop3A_910 = arith.constant 32 : index
          %parallel_loop3A_911 = tpu.vector_load %parallel_loop3A_907[%parallel_loop3A_908, %parallel_loop3A_909, %parallel_loop3A_910] {strides = array<i32>} : memref<32x8x129xf32, #tpu.memory_space<vmem>>, vector<16xf32>,
          tpu.vector_store %parallel_loop3A_907[%parallel_loop3A_908, %parallel_loop3A_909, %parallel_loop3A_910], %parallel_loop3A_900 {strides = array<i32>} : memref<32x8x129xf32, #tpu.memory_space<vmem>>, vector<16xf32>,
        } {sc.loop_unroll_factor = 4 : i64, sc.parallel_access}
        %add3A_359 = arith.constant 48 : i32
        %add3A_360 = vector.broadcast %add3A_359 : i32 to vector<16xi32>
        %add3A_361 = arith.addi %iota3A, %add3A_360 : vector<16xi32>
        %sub3A_362 = arith.constant 1 : i32
        %sub3A_363 = vector.broadcast %sub3A_362 : i32 to vector<16xi32>
        %sub3A_364 = arith.subi %add3A_361, %sub3A_363 : vector<16xi32>
        %max3A_365 = arith.constant 0 : i32
        %max3A_366 = vector.broadcast %max3A_365 : i32 to vector<16xi32>
        %max3A_367 = arith.maxsi %sub3A_364, %max3A_366 : vector<16xi32>
        %eq3A_368 = arith.constant 0 : i32
        %eq3A_369 = vector.broadcast %eq3A_368 : i32 to vector<16xi32>
        %eq3A_370 = arith.cmpi eq, %add3A_361, %eq3A_369 : vector<16xi32>
        %or3A_371 = arith.ori %eq3A_370, %broadcast_in_dim3A_123 : vector<16xi1>
        %gather3A_372 = tpu.vector_load_idx %arg10[%add3A_133, %max3A_367] : memref<8x128xi32, #tpu.memory_space<vmem>>[vector<16xi32>, vector<16xi32>], vector<16xi32>,
        %jit3A_373 = arith.constant 512 : i32
        %broadcast_in_dim3A_374 = vector.broadcast %jit3A_373 : i32 to vector<16xi32>
        %select_n3A_375 = arith.select %or3A_371, %broadcast_in_dim3A_374, %gather3A_372 : vector<16xi1>, vector<16xi32>
        %jit3A_376 = arith.constant 0 : i32
        %jit3A_377 = arith.constant 512 : i32
        %max3A_378 = vector.broadcast %jit3A_376 : i32 to vector<16xi32>
        %max3A_379 = arith.maxsi %max3A_378, %select_n3A_375 : vector<16xi32>
        %min3A_380 = vector.broadcast %jit3A_377 : i32 to vector<16xi32>
        %min3A_381 = arith.minsi %min3A_380, %max3A_379 : vector<16xi32>
        %mul3A_382 = arith.constant 17 : i32
        %mul3A_383 = vector.broadcast %mul3A_382 : i32 to vector<16xi32>
        %mul3A_384 = arith.muli %min3A_381, %mul3A_383 : vector<16xi32>
        %broadcast_in_dim3A_385 = arith.constant 0 : i32
        %broadcast_in_dim3A_386 = vector.broadcast %broadcast_in_dim3A_385 : i32 to vector<16xi32>
        %gather3A_387 = tpu.vector_load_idx %arg11[%add3A_133, %max3A_367, %broadcast_in_dim3A_386] : memref<8x128x3xi32, #tpu.memory_space<vmem>>[vector<16xi32>, vector<16xi32>, vector<16xi32>], vector<16xi32>,
        %jit3A_388 = arith.constant 1537 : i32
        %broadcast_in_dim3A_389 = vector.broadcast %jit3A_388 : i32 to vector<16xi32>
        %select_n3A_390 = arith.select %or3A_371, %broadcast_in_dim3A_389, %gather3A_387 : vector<16xi1>, vector<16xi32>
        %broadcast_in_dim3A_391 = arith.constant 1 : i32
        %broadcast_in_dim3A_392 = vector.broadcast %broadcast_in_dim3A_391 : i32 to vector<16xi32>
        %gather3A_393 = tpu.vector_load_idx %arg11[%add3A_133, %max3A_367, %broadcast_in_dim3A_392] : memref<8x128x3xi32, #tpu.memory_space<vmem>>[vector<16xi32>, vector<16xi32>, vector<16xi32>], vector<16xi32>,
        %jit3A_394 = arith.constant 1537 : i32
        %broadcast_in_dim3A_395 = vector.broadcast %jit3A_394 : i32 to vector<16xi32>
        %select_n3A_396 = arith.select %or3A_371, %broadcast_in_dim3A_395, %gather3A_393 : vector<16xi1>, vector<16xi32>
        %broadcast_in_dim3A_397 = arith.constant 2 : i32
        %broadcast_in_dim3A_398 = vector.broadcast %broadcast_in_dim3A_397 : i32 to vector<16xi32>
        %gather3A_399 = tpu.vector_load_idx %arg11[%add3A_133, %max3A_367, %broadcast_in_dim3A_398] : memref<8x128x3xi32, #tpu.memory_space<vmem>>[vector<16xi32>, vector<16xi32>, vector<16xi32>], vector<16xi32>,
        %jit3A_400 = arith.constant 1537 : i32
        %broadcast_in_dim3A_401 = vector.broadcast %jit3A_400 : i32 to vector<16xi32>
        %select_n3A_402 = arith.select %or3A_371, %broadcast_in_dim3A_401, %gather3A_399 : vector<16xi1>, vector<16xi32>
        %jit3A_403 = arith.constant 0 : i32
        %jit3A_404 = arith.constant 1537 : i32
        %max3A_405 = vector.broadcast %jit3A_403 : i32 to vector<16xi32>
        %max3A_406 = arith.maxsi %max3A_405, %select_n3A_390 : vector<16xi32>
        %min3A_407 = vector.broadcast %jit3A_404 : i32 to vector<16xi32>
        %min3A_408 = arith.minsi %min3A_407, %max3A_406 : vector<16xi32>
        %mul3A_409 = arith.constant 17 : i32
        %mul3A_410 = vector.broadcast %mul3A_409 : i32 to vector<16xi32>
        %mul3A_411 = arith.muli %min3A_408, %mul3A_410 : vector<16xi32>
        %jit3A_412 = arith.constant 0 : i32
        %jit3A_413 = arith.constant 1537 : i32
        %max3A_414 = vector.broadcast %jit3A_412 : i32 to vector<16xi32>
        %max3A_415 = arith.maxsi %max3A_414, %select_n3A_396 : vector<16xi32>
        %min3A_416 = vector.broadcast %jit3A_413 : i32 to vector<16xi32>
        %min3A_417 = arith.minsi %min3A_416, %max3A_415 : vector<16xi32>
        %mul3A_418 = arith.constant 17 : i32
        %mul3A_419 = vector.broadcast %mul3A_418 : i32 to vector<16xi32>
        %mul3A_420 = arith.muli %min3A_417, %mul3A_419 : vector<16xi32>
        %jit3A_421 = arith.constant 0 : i32
        %jit3A_422 = arith.constant 1537 : i32
        %max3A_423 = vector.broadcast %jit3A_421 : i32 to vector<16xi32>
        %max3A_424 = arith.maxsi %max3A_423, %select_n3A_402 : vector<16xi32>
        %min3A_425 = vector.broadcast %jit3A_422 : i32 to vector<16xi32>
        %min3A_426 = arith.minsi %min3A_425, %max3A_424 : vector<16xi32>
        %mul3A_427 = arith.constant 17 : i32
        %mul3A_428 = vector.broadcast %mul3A_427 : i32 to vector<16xi32>
        %mul3A_429 = arith.muli %min3A_426, %mul3A_428 : vector<16xi32>
        %get3A_430 = arith.index_cast %scan3A_120 : i32 to index
        %get3A_431 = arith.constant 48 : index
        %get3A_432 = tpu.vector_load %arg12[%get3A_430, %get3A_431] {strides = array<i32>} : memref<8x144xf32, #tpu.memory_space<vmem>>, vector<16xf32>,
        %parallel_loop3A_433 = arith.constant 0 : i32
        %parallel_loop3A_434 = arith.constant 16 : i32
        %parallel_loop3A_435 = arith.constant 1 : i32
        scf.for %parallel_loop3A_853 = %parallel_loop3A_433 to %parallel_loop3A_434 step %parallel_loop3A_435  : i32 {
          %parallel_loop3A_854 = vector.broadcast %parallel_loop3A_853 : i32 to vector<16xi32>
          %parallel_loop3A_855 = arith.addi %mul3A_384, %parallel_loop3A_854 : vector<16xi32>
          %parallel_loop3A_856 = tpu.vector_load_idx %arg8[%parallel_loop3A_855] : memref<8721xi32, #tpu.memory_space<vmem>>[vector<16xi32>], vector<16xi32>,
          %parallel_loop3A_857 = vector.bitcast %parallel_loop3A_856 : vector<16xi32> to vector<32xbf16>
          %parallel_loop3A_858 = tpu.unpack_subelements %parallel_loop3A_857, 0 {pack_format = #tpu.pack_format<interleaved>} : vector<32xbf16> -> vector<16xf32>
          %parallel_loop3A_859 = tpu.unpack_subelements %parallel_loop3A_857, 1 {pack_format = #tpu.pack_format<interleaved>} : vector<32xbf16> -> vector<16xf32>
          %parallel_loop3A_860 = vector.broadcast %parallel_loop3A_853 : i32 to vector<16xi32>
          %parallel_loop3A_861 = arith.addi %mul3A_411, %parallel_loop3A_860 : vector<16xi32>
          %parallel_loop3A_862 = tpu.vector_load_idx %arg9[%parallel_loop3A_861] : memref<26146xi32, #tpu.memory_space<vmem>>[vector<16xi32>], vector<16xi32>,
          %parallel_loop3A_863 = vector.bitcast %parallel_loop3A_862 : vector<16xi32> to vector<32xbf16>
          %parallel_loop3A_864 = tpu.unpack_subelements %parallel_loop3A_863, 0 {pack_format = #tpu.pack_format<interleaved>} : vector<32xbf16> -> vector<16xf32>
          %parallel_loop3A_865 = tpu.unpack_subelements %parallel_loop3A_863, 1 {pack_format = #tpu.pack_format<interleaved>} : vector<32xbf16> -> vector<16xf32>
          %parallel_loop3A_866 = vector.broadcast %parallel_loop3A_853 : i32 to vector<16xi32>
          %parallel_loop3A_867 = arith.addi %mul3A_420, %parallel_loop3A_866 : vector<16xi32>
          %parallel_loop3A_868 = tpu.vector_load_idx %arg9[%parallel_loop3A_867] : memref<26146xi32, #tpu.memory_space<vmem>>[vector<16xi32>], vector<16xi32>,
          %parallel_loop3A_869 = vector.bitcast %parallel_loop3A_868 : vector<16xi32> to vector<32xbf16>
          %parallel_loop3A_870 = tpu.unpack_subelements %parallel_loop3A_869, 0 {pack_format = #tpu.pack_format<interleaved>} : vector<32xbf16> -> vector<16xf32>
          %parallel_loop3A_871 = tpu.unpack_subelements %parallel_loop3A_869, 1 {pack_format = #tpu.pack_format<interleaved>} : vector<32xbf16> -> vector<16xf32>
          %parallel_loop3A_872 = vector.broadcast %parallel_loop3A_853 : i32 to vector<16xi32>
          %parallel_loop3A_873 = arith.addi %mul3A_429, %parallel_loop3A_872 : vector<16xi32>
          %parallel_loop3A_874 = tpu.vector_load_idx %arg9[%parallel_loop3A_873] : memref<26146xi32, #tpu.memory_space<vmem>>[vector<16xi32>], vector<16xi32>,
          %parallel_loop3A_875 = vector.bitcast %parallel_loop3A_874 : vector<16xi32> to vector<32xbf16>
          %parallel_loop3A_876 = tpu.unpack_subelements %parallel_loop3A_875, 0 {pack_format = #tpu.pack_format<interleaved>} : vector<32xbf16> -> vector<16xf32>
          %parallel_loop3A_877 = tpu.unpack_subelements %parallel_loop3A_875, 1 {pack_format = #tpu.pack_format<interleaved>} : vector<32xbf16> -> vector<16xf32>
          %parallel_loop3A_878 = arith.addf %get3A_432, %parallel_loop3A_858 : vector<16xf32>
          %parallel_loop3A_879 = arith.addf %parallel_loop3A_864, %parallel_loop3A_870 : vector<16xf32>
          %parallel_loop3A_880 = arith.addf %parallel_loop3A_879, %parallel_loop3A_876 : vector<16xf32>
          %parallel_loop3A_881 = arith.constant 0.333333343 : f32
          %parallel_loop3A_882 = vector.broadcast %parallel_loop3A_881 : f32 to vector<16xf32>
          %parallel_loop3A_883 = arith.mulf %parallel_loop3A_880, %parallel_loop3A_882 : vector<16xf32>
          %parallel_loop3A_884 = arith.addf %parallel_loop3A_878, %parallel_loop3A_883 : vector<16xf32>
          %parallel_loop3A_885 = arith.constant 0 : i32
          %parallel_loop3A_886 = arith.constant 0 : i32
          %parallel_loop3A_887 = arith.constant 0 : i32
          %parallel_loop3A_888 = tpu.memref_slice %arg13[%and3A_52, %parallel_loop3A_885, %parallel_loop3A_886, %parallel_loop3A_887] : memref<2x32x8x129xf32, #tpu.memory_space<vmem>> -> memref<1x32x8x129xf32, #tpu.memory_space<vmem>>
          %parallel_loop3A_889 = tpu.memref_squeeze %parallel_loop3A_888 : memref<1x32x8x129xf32, #tpu.memory_space<vmem>> -> memref<32x8x129xf32, #tpu.memory_space<vmem>>
          %parallel_loop3A_890 = arith.index_cast %parallel_loop3A_853 : i32 to index
          %parallel_loop3A_891 = arith.index_cast %scan3A_120 : i32 to index
          %parallel_loop3A_892 = arith.constant 48 : index
          %parallel_loop3A_893 = tpu.vector_load %parallel_loop3A_889[%parallel_loop3A_890, %parallel_loop3A_891, %parallel_loop3A_892] {strides = array<i32>} : memref<32x8x129xf32, #tpu.memory_space<vmem>>, vector<16xf32>,
          tpu.vector_store %parallel_loop3A_889[%parallel_loop3A_890, %parallel_loop3A_891, %parallel_loop3A_892], %parallel_loop3A_884 {strides = array<i32>} : memref<32x8x129xf32, #tpu.memory_space<vmem>>, vector<16xf32>,
          %parallel_loop3A_894 = arith.addf %get3A_432, %parallel_loop3A_859 : vector<16xf32>
          %parallel_loop3A_895 = arith.addf %parallel_loop3A_865, %parallel_loop3A_871 : vector<16xf32>
          %parallel_loop3A_896 = arith.addf %parallel_loop3A_895, %parallel_loop3A_877 : vector<16xf32>
          %parallel_loop3A_897 = arith.constant 0.333333343 : f32
          %parallel_loop3A_898 = vector.broadcast %parallel_loop3A_897 : f32 to vector<16xf32>
          %parallel_loop3A_899 = arith.mulf %parallel_loop3A_896, %parallel_loop3A_898 : vector<16xf32>
          %parallel_loop3A_900 = arith.addf %parallel_loop3A_894, %parallel_loop3A_899 : vector<16xf32>
          %parallel_loop3A_901 = arith.constant 16 : i32
          %parallel_loop3A_902 = arith.addi %parallel_loop3A_853, %parallel_loop3A_901 : i32
          %parallel_loop3A_903 = arith.constant 0 : i32
          %parallel_loop3A_904 = arith.constant 0 : i32
          %parallel_loop3A_905 = arith.constant 0 : i32
          %parallel_loop3A_906 = tpu.memref_slice %arg13[%and3A_52, %parallel_loop3A_903, %parallel_loop3A_904, %parallel_loop3A_905] : memref<2x32x8x129xf32, #tpu.memory_space<vmem>> -> memref<1x32x8x129xf32, #tpu.memory_space<vmem>>
          %parallel_loop3A_907 = tpu.memref_squeeze %parallel_loop3A_906 : memref<1x32x8x129xf32, #tpu.memory_space<vmem>> -> memref<32x8x129xf32, #tpu.memory_space<vmem>>
          %parallel_loop3A_908 = arith.index_cast %parallel_loop3A_902 : i32 to index
          %parallel_loop3A_909 = arith.index_cast %scan3A_120 : i32 to index
          %parallel_loop3A_910 = arith.constant 48 : index
          %parallel_loop3A_911 = tpu.vector_load %parallel_loop3A_907[%parallel_loop3A_908, %parallel_loop3A_909, %parallel_loop3A_910] {strides = array<i32>} : memref<32x8x129xf32, #tpu.memory_space<vmem>>, vector<16xf32>,
          tpu.vector_store %parallel_loop3A_907[%parallel_loop3A_908, %parallel_loop3A_909, %parallel_loop3A_910], %parallel_loop3A_900 {strides = array<i32>} : memref<32x8x129xf32, #tpu.memory_space<vmem>>, vector<16xf32>,
        } {sc.loop_unroll_factor = 4 : i64, sc.parallel_access}
        %add3A_436 = arith.constant 64 : i32
        %add3A_437 = vector.broadcast %add3A_436 : i32 to vector<16xi32>
        %add3A_438 = arith.addi %iota3A, %add3A_437 : vector<16xi32>
        %sub3A_439 = arith.constant 1 : i32
        %sub3A_440 = vector.broadcast %sub3A_439 : i32 to vector<16xi32>
        %sub3A_441 = arith.subi %add3A_438, %sub3A_440 : vector<16xi32>
        %max3A_442 = arith.constant 0 : i32
        %max3A_443 = vector.broadcast %max3A_442 : i32 to vector<16xi32>
        %max3A_444 = arith.maxsi %sub3A_441, %max3A_443 : vector<16xi32>
        %eq3A_445 = arith.constant 0 : i32
        %eq3A_446 = vector.broadcast %eq3A_445 : i32 to vector<16xi32>
        %eq3A_447 = arith.cmpi eq, %add3A_438, %eq3A_446 : vector<16xi32>
        %or3A_448 = arith.ori %eq3A_447, %broadcast_in_dim3A_123 : vector<16xi1>
        %gather3A_449 = tpu.vector_load_idx %arg10[%add3A_133, %max3A_444] : memref<8x128xi32, #tpu.memory_space<vmem>>[vector<16xi32>, vector<16xi32>], vector<16xi32>,
        %jit3A_450 = arith.constant 512 : i32
        %broadcast_in_dim3A_451 = vector.broadcast %jit3A_450 : i32 to vector<16xi32>
        %select_n3A_452 = arith.select %or3A_448, %broadcast_in_dim3A_451, %gather3A_449 : vector<16xi1>, vector<16xi32>
        %jit3A_453 = arith.constant 0 : i32
        %jit3A_454 = arith.constant 512 : i32
        %max3A_455 = vector.broadcast %jit3A_453 : i32 to vector<16xi32>
        %max3A_456 = arith.maxsi %max3A_455, %select_n3A_452 : vector<16xi32>
        %min3A_457 = vector.broadcast %jit3A_454 : i32 to vector<16xi32>
        %min3A_458 = arith.minsi %min3A_457, %max3A_456 : vector<16xi32>
        %mul3A_459 = arith.constant 17 : i32
        %mul3A_460 = vector.broadcast %mul3A_459 : i32 to vector<16xi32>
        %mul3A_461 = arith.muli %min3A_458, %mul3A_460 : vector<16xi32>
        %broadcast_in_dim3A_462 = arith.constant 0 : i32
        %broadcast_in_dim3A_463 = vector.broadcast %broadcast_in_dim3A_462 : i32 to vector<16xi32>
        %gather3A_464 = tpu.vector_load_idx %arg11[%add3A_133, %max3A_444, %broadcast_in_dim3A_463] : memref<8x128x3xi32, #tpu.memory_space<vmem>>[vector<16xi32>, vector<16xi32>, vector<16xi32>], vector<16xi32>,
        %jit3A_465 = arith.constant 1537 : i32
        %broadcast_in_dim3A_466 = vector.broadcast %jit3A_465 : i32 to vector<16xi32>
        %select_n3A_467 = arith.select %or3A_448, %broadcast_in_dim3A_466, %gather3A_464 : vector<16xi1>, vector<16xi32>
        %broadcast_in_dim3A_468 = arith.constant 1 : i32
        %broadcast_in_dim3A_469 = vector.broadcast %broadcast_in_dim3A_468 : i32 to vector<16xi32>
        %gather3A_470 = tpu.vector_load_idx %arg11[%add3A_133, %max3A_444, %broadcast_in_dim3A_469] : memref<8x128x3xi32, #tpu.memory_space<vmem>>[vector<16xi32>, vector<16xi32>, vector<16xi32>], vector<16xi32>,
        %jit3A_471 = arith.constant 1537 : i32
        %broadcast_in_dim3A_472 = vector.broadcast %jit3A_471 : i32 to vector<16xi32>
        %select_n3A_473 = arith.select %or3A_448, %broadcast_in_dim3A_472, %gather3A_470 : vector<16xi1>, vector<16xi32>
        %broadcast_in_dim3A_474 = arith.constant 2 : i32
        %broadcast_in_dim3A_475 = vector.broadcast %broadcast_in_dim3A_474 : i32 to vector<16xi32>
        %gather3A_476 = tpu.vector_load_idx %arg11[%add3A_133, %max3A_444, %broadcast_in_dim3A_475] : memref<8x128x3xi32, #tpu.memory_space<vmem>>[vector<16xi32>, vector<16xi32>, vector<16xi32>], vector<16xi32>,
        %jit3A_477 = arith.constant 1537 : i32
        %broadcast_in_dim3A_478 = vector.broadcast %jit3A_477 : i32 to vector<16xi32>
        %select_n3A_479 = arith.select %or3A_448, %broadcast_in_dim3A_478, %gather3A_476 : vector<16xi1>, vector<16xi32>
        %jit3A_480 = arith.constant 0 : i32
        %jit3A_481 = arith.constant 1537 : i32
        %max3A_482 = vector.broadcast %jit3A_480 : i32 to vector<16xi32>
        %max3A_483 = arith.maxsi %max3A_482, %select_n3A_467 : vector<16xi32>
        %min3A_484 = vector.broadcast %jit3A_481 : i32 to vector<16xi32>
        %min3A_485 = arith.minsi %min3A_484, %max3A_483 : vector<16xi32>
        %mul3A_486 = arith.constant 17 : i32
        %mul3A_487 = vector.broadcast %mul3A_486 : i32 to vector<16xi32>
        %mul3A_488 = arith.muli %min3A_485, %mul3A_487 : vector<16xi32>
        %jit3A_489 = arith.constant 0 : i32
        %jit3A_490 = arith.constant 1537 : i32
        %max3A_491 = vector.broadcast %jit3A_489 : i32 to vector<16xi32>
        %max3A_492 = arith.maxsi %max3A_491, %select_n3A_473 : vector<16xi32>
        %min3A_493 = vector.broadcast %jit3A_490 : i32 to vector<16xi32>
        %min3A_494 = arith.minsi %min3A_493, %max3A_492 : vector<16xi32>
        %mul3A_495 = arith.constant 17 : i32
        %mul3A_496 = vector.broadcast %mul3A_495 : i32 to vector<16xi32>
        %mul3A_497 = arith.muli %min3A_494, %mul3A_496 : vector<16xi32>
        %jit3A_498 = arith.constant 0 : i32
        %jit3A_499 = arith.constant 1537 : i32
        %max3A_500 = vector.broadcast %jit3A_498 : i32 to vector<16xi32>
        %max3A_501 = arith.maxsi %max3A_500, %select_n3A_479 : vector<16xi32>
        %min3A_502 = vector.broadcast %jit3A_499 : i32 to vector<16xi32>
        %min3A_503 = arith.minsi %min3A_502, %max3A_501 : vector<16xi32>
        %mul3A_504 = arith.constant 17 : i32
        %mul3A_505 = vector.broadcast %mul3A_504 : i32 to vector<16xi32>
        %mul3A_506 = arith.muli %min3A_503, %mul3A_505 : vector<16xi32>
        %get3A_507 = arith.index_cast %scan3A_120 : i32 to index
        %get3A_508 = arith.constant 64 : index
        %get3A_509 = tpu.vector_load %arg12[%get3A_507, %get3A_508] {strides = array<i32>} : memref<8x144xf32, #tpu.memory_space<vmem>>, vector<16xf32>,
        %parallel_loop3A_510 = arith.constant 0 : i32
        %parallel_loop3A_511 = arith.constant 16 : i32
        %parallel_loop3A_512 = arith.constant 1 : i32
        scf.for %parallel_loop3A_853 = %parallel_loop3A_510 to %parallel_loop3A_511 step %parallel_loop3A_512  : i32 {
          %parallel_loop3A_854 = vector.broadcast %parallel_loop3A_853 : i32 to vector<16xi32>
          %parallel_loop3A_855 = arith.addi %mul3A_461, %parallel_loop3A_854 : vector<16xi32>
          %parallel_loop3A_856 = tpu.vector_load_idx %arg8[%parallel_loop3A_855] : memref<8721xi32, #tpu.memory_space<vmem>>[vector<16xi32>], vector<16xi32>,
          %parallel_loop3A_857 = vector.bitcast %parallel_loop3A_856 : vector<16xi32> to vector<32xbf16>
          %parallel_loop3A_858 = tpu.unpack_subelements %parallel_loop3A_857, 0 {pack_format = #tpu.pack_format<interleaved>} : vector<32xbf16> -> vector<16xf32>
          %parallel_loop3A_859 = tpu.unpack_subelements %parallel_loop3A_857, 1 {pack_format = #tpu.pack_format<interleaved>} : vector<32xbf16> -> vector<16xf32>
          %parallel_loop3A_860 = vector.broadcast %parallel_loop3A_853 : i32 to vector<16xi32>
          %parallel_loop3A_861 = arith.addi %mul3A_488, %parallel_loop3A_860 : vector<16xi32>
          %parallel_loop3A_862 = tpu.vector_load_idx %arg9[%parallel_loop3A_861] : memref<26146xi32, #tpu.memory_space<vmem>>[vector<16xi32>], vector<16xi32>,
          %parallel_loop3A_863 = vector.bitcast %parallel_loop3A_862 : vector<16xi32> to vector<32xbf16>
          %parallel_loop3A_864 = tpu.unpack_subelements %parallel_loop3A_863, 0 {pack_format = #tpu.pack_format<interleaved>} : vector<32xbf16> -> vector<16xf32>
          %parallel_loop3A_865 = tpu.unpack_subelements %parallel_loop3A_863, 1 {pack_format = #tpu.pack_format<interleaved>} : vector<32xbf16> -> vector<16xf32>
          %parallel_loop3A_866 = vector.broadcast %parallel_loop3A_853 : i32 to vector<16xi32>
          %parallel_loop3A_867 = arith.addi %mul3A_497, %parallel_loop3A_866 : vector<16xi32>
          %parallel_loop3A_868 = tpu.vector_load_idx %arg9[%parallel_loop3A_867] : memref<26146xi32, #tpu.memory_space<vmem>>[vector<16xi32>], vector<16xi32>,
          %parallel_loop3A_869 = vector.bitcast %parallel_loop3A_868 : vector<16xi32> to vector<32xbf16>
          %parallel_loop3A_870 = tpu.unpack_subelements %parallel_loop3A_869, 0 {pack_format = #tpu.pack_format<interleaved>} : vector<32xbf16> -> vector<16xf32>
          %parallel_loop3A_871 = tpu.unpack_subelements %parallel_loop3A_869, 1 {pack_format = #tpu.pack_format<interleaved>} : vector<32xbf16> -> vector<16xf32>
          %parallel_loop3A_872 = vector.broadcast %parallel_loop3A_853 : i32 to vector<16xi32>
          %parallel_loop3A_873 = arith.addi %mul3A_506, %parallel_loop3A_872 : vector<16xi32>
          %parallel_loop3A_874 = tpu.vector_load_idx %arg9[%parallel_loop3A_873] : memref<26146xi32, #tpu.memory_space<vmem>>[vector<16xi32>], vector<16xi32>,
          %parallel_loop3A_875 = vector.bitcast %parallel_loop3A_874 : vector<16xi32> to vector<32xbf16>
          %parallel_loop3A_876 = tpu.unpack_subelements %parallel_loop3A_875, 0 {pack_format = #tpu.pack_format<interleaved>} : vector<32xbf16> -> vector<16xf32>
          %parallel_loop3A_877 = tpu.unpack_subelements %parallel_loop3A_875, 1 {pack_format = #tpu.pack_format<interleaved>} : vector<32xbf16> -> vector<16xf32>
          %parallel_loop3A_878 = arith.addf %get3A_509, %parallel_loop3A_858 : vector<16xf32>
          %parallel_loop3A_879 = arith.addf %parallel_loop3A_864, %parallel_loop3A_870 : vector<16xf32>
          %parallel_loop3A_880 = arith.addf %parallel_loop3A_879, %parallel_loop3A_876 : vector<16xf32>
          %parallel_loop3A_881 = arith.constant 0.333333343 : f32
          %parallel_loop3A_882 = vector.broadcast %parallel_loop3A_881 : f32 to vector<16xf32>
          %parallel_loop3A_883 = arith.mulf %parallel_loop3A_880, %parallel_loop3A_882 : vector<16xf32>
          %parallel_loop3A_884 = arith.addf %parallel_loop3A_878, %parallel_loop3A_883 : vector<16xf32>
          %parallel_loop3A_885 = arith.constant 0 : i32
          %parallel_loop3A_886 = arith.constant 0 : i32
          %parallel_loop3A_887 = arith.constant 0 : i32
          %parallel_loop3A_888 = tpu.memref_slice %arg13[%and3A_52, %parallel_loop3A_885, %parallel_loop3A_886, %parallel_loop3A_887] : memref<2x32x8x129xf32, #tpu.memory_space<vmem>> -> memref<1x32x8x129xf32, #tpu.memory_space<vmem>>
          %parallel_loop3A_889 = tpu.memref_squeeze %parallel_loop3A_888 : memref<1x32x8x129xf32, #tpu.memory_space<vmem>> -> memref<32x8x129xf32, #tpu.memory_space<vmem>>
          %parallel_loop3A_890 = arith.index_cast %parallel_loop3A_853 : i32 to index
          %parallel_loop3A_891 = arith.index_cast %scan3A_120 : i32 to index
          %parallel_loop3A_892 = arith.constant 64 : index
          %parallel_loop3A_893 = tpu.vector_load %parallel_loop3A_889[%parallel_loop3A_890, %parallel_loop3A_891, %parallel_loop3A_892] {strides = array<i32>} : memref<32x8x129xf32, #tpu.memory_space<vmem>>, vector<16xf32>,
          tpu.vector_store %parallel_loop3A_889[%parallel_loop3A_890, %parallel_loop3A_891, %parallel_loop3A_892], %parallel_loop3A_884 {strides = array<i32>} : memref<32x8x129xf32, #tpu.memory_space<vmem>>, vector<16xf32>,
          %parallel_loop3A_894 = arith.addf %get3A_509, %parallel_loop3A_859 : vector<16xf32>
          %parallel_loop3A_895 = arith.addf %parallel_loop3A_865, %parallel_loop3A_871 : vector<16xf32>
          %parallel_loop3A_896 = arith.addf %parallel_loop3A_895, %parallel_loop3A_877 : vector<16xf32>
          %parallel_loop3A_897 = arith.constant 0.333333343 : f32
          %parallel_loop3A_898 = vector.broadcast %parallel_loop3A_897 : f32 to vector<16xf32>
          %parallel_loop3A_899 = arith.mulf %parallel_loop3A_896, %parallel_loop3A_898 : vector<16xf32>
          %parallel_loop3A_900 = arith.addf %parallel_loop3A_894, %parallel_loop3A_899 : vector<16xf32>
          %parallel_loop3A_901 = arith.constant 16 : i32
          %parallel_loop3A_902 = arith.addi %parallel_loop3A_853, %parallel_loop3A_901 : i32
          %parallel_loop3A_903 = arith.constant 0 : i32
          %parallel_loop3A_904 = arith.constant 0 : i32
          %parallel_loop3A_905 = arith.constant 0 : i32
          %parallel_loop3A_906 = tpu.memref_slice %arg13[%and3A_52, %parallel_loop3A_903, %parallel_loop3A_904, %parallel_loop3A_905] : memref<2x32x8x129xf32, #tpu.memory_space<vmem>> -> memref<1x32x8x129xf32, #tpu.memory_space<vmem>>
          %parallel_loop3A_907 = tpu.memref_squeeze %parallel_loop3A_906 : memref<1x32x8x129xf32, #tpu.memory_space<vmem>> -> memref<32x8x129xf32, #tpu.memory_space<vmem>>
          %parallel_loop3A_908 = arith.index_cast %parallel_loop3A_902 : i32 to index
          %parallel_loop3A_909 = arith.index_cast %scan3A_120 : i32 to index
          %parallel_loop3A_910 = arith.constant 64 : index
          %parallel_loop3A_911 = tpu.vector_load %parallel_loop3A_907[%parallel_loop3A_908, %parallel_loop3A_909, %parallel_loop3A_910] {strides = array<i32>} : memref<32x8x129xf32, #tpu.memory_space<vmem>>, vector<16xf32>,
          tpu.vector_store %parallel_loop3A_907[%parallel_loop3A_908, %parallel_loop3A_909, %parallel_loop3A_910], %parallel_loop3A_900 {strides = array<i32>} : memref<32x8x129xf32, #tpu.memory_space<vmem>>, vector<16xf32>,
        } {sc.loop_unroll_factor = 4 : i64, sc.parallel_access}
        %add3A_513 = arith.constant 80 : i32
        %add3A_514 = vector.broadcast %add3A_513 : i32 to vector<16xi32>
        %add3A_515 = arith.addi %iota3A, %add3A_514 : vector<16xi32>
        %sub3A_516 = arith.constant 1 : i32
        %sub3A_517 = vector.broadcast %sub3A_516 : i32 to vector<16xi32>
        %sub3A_518 = arith.subi %add3A_515, %sub3A_517 : vector<16xi32>
        %max3A_519 = arith.constant 0 : i32
        %max3A_520 = vector.broadcast %max3A_519 : i32 to vector<16xi32>
        %max3A_521 = arith.maxsi %sub3A_518, %max3A_520 : vector<16xi32>
        %eq3A_522 = arith.constant 0 : i32
        %eq3A_523 = vector.broadcast %eq3A_522 : i32 to vector<16xi32>
        %eq3A_524 = arith.cmpi eq, %add3A_515, %eq3A_523 : vector<16xi32>
        %or3A_525 = arith.ori %eq3A_524, %broadcast_in_dim3A_123 : vector<16xi1>
        %gather3A_526 = tpu.vector_load_idx %arg10[%add3A_133, %max3A_521] : memref<8x128xi32, #tpu.memory_space<vmem>>[vector<16xi32>, vector<16xi32>], vector<16xi32>,
        %jit3A_527 = arith.constant 512 : i32
        %broadcast_in_dim3A_528 = vector.broadcast %jit3A_527 : i32 to vector<16xi32>
        %select_n3A_529 = arith.select %or3A_525, %broadcast_in_dim3A_528, %gather3A_526 : vector<16xi1>, vector<16xi32>
        %jit3A_530 = arith.constant 0 : i32
        %jit3A_531 = arith.constant 512 : i32
        %max3A_532 = vector.broadcast %jit3A_530 : i32 to vector<16xi32>
        %max3A_533 = arith.maxsi %max3A_532, %select_n3A_529 : vector<16xi32>
        %min3A_534 = vector.broadcast %jit3A_531 : i32 to vector<16xi32>
        %min3A_535 = arith.minsi %min3A_534, %max3A_533 : vector<16xi32>
        %mul3A_536 = arith.constant 17 : i32
        %mul3A_537 = vector.broadcast %mul3A_536 : i32 to vector<16xi32>
        %mul3A_538 = arith.muli %min3A_535, %mul3A_537 : vector<16xi32>
        %broadcast_in_dim3A_539 = arith.constant 0 : i32
        %broadcast_in_dim3A_540 = vector.broadcast %broadcast_in_dim3A_539 : i32 to vector<16xi32>
        %gather3A_541 = tpu.vector_load_idx %arg11[%add3A_133, %max3A_521, %broadcast_in_dim3A_540] : memref<8x128x3xi32, #tpu.memory_space<vmem>>[vector<16xi32>, vector<16xi32>, vector<16xi32>], vector<16xi32>,
        %jit3A_542 = arith.constant 1537 : i32
        %broadcast_in_dim3A_543 = vector.broadcast %jit3A_542 : i32 to vector<16xi32>
        %select_n3A_544 = arith.select %or3A_525, %broadcast_in_dim3A_543, %gather3A_541 : vector<16xi1>, vector<16xi32>
        %broadcast_in_dim3A_545 = arith.constant 1 : i32
        %broadcast_in_dim3A_546 = vector.broadcast %broadcast_in_dim3A_545 : i32 to vector<16xi32>
        %gather3A_547 = tpu.vector_load_idx %arg11[%add3A_133, %max3A_521, %broadcast_in_dim3A_546] : memref<8x128x3xi32, #tpu.memory_space<vmem>>[vector<16xi32>, vector<16xi32>, vector<16xi32>], vector<16xi32>,
        %jit3A_548 = arith.constant 1537 : i32
        %broadcast_in_dim3A_549 = vector.broadcast %jit3A_548 : i32 to vector<16xi32>
        %select_n3A_550 = arith.select %or3A_525, %broadcast_in_dim3A_549, %gather3A_547 : vector<16xi1>, vector<16xi32>
        %broadcast_in_dim3A_551 = arith.constant 2 : i32
        %broadcast_in_dim3A_552 = vector.broadcast %broadcast_in_dim3A_551 : i32 to vector<16xi32>
        %gather3A_553 = tpu.vector_load_idx %arg11[%add3A_133, %max3A_521, %broadcast_in_dim3A_552] : memref<8x128x3xi32, #tpu.memory_space<vmem>>[vector<16xi32>, vector<16xi32>, vector<16xi32>], vector<16xi32>,
        %jit3A_554 = arith.constant 1537 : i32
        %broadcast_in_dim3A_555 = vector.broadcast %jit3A_554 : i32 to vector<16xi32>
        %select_n3A_556 = arith.select %or3A_525, %broadcast_in_dim3A_555, %gather3A_553 : vector<16xi1>, vector<16xi32>
        %jit3A_557 = arith.constant 0 : i32
        %jit3A_558 = arith.constant 1537 : i32
        %max3A_559 = vector.broadcast %jit3A_557 : i32 to vector<16xi32>
        %max3A_560 = arith.maxsi %max3A_559, %select_n3A_544 : vector<16xi32>
        %min3A_561 = vector.broadcast %jit3A_558 : i32 to vector<16xi32>
        %min3A_562 = arith.minsi %min3A_561, %max3A_560 : vector<16xi32>
        %mul3A_563 = arith.constant 17 : i32
        %mul3A_564 = vector.broadcast %mul3A_563 : i32 to vector<16xi32>
        %mul3A_565 = arith.muli %min3A_562, %mul3A_564 : vector<16xi32>
        %jit3A_566 = arith.constant 0 : i32
        %jit3A_567 = arith.constant 1537 : i32
        %max3A_568 = vector.broadcast %jit3A_566 : i32 to vector<16xi32>
        %max3A_569 = arith.maxsi %max3A_568, %select_n3A_550 : vector<16xi32>
        %min3A_570 = vector.broadcast %jit3A_567 : i32 to vector<16xi32>
        %min3A_571 = arith.minsi %min3A_570, %max3A_569 : vector<16xi32>
        %mul3A_572 = arith.constant 17 : i32
        %mul3A_573 = vector.broadcast %mul3A_572 : i32 to vector<16xi32>
        %mul3A_574 = arith.muli %min3A_571, %mul3A_573 : vector<16xi32>
        %jit3A_575 = arith.constant 0 : i32
        %jit3A_576 = arith.constant 1537 : i32
        %max3A_577 = vector.broadcast %jit3A_575 : i32 to vector<16xi32>
        %max3A_578 = arith.maxsi %max3A_577, %select_n3A_556 : vector<16xi32>
        %min3A_579 = vector.broadcast %jit3A_576 : i32 to vector<16xi32>
        %min3A_580 = arith.minsi %min3A_579, %max3A_578 : vector<16xi32>
        %mul3A_581 = arith.constant 17 : i32
        %mul3A_582 = vector.broadcast %mul3A_581 : i32 to vector<16xi32>
        %mul3A_583 = arith.muli %min3A_580, %mul3A_582 : vector<16xi32>
        %get3A_584 = arith.index_cast %scan3A_120 : i32 to index
        %get3A_585 = arith.constant 80 : index
        %get3A_586 = tpu.vector_load %arg12[%get3A_584, %get3A_585] {strides = array<i32>} : memref<8x144xf32, #tpu.memory_space<vmem>>, vector<16xf32>,
        %parallel_loop3A_587 = arith.constant 0 : i32
        %parallel_loop3A_588 = arith.constant 16 : i32
        %parallel_loop3A_589 = arith.constant 1 : i32
        scf.for %parallel_loop3A_853 = %parallel_loop3A_587 to %parallel_loop3A_588 step %parallel_loop3A_589  : i32 {
          %parallel_loop3A_854 = vector.broadcast %parallel_loop3A_853 : i32 to vector<16xi32>
          %parallel_loop3A_855 = arith.addi %mul3A_538, %parallel_loop3A_854 : vector<16xi32>
          %parallel_loop3A_856 = tpu.vector_load_idx %arg8[%parallel_loop3A_855] : memref<8721xi32, #tpu.memory_space<vmem>>[vector<16xi32>], vector<16xi32>,
          %parallel_loop3A_857 = vector.bitcast %parallel_loop3A_856 : vector<16xi32> to vector<32xbf16>
          %parallel_loop3A_858 = tpu.unpack_subelements %parallel_loop3A_857, 0 {pack_format = #tpu.pack_format<interleaved>} : vector<32xbf16> -> vector<16xf32>
          %parallel_loop3A_859 = tpu.unpack_subelements %parallel_loop3A_857, 1 {pack_format = #tpu.pack_format<interleaved>} : vector<32xbf16> -> vector<16xf32>
          %parallel_loop3A_860 = vector.broadcast %parallel_loop3A_853 : i32 to vector<16xi32>
          %parallel_loop3A_861 = arith.addi %mul3A_565, %parallel_loop3A_860 : vector<16xi32>
          %parallel_loop3A_862 = tpu.vector_load_idx %arg9[%parallel_loop3A_861] : memref<26146xi32, #tpu.memory_space<vmem>>[vector<16xi32>], vector<16xi32>,
          %parallel_loop3A_863 = vector.bitcast %parallel_loop3A_862 : vector<16xi32> to vector<32xbf16>
          %parallel_loop3A_864 = tpu.unpack_subelements %parallel_loop3A_863, 0 {pack_format = #tpu.pack_format<interleaved>} : vector<32xbf16> -> vector<16xf32>
          %parallel_loop3A_865 = tpu.unpack_subelements %parallel_loop3A_863, 1 {pack_format = #tpu.pack_format<interleaved>} : vector<32xbf16> -> vector<16xf32>
          %parallel_loop3A_866 = vector.broadcast %parallel_loop3A_853 : i32 to vector<16xi32>
          %parallel_loop3A_867 = arith.addi %mul3A_574, %parallel_loop3A_866 : vector<16xi32>
          %parallel_loop3A_868 = tpu.vector_load_idx %arg9[%parallel_loop3A_867] : memref<26146xi32, #tpu.memory_space<vmem>>[vector<16xi32>], vector<16xi32>,
          %parallel_loop3A_869 = vector.bitcast %parallel_loop3A_868 : vector<16xi32> to vector<32xbf16>
          %parallel_loop3A_870 = tpu.unpack_subelements %parallel_loop3A_869, 0 {pack_format = #tpu.pack_format<interleaved>} : vector<32xbf16> -> vector<16xf32>
          %parallel_loop3A_871 = tpu.unpack_subelements %parallel_loop3A_869, 1 {pack_format = #tpu.pack_format<interleaved>} : vector<32xbf16> -> vector<16xf32>
          %parallel_loop3A_872 = vector.broadcast %parallel_loop3A_853 : i32 to vector<16xi32>
          %parallel_loop3A_873 = arith.addi %mul3A_583, %parallel_loop3A_872 : vector<16xi32>
          %parallel_loop3A_874 = tpu.vector_load_idx %arg9[%parallel_loop3A_873] : memref<26146xi32, #tpu.memory_space<vmem>>[vector<16xi32>], vector<16xi32>,
          %parallel_loop3A_875 = vector.bitcast %parallel_loop3A_874 : vector<16xi32> to vector<32xbf16>
          %parallel_loop3A_876 = tpu.unpack_subelements %parallel_loop3A_875, 0 {pack_format = #tpu.pack_format<interleaved>} : vector<32xbf16> -> vector<16xf32>
          %parallel_loop3A_877 = tpu.unpack_subelements %parallel_loop3A_875, 1 {pack_format = #tpu.pack_format<interleaved>} : vector<32xbf16> -> vector<16xf32>
          %parallel_loop3A_878 = arith.addf %get3A_586, %parallel_loop3A_858 : vector<16xf32>
          %parallel_loop3A_879 = arith.addf %parallel_loop3A_864, %parallel_loop3A_870 : vector<16xf32>
          %parallel_loop3A_880 = arith.addf %parallel_loop3A_879, %parallel_loop3A_876 : vector<16xf32>
          %parallel_loop3A_881 = arith.constant 0.333333343 : f32
          %parallel_loop3A_882 = vector.broadcast %parallel_loop3A_881 : f32 to vector<16xf32>
          %parallel_loop3A_883 = arith.mulf %parallel_loop3A_880, %parallel_loop3A_882 : vector<16xf32>
          %parallel_loop3A_884 = arith.addf %parallel_loop3A_878, %parallel_loop3A_883 : vector<16xf32>
          %parallel_loop3A_885 = arith.constant 0 : i32
          %parallel_loop3A_886 = arith.constant 0 : i32
          %parallel_loop3A_887 = arith.constant 0 : i32
          %parallel_loop3A_888 = tpu.memref_slice %arg13[%and3A_52, %parallel_loop3A_885, %parallel_loop3A_886, %parallel_loop3A_887] : memref<2x32x8x129xf32, #tpu.memory_space<vmem>> -> memref<1x32x8x129xf32, #tpu.memory_space<vmem>>
          %parallel_loop3A_889 = tpu.memref_squeeze %parallel_loop3A_888 : memref<1x32x8x129xf32, #tpu.memory_space<vmem>> -> memref<32x8x129xf32, #tpu.memory_space<vmem>>
          %parallel_loop3A_890 = arith.index_cast %parallel_loop3A_853 : i32 to index
          %parallel_loop3A_891 = arith.index_cast %scan3A_120 : i32 to index
          %parallel_loop3A_892 = arith.constant 80 : index
          %parallel_loop3A_893 = tpu.vector_load %parallel_loop3A_889[%parallel_loop3A_890, %parallel_loop3A_891, %parallel_loop3A_892] {strides = array<i32>} : memref<32x8x129xf32, #tpu.memory_space<vmem>>, vector<16xf32>,
          tpu.vector_store %parallel_loop3A_889[%parallel_loop3A_890, %parallel_loop3A_891, %parallel_loop3A_892], %parallel_loop3A_884 {strides = array<i32>} : memref<32x8x129xf32, #tpu.memory_space<vmem>>, vector<16xf32>,
          %parallel_loop3A_894 = arith.addf %get3A_586, %parallel_loop3A_859 : vector<16xf32>
          %parallel_loop3A_895 = arith.addf %parallel_loop3A_865, %parallel_loop3A_871 : vector<16xf32>
          %parallel_loop3A_896 = arith.addf %parallel_loop3A_895, %parallel_loop3A_877 : vector<16xf32>
          %parallel_loop3A_897 = arith.constant 0.333333343 : f32
          %parallel_loop3A_898 = vector.broadcast %parallel_loop3A_897 : f32 to vector<16xf32>
          %parallel_loop3A_899 = arith.mulf %parallel_loop3A_896, %parallel_loop3A_898 : vector<16xf32>
          %parallel_loop3A_900 = arith.addf %parallel_loop3A_894, %parallel_loop3A_899 : vector<16xf32>
          %parallel_loop3A_901 = arith.constant 16 : i32
          %parallel_loop3A_902 = arith.addi %parallel_loop3A_853, %parallel_loop3A_901 : i32
          %parallel_loop3A_903 = arith.constant 0 : i32
          %parallel_loop3A_904 = arith.constant 0 : i32
          %parallel_loop3A_905 = arith.constant 0 : i32
          %parallel_loop3A_906 = tpu.memref_slice %arg13[%and3A_52, %parallel_loop3A_903, %parallel_loop3A_904, %parallel_loop3A_905] : memref<2x32x8x129xf32, #tpu.memory_space<vmem>> -> memref<1x32x8x129xf32, #tpu.memory_space<vmem>>
          %parallel_loop3A_907 = tpu.memref_squeeze %parallel_loop3A_906 : memref<1x32x8x129xf32, #tpu.memory_space<vmem>> -> memref<32x8x129xf32, #tpu.memory_space<vmem>>
          %parallel_loop3A_908 = arith.index_cast %parallel_loop3A_902 : i32 to index
          %parallel_loop3A_909 = arith.index_cast %scan3A_120 : i32 to index
          %parallel_loop3A_910 = arith.constant 80 : index
          %parallel_loop3A_911 = tpu.vector_load %parallel_loop3A_907[%parallel_loop3A_908, %parallel_loop3A_909, %parallel_loop3A_910] {strides = array<i32>} : memref<32x8x129xf32, #tpu.memory_space<vmem>>, vector<16xf32>,
          tpu.vector_store %parallel_loop3A_907[%parallel_loop3A_908, %parallel_loop3A_909, %parallel_loop3A_910], %parallel_loop3A_900 {strides = array<i32>} : memref<32x8x129xf32, #tpu.memory_space<vmem>>, vector<16xf32>,
        } {sc.loop_unroll_factor = 4 : i64, sc.parallel_access}
        %add3A_590 = arith.constant 96 : i32
        %add3A_591 = vector.broadcast %add3A_590 : i32 to vector<16xi32>
        %add3A_592 = arith.addi %iota3A, %add3A_591 : vector<16xi32>
        %sub3A_593 = arith.constant 1 : i32
        %sub3A_594 = vector.broadcast %sub3A_593 : i32 to vector<16xi32>
        %sub3A_595 = arith.subi %add3A_592, %sub3A_594 : vector<16xi32>
        %max3A_596 = arith.constant 0 : i32
        %max3A_597 = vector.broadcast %max3A_596 : i32 to vector<16xi32>
        %max3A_598 = arith.maxsi %sub3A_595, %max3A_597 : vector<16xi32>
        %eq3A_599 = arith.constant 0 : i32
        %eq3A_600 = vector.broadcast %eq3A_599 : i32 to vector<16xi32>
        %eq3A_601 = arith.cmpi eq, %add3A_592, %eq3A_600 : vector<16xi32>
        %or3A_602 = arith.ori %eq3A_601, %broadcast_in_dim3A_123 : vector<16xi1>
        %gather3A_603 = tpu.vector_load_idx %arg10[%add3A_133, %max3A_598] : memref<8x128xi32, #tpu.memory_space<vmem>>[vector<16xi32>, vector<16xi32>], vector<16xi32>,
        %jit3A_604 = arith.constant 512 : i32
        %broadcast_in_dim3A_605 = vector.broadcast %jit3A_604 : i32 to vector<16xi32>
        %select_n3A_606 = arith.select %or3A_602, %broadcast_in_dim3A_605, %gather3A_603 : vector<16xi1>, vector<16xi32>
        %jit3A_607 = arith.constant 0 : i32
        %jit3A_608 = arith.constant 512 : i32
        %max3A_609 = vector.broadcast %jit3A_607 : i32 to vector<16xi32>
        %max3A_610 = arith.maxsi %max3A_609, %select_n3A_606 : vector<16xi32>
        %min3A_611 = vector.broadcast %jit3A_608 : i32 to vector<16xi32>
        %min3A_612 = arith.minsi %min3A_611, %max3A_610 : vector<16xi32>
        %mul3A_613 = arith.constant 17 : i32
        %mul3A_614 = vector.broadcast %mul3A_613 : i32 to vector<16xi32>
        %mul3A_615 = arith.muli %min3A_612, %mul3A_614 : vector<16xi32>
        %broadcast_in_dim3A_616 = arith.constant 0 : i32
        %broadcast_in_dim3A_617 = vector.broadcast %broadcast_in_dim3A_616 : i32 to vector<16xi32>
        %gather3A_618 = tpu.vector_load_idx %arg11[%add3A_133, %max3A_598, %broadcast_in_dim3A_617] : memref<8x128x3xi32, #tpu.memory_space<vmem>>[vector<16xi32>, vector<16xi32>, vector<16xi32>], vector<16xi32>,
        %jit3A_619 = arith.constant 1537 : i32
        %broadcast_in_dim3A_620 = vector.broadcast %jit3A_619 : i32 to vector<16xi32>
        %select_n3A_621 = arith.select %or3A_602, %broadcast_in_dim3A_620, %gather3A_618 : vector<16xi1>, vector<16xi32>
        %broadcast_in_dim3A_622 = arith.constant 1 : i32
        %broadcast_in_dim3A_623 = vector.broadcast %broadcast_in_dim3A_622 : i32 to vector<16xi32>
        %gather3A_624 = tpu.vector_load_idx %arg11[%add3A_133, %max3A_598, %broadcast_in_dim3A_623] : memref<8x128x3xi32, #tpu.memory_space<vmem>>[vector<16xi32>, vector<16xi32>, vector<16xi32>], vector<16xi32>,
        %jit3A_625 = arith.constant 1537 : i32
        %broadcast_in_dim3A_626 = vector.broadcast %jit3A_625 : i32 to vector<16xi32>
        %select_n3A_627 = arith.select %or3A_602, %broadcast_in_dim3A_626, %gather3A_624 : vector<16xi1>, vector<16xi32>
        %broadcast_in_dim3A_628 = arith.constant 2 : i32
        %broadcast_in_dim3A_629 = vector.broadcast %broadcast_in_dim3A_628 : i32 to vector<16xi32>
        %gather3A_630 = tpu.vector_load_idx %arg11[%add3A_133, %max3A_598, %broadcast_in_dim3A_629] : memref<8x128x3xi32, #tpu.memory_space<vmem>>[vector<16xi32>, vector<16xi32>, vector<16xi32>], vector<16xi32>,
        %jit3A_631 = arith.constant 1537 : i32
        %broadcast_in_dim3A_632 = vector.broadcast %jit3A_631 : i32 to vector<16xi32>
        %select_n3A_633 = arith.select %or3A_602, %broadcast_in_dim3A_632, %gather3A_630 : vector<16xi1>, vector<16xi32>
        %jit3A_634 = arith.constant 0 : i32
        %jit3A_635 = arith.constant 1537 : i32
        %max3A_636 = vector.broadcast %jit3A_634 : i32 to vector<16xi32>
        %max3A_637 = arith.maxsi %max3A_636, %select_n3A_621 : vector<16xi32>
        %min3A_638 = vector.broadcast %jit3A_635 : i32 to vector<16xi32>
        %min3A_639 = arith.minsi %min3A_638, %max3A_637 : vector<16xi32>
        %mul3A_640 = arith.constant 17 : i32
        %mul3A_641 = vector.broadcast %mul3A_640 : i32 to vector<16xi32>
        %mul3A_642 = arith.muli %min3A_639, %mul3A_641 : vector<16xi32>
        %jit3A_643 = arith.constant 0 : i32
        %jit3A_644 = arith.constant 1537 : i32
        %max3A_645 = vector.broadcast %jit3A_643 : i32 to vector<16xi32>
        %max3A_646 = arith.maxsi %max3A_645, %select_n3A_627 : vector<16xi32>
        %min3A_647 = vector.broadcast %jit3A_644 : i32 to vector<16xi32>
        %min3A_648 = arith.minsi %min3A_647, %max3A_646 : vector<16xi32>
        %mul3A_649 = arith.constant 17 : i32
        %mul3A_650 = vector.broadcast %mul3A_649 : i32 to vector<16xi32>
        %mul3A_651 = arith.muli %min3A_648, %mul3A_650 : vector<16xi32>
        %jit3A_652 = arith.constant 0 : i32
        %jit3A_653 = arith.constant 1537 : i32
        %max3A_654 = vector.broadcast %jit3A_652 : i32 to vector<16xi32>
        %max3A_655 = arith.maxsi %max3A_654, %select_n3A_633 : vector<16xi32>
        %min3A_656 = vector.broadcast %jit3A_653 : i32 to vector<16xi32>
        %min3A_657 = arith.minsi %min3A_656, %max3A_655 : vector<16xi32>
        %mul3A_658 = arith.constant 17 : i32
        %mul3A_659 = vector.broadcast %mul3A_658 : i32 to vector<16xi32>
        %mul3A_660 = arith.muli %min3A_657, %mul3A_659 : vector<16xi32>
        %get3A_661 = arith.index_cast %scan3A_120 : i32 to index
        %get3A_662 = arith.constant 96 : index
        %get3A_663 = tpu.vector_load %arg12[%get3A_661, %get3A_662] {strides = array<i32>} : memref<8x144xf32, #tpu.memory_space<vmem>>, vector<16xf32>,
        %parallel_loop3A_664 = arith.constant 0 : i32
        %parallel_loop3A_665 = arith.constant 16 : i32
        %parallel_loop3A_666 = arith.constant 1 : i32
        scf.for %parallel_loop3A_853 = %parallel_loop3A_664 to %parallel_loop3A_665 step %parallel_loop3A_666  : i32 {
          %parallel_loop3A_854 = vector.broadcast %parallel_loop3A_853 : i32 to vector<16xi32>
          %parallel_loop3A_855 = arith.addi %mul3A_615, %parallel_loop3A_854 : vector<16xi32>
          %parallel_loop3A_856 = tpu.vector_load_idx %arg8[%parallel_loop3A_855] : memref<8721xi32, #tpu.memory_space<vmem>>[vector<16xi32>], vector<16xi32>,
          %parallel_loop3A_857 = vector.bitcast %parallel_loop3A_856 : vector<16xi32> to vector<32xbf16>
          %parallel_loop3A_858 = tpu.unpack_subelements %parallel_loop3A_857, 0 {pack_format = #tpu.pack_format<interleaved>} : vector<32xbf16> -> vector<16xf32>
          %parallel_loop3A_859 = tpu.unpack_subelements %parallel_loop3A_857, 1 {pack_format = #tpu.pack_format<interleaved>} : vector<32xbf16> -> vector<16xf32>
          %parallel_loop3A_860 = vector.broadcast %parallel_loop3A_853 : i32 to vector<16xi32>
          %parallel_loop3A_861 = arith.addi %mul3A_642, %parallel_loop3A_860 : vector<16xi32>
          %parallel_loop3A_862 = tpu.vector_load_idx %arg9[%parallel_loop3A_861] : memref<26146xi32, #tpu.memory_space<vmem>>[vector<16xi32>], vector<16xi32>,
          %parallel_loop3A_863 = vector.bitcast %parallel_loop3A_862 : vector<16xi32> to vector<32xbf16>
          %parallel_loop3A_864 = tpu.unpack_subelements %parallel_loop3A_863, 0 {pack_format = #tpu.pack_format<interleaved>} : vector<32xbf16> -> vector<16xf32>
          %parallel_loop3A_865 = tpu.unpack_subelements %parallel_loop3A_863, 1 {pack_format = #tpu.pack_format<interleaved>} : vector<32xbf16> -> vector<16xf32>
          %parallel_loop3A_866 = vector.broadcast %parallel_loop3A_853 : i32 to vector<16xi32>
          %parallel_loop3A_867 = arith.addi %mul3A_651, %parallel_loop3A_866 : vector<16xi32>
          %parallel_loop3A_868 = tpu.vector_load_idx %arg9[%parallel_loop3A_867] : memref<26146xi32, #tpu.memory_space<vmem>>[vector<16xi32>], vector<16xi32>,
          %parallel_loop3A_869 = vector.bitcast %parallel_loop3A_868 : vector<16xi32> to vector<32xbf16>
          %parallel_loop3A_870 = tpu.unpack_subelements %parallel_loop3A_869, 0 {pack_format = #tpu.pack_format<interleaved>} : vector<32xbf16> -> vector<16xf32>
          %parallel_loop3A_871 = tpu.unpack_subelements %parallel_loop3A_869, 1 {pack_format = #tpu.pack_format<interleaved>} : vector<32xbf16> -> vector<16xf32>
          %parallel_loop3A_872 = vector.broadcast %parallel_loop3A_853 : i32 to vector<16xi32>
          %parallel_loop3A_873 = arith.addi %mul3A_660, %parallel_loop3A_872 : vector<16xi32>
          %parallel_loop3A_874 = tpu.vector_load_idx %arg9[%parallel_loop3A_873] : memref<26146xi32, #tpu.memory_space<vmem>>[vector<16xi32>], vector<16xi32>,
          %parallel_loop3A_875 = vector.bitcast %parallel_loop3A_874 : vector<16xi32> to vector<32xbf16>
          %parallel_loop3A_876 = tpu.unpack_subelements %parallel_loop3A_875, 0 {pack_format = #tpu.pack_format<interleaved>} : vector<32xbf16> -> vector<16xf32>
          %parallel_loop3A_877 = tpu.unpack_subelements %parallel_loop3A_875, 1 {pack_format = #tpu.pack_format<interleaved>} : vector<32xbf16> -> vector<16xf32>
          %parallel_loop3A_878 = arith.addf %get3A_663, %parallel_loop3A_858 : vector<16xf32>
          %parallel_loop3A_879 = arith.addf %parallel_loop3A_864, %parallel_loop3A_870 : vector<16xf32>
          %parallel_loop3A_880 = arith.addf %parallel_loop3A_879, %parallel_loop3A_876 : vector<16xf32>
          %parallel_loop3A_881 = arith.constant 0.333333343 : f32
          %parallel_loop3A_882 = vector.broadcast %parallel_loop3A_881 : f32 to vector<16xf32>
          %parallel_loop3A_883 = arith.mulf %parallel_loop3A_880, %parallel_loop3A_882 : vector<16xf32>
          %parallel_loop3A_884 = arith.addf %parallel_loop3A_878, %parallel_loop3A_883 : vector<16xf32>
          %parallel_loop3A_885 = arith.constant 0 : i32
          %parallel_loop3A_886 = arith.constant 0 : i32
          %parallel_loop3A_887 = arith.constant 0 : i32
          %parallel_loop3A_888 = tpu.memref_slice %arg13[%and3A_52, %parallel_loop3A_885, %parallel_loop3A_886, %parallel_loop3A_887] : memref<2x32x8x129xf32, #tpu.memory_space<vmem>> -> memref<1x32x8x129xf32, #tpu.memory_space<vmem>>
          %parallel_loop3A_889 = tpu.memref_squeeze %parallel_loop3A_888 : memref<1x32x8x129xf32, #tpu.memory_space<vmem>> -> memref<32x8x129xf32, #tpu.memory_space<vmem>>
          %parallel_loop3A_890 = arith.index_cast %parallel_loop3A_853 : i32 to index
          %parallel_loop3A_891 = arith.index_cast %scan3A_120 : i32 to index
          %parallel_loop3A_892 = arith.constant 96 : index
          %parallel_loop3A_893 = tpu.vector_load %parallel_loop3A_889[%parallel_loop3A_890, %parallel_loop3A_891, %parallel_loop3A_892] {strides = array<i32>} : memref<32x8x129xf32, #tpu.memory_space<vmem>>, vector<16xf32>,
          tpu.vector_store %parallel_loop3A_889[%parallel_loop3A_890, %parallel_loop3A_891, %parallel_loop3A_892], %parallel_loop3A_884 {strides = array<i32>} : memref<32x8x129xf32, #tpu.memory_space<vmem>>, vector<16xf32>,
          %parallel_loop3A_894 = arith.addf %get3A_663, %parallel_loop3A_859 : vector<16xf32>
          %parallel_loop3A_895 = arith.addf %parallel_loop3A_865, %parallel_loop3A_871 : vector<16xf32>
          %parallel_loop3A_896 = arith.addf %parallel_loop3A_895, %parallel_loop3A_877 : vector<16xf32>
          %parallel_loop3A_897 = arith.constant 0.333333343 : f32
          %parallel_loop3A_898 = vector.broadcast %parallel_loop3A_897 : f32 to vector<16xf32>
          %parallel_loop3A_899 = arith.mulf %parallel_loop3A_896, %parallel_loop3A_898 : vector<16xf32>
          %parallel_loop3A_900 = arith.addf %parallel_loop3A_894, %parallel_loop3A_899 : vector<16xf32>
          %parallel_loop3A_901 = arith.constant 16 : i32
          %parallel_loop3A_902 = arith.addi %parallel_loop3A_853, %parallel_loop3A_901 : i32
          %parallel_loop3A_903 = arith.constant 0 : i32
          %parallel_loop3A_904 = arith.constant 0 : i32
          %parallel_loop3A_905 = arith.constant 0 : i32
          %parallel_loop3A_906 = tpu.memref_slice %arg13[%and3A_52, %parallel_loop3A_903, %parallel_loop3A_904, %parallel_loop3A_905] : memref<2x32x8x129xf32, #tpu.memory_space<vmem>> -> memref<1x32x8x129xf32, #tpu.memory_space<vmem>>
          %parallel_loop3A_907 = tpu.memref_squeeze %parallel_loop3A_906 : memref<1x32x8x129xf32, #tpu.memory_space<vmem>> -> memref<32x8x129xf32, #tpu.memory_space<vmem>>
          %parallel_loop3A_908 = arith.index_cast %parallel_loop3A_902 : i32 to index
          %parallel_loop3A_909 = arith.index_cast %scan3A_120 : i32 to index
          %parallel_loop3A_910 = arith.constant 96 : index
          %parallel_loop3A_911 = tpu.vector_load %parallel_loop3A_907[%parallel_loop3A_908, %parallel_loop3A_909, %parallel_loop3A_910] {strides = array<i32>} : memref<32x8x129xf32, #tpu.memory_space<vmem>>, vector<16xf32>,
          tpu.vector_store %parallel_loop3A_907[%parallel_loop3A_908, %parallel_loop3A_909, %parallel_loop3A_910], %parallel_loop3A_900 {strides = array<i32>} : memref<32x8x129xf32, #tpu.memory_space<vmem>>, vector<16xf32>,
        } {sc.loop_unroll_factor = 4 : i64, sc.parallel_access}
        %add3A_667 = arith.constant 112 : i32
        %add3A_668 = vector.broadcast %add3A_667 : i32 to vector<16xi32>
        %add3A_669 = arith.addi %iota3A, %add3A_668 : vector<16xi32>
        %sub3A_670 = arith.constant 1 : i32
        %sub3A_671 = vector.broadcast %sub3A_670 : i32 to vector<16xi32>
        %sub3A_672 = arith.subi %add3A_669, %sub3A_671 : vector<16xi32>
        %max3A_673 = arith.constant 0 : i32
        %max3A_674 = vector.broadcast %max3A_673 : i32 to vector<16xi32>
        %max3A_675 = arith.maxsi %sub3A_672, %max3A_674 : vector<16xi32>
        %eq3A_676 = arith.constant 0 : i32
        %eq3A_677 = vector.broadcast %eq3A_676 : i32 to vector<16xi32>
        %eq3A_678 = arith.cmpi eq, %add3A_669, %eq3A_677 : vector<16xi32>
        %or3A_679 = arith.ori %eq3A_678, %broadcast_in_dim3A_123 : vector<16xi1>
        %gather3A_680 = tpu.vector_load_idx %arg10[%add3A_133, %max3A_675] : memref<8x128xi32, #tpu.memory_space<vmem>>[vector<16xi32>, vector<16xi32>], vector<16xi32>,
        %jit3A_681 = arith.constant 512 : i32
        %broadcast_in_dim3A_682 = vector.broadcast %jit3A_681 : i32 to vector<16xi32>
        %select_n3A_683 = arith.select %or3A_679, %broadcast_in_dim3A_682, %gather3A_680 : vector<16xi1>, vector<16xi32>
        %jit3A_684 = arith.constant 0 : i32
        %jit3A_685 = arith.constant 512 : i32
        %max3A_686 = vector.broadcast %jit3A_684 : i32 to vector<16xi32>
        %max3A_687 = arith.maxsi %max3A_686, %select_n3A_683 : vector<16xi32>
        %min3A_688 = vector.broadcast %jit3A_685 : i32 to vector<16xi32>
        %min3A_689 = arith.minsi %min3A_688, %max3A_687 : vector<16xi32>
        %mul3A_690 = arith.constant 17 : i32
        %mul3A_691 = vector.broadcast %mul3A_690 : i32 to vector<16xi32>
        %mul3A_692 = arith.muli %min3A_689, %mul3A_691 : vector<16xi32>
        %broadcast_in_dim3A_693 = arith.constant 0 : i32
        %broadcast_in_dim3A_694 = vector.broadcast %broadcast_in_dim3A_693 : i32 to vector<16xi32>
        %gather3A_695 = tpu.vector_load_idx %arg11[%add3A_133, %max3A_675, %broadcast_in_dim3A_694] : memref<8x128x3xi32, #tpu.memory_space<vmem>>[vector<16xi32>, vector<16xi32>, vector<16xi32>], vector<16xi32>,
        %jit3A_696 = arith.constant 1537 : i32
        %broadcast_in_dim3A_697 = vector.broadcast %jit3A_696 : i32 to vector<16xi32>
        %select_n3A_698 = arith.select %or3A_679, %broadcast_in_dim3A_697, %gather3A_695 : vector<16xi1>, vector<16xi32>
        %broadcast_in_dim3A_699 = arith.constant 1 : i32
        %broadcast_in_dim3A_700 = vector.broadcast %broadcast_in_dim3A_699 : i32 to vector<16xi32>
        %gather3A_701 = tpu.vector_load_idx %arg11[%add3A_133, %max3A_675, %broadcast_in_dim3A_700] : memref<8x128x3xi32, #tpu.memory_space<vmem>>[vector<16xi32>, vector<16xi32>, vector<16xi32>], vector<16xi32>,
        %jit3A_702 = arith.constant 1537 : i32
        %broadcast_in_dim3A_703 = vector.broadcast %jit3A_702 : i32 to vector<16xi32>
        %select_n3A_704 = arith.select %or3A_679, %broadcast_in_dim3A_703, %gather3A_701 : vector<16xi1>, vector<16xi32>
        %broadcast_in_dim3A_705 = arith.constant 2 : i32
        %broadcast_in_dim3A_706 = vector.broadcast %broadcast_in_dim3A_705 : i32 to vector<16xi32>
        %gather3A_707 = tpu.vector_load_idx %arg11[%add3A_133, %max3A_675, %broadcast_in_dim3A_706] : memref<8x128x3xi32, #tpu.memory_space<vmem>>[vector<16xi32>, vector<16xi32>, vector<16xi32>], vector<16xi32>,
        %jit3A_708 = arith.constant 1537 : i32
        %broadcast_in_dim3A_709 = vector.broadcast %jit3A_708 : i32 to vector<16xi32>
        %select_n3A_710 = arith.select %or3A_679, %broadcast_in_dim3A_709, %gather3A_707 : vector<16xi1>, vector<16xi32>
        %jit3A_711 = arith.constant 0 : i32
        %jit3A_712 = arith.constant 1537 : i32
        %max3A_713 = vector.broadcast %jit3A_711 : i32 to vector<16xi32>
        %max3A_714 = arith.maxsi %max3A_713, %select_n3A_698 : vector<16xi32>
        %min3A_715 = vector.broadcast %jit3A_712 : i32 to vector<16xi32>
        %min3A_716 = arith.minsi %min3A_715, %max3A_714 : vector<16xi32>
        %mul3A_717 = arith.constant 17 : i32
        %mul3A_718 = vector.broadcast %mul3A_717 : i32 to vector<16xi32>
        %mul3A_719 = arith.muli %min3A_716, %mul3A_718 : vector<16xi32>
        %jit3A_720 = arith.constant 0 : i32
        %jit3A_721 = arith.constant 1537 : i32
        %max3A_722 = vector.broadcast %jit3A_720 : i32 to vector<16xi32>
        %max3A_723 = arith.maxsi %max3A_722, %select_n3A_704 : vector<16xi32>
        %min3A_724 = vector.broadcast %jit3A_721 : i32 to vector<16xi32>
        %min3A_725 = arith.minsi %min3A_724, %max3A_723 : vector<16xi32>
        %mul3A_726 = arith.constant 17 : i32
        %mul3A_727 = vector.broadcast %mul3A_726 : i32 to vector<16xi32>
        %mul3A_728 = arith.muli %min3A_725, %mul3A_727 : vector<16xi32>
        %jit3A_729 = arith.constant 0 : i32
        %jit3A_730 = arith.constant 1537 : i32
        %max3A_731 = vector.broadcast %jit3A_729 : i32 to vector<16xi32>
        %max3A_732 = arith.maxsi %max3A_731, %select_n3A_710 : vector<16xi32>
        %min3A_733 = vector.broadcast %jit3A_730 : i32 to vector<16xi32>
        %min3A_734 = arith.minsi %min3A_733, %max3A_732 : vector<16xi32>
        %mul3A_735 = arith.constant 17 : i32
        %mul3A_736 = vector.broadcast %mul3A_735 : i32 to vector<16xi32>
        %mul3A_737 = arith.muli %min3A_734, %mul3A_736 : vector<16xi32>
        %get3A_738 = arith.index_cast %scan3A_120 : i32 to index
        %get3A_739 = arith.constant 112 : index
        %get3A_740 = tpu.vector_load %arg12[%get3A_738, %get3A_739] {strides = array<i32>} : memref<8x144xf32, #tpu.memory_space<vmem>>, vector<16xf32>,
        %parallel_loop3A_741 = arith.constant 0 : i32
        %parallel_loop3A_742 = arith.constant 16 : i32
        %parallel_loop3A_743 = arith.constant 1 : i32
        scf.for %parallel_loop3A_853 = %parallel_loop3A_741 to %parallel_loop3A_742 step %parallel_loop3A_743  : i32 {
          %parallel_loop3A_854 = vector.broadcast %parallel_loop3A_853 : i32 to vector<16xi32>
          %parallel_loop3A_855 = arith.addi %mul3A_692, %parallel_loop3A_854 : vector<16xi32>
          %parallel_loop3A_856 = tpu.vector_load_idx %arg8[%parallel_loop3A_855] : memref<8721xi32, #tpu.memory_space<vmem>>[vector<16xi32>], vector<16xi32>,
          %parallel_loop3A_857 = vector.bitcast %parallel_loop3A_856 : vector<16xi32> to vector<32xbf16>
          %parallel_loop3A_858 = tpu.unpack_subelements %parallel_loop3A_857, 0 {pack_format = #tpu.pack_format<interleaved>} : vector<32xbf16> -> vector<16xf32>
          %parallel_loop3A_859 = tpu.unpack_subelements %parallel_loop3A_857, 1 {pack_format = #tpu.pack_format<interleaved>} : vector<32xbf16> -> vector<16xf32>
          %parallel_loop3A_860 = vector.broadcast %parallel_loop3A_853 : i32 to vector<16xi32>
          %parallel_loop3A_861 = arith.addi %mul3A_719, %parallel_loop3A_860 : vector<16xi32>
          %parallel_loop3A_862 = tpu.vector_load_idx %arg9[%parallel_loop3A_861] : memref<26146xi32, #tpu.memory_space<vmem>>[vector<16xi32>], vector<16xi32>,
          %parallel_loop3A_863 = vector.bitcast %parallel_loop3A_862 : vector<16xi32> to vector<32xbf16>
          %parallel_loop3A_864 = tpu.unpack_subelements %parallel_loop3A_863, 0 {pack_format = #tpu.pack_format<interleaved>} : vector<32xbf16> -> vector<16xf32>
          %parallel_loop3A_865 = tpu.unpack_subelements %parallel_loop3A_863, 1 {pack_format = #tpu.pack_format<interleaved>} : vector<32xbf16> -> vector<16xf32>
          %parallel_loop3A_866 = vector.broadcast %parallel_loop3A_853 : i32 to vector<16xi32>
          %parallel_loop3A_867 = arith.addi %mul3A_728, %parallel_loop3A_866 : vector<16xi32>
          %parallel_loop3A_868 = tpu.vector_load_idx %arg9[%parallel_loop3A_867] : memref<26146xi32, #tpu.memory_space<vmem>>[vector<16xi32>], vector<16xi32>,
          %parallel_loop3A_869 = vector.bitcast %parallel_loop3A_868 : vector<16xi32> to vector<32xbf16>
          %parallel_loop3A_870 = tpu.unpack_subelements %parallel_loop3A_869, 0 {pack_format = #tpu.pack_format<interleaved>} : vector<32xbf16> -> vector<16xf32>
          %parallel_loop3A_871 = tpu.unpack_subelements %parallel_loop3A_869, 1 {pack_format = #tpu.pack_format<interleaved>} : vector<32xbf16> -> vector<16xf32>
          %parallel_loop3A_872 = vector.broadcast %parallel_loop3A_853 : i32 to vector<16xi32>
          %parallel_loop3A_873 = arith.addi %mul3A_737, %parallel_loop3A_872 : vector<16xi32>
          %parallel_loop3A_874 = tpu.vector_load_idx %arg9[%parallel_loop3A_873] : memref<26146xi32, #tpu.memory_space<vmem>>[vector<16xi32>], vector<16xi32>,
          %parallel_loop3A_875 = vector.bitcast %parallel_loop3A_874 : vector<16xi32> to vector<32xbf16>
          %parallel_loop3A_876 = tpu.unpack_subelements %parallel_loop3A_875, 0 {pack_format = #tpu.pack_format<interleaved>} : vector<32xbf16> -> vector<16xf32>
          %parallel_loop3A_877 = tpu.unpack_subelements %parallel_loop3A_875, 1 {pack_format = #tpu.pack_format<interleaved>} : vector<32xbf16> -> vector<16xf32>
          %parallel_loop3A_878 = arith.addf %get3A_740, %parallel_loop3A_858 : vector<16xf32>
          %parallel_loop3A_879 = arith.addf %parallel_loop3A_864, %parallel_loop3A_870 : vector<16xf32>
          %parallel_loop3A_880 = arith.addf %parallel_loop3A_879, %parallel_loop3A_876 : vector<16xf32>
          %parallel_loop3A_881 = arith.constant 0.333333343 : f32
          %parallel_loop3A_882 = vector.broadcast %parallel_loop3A_881 : f32 to vector<16xf32>
          %parallel_loop3A_883 = arith.mulf %parallel_loop3A_880, %parallel_loop3A_882 : vector<16xf32>
          %parallel_loop3A_884 = arith.addf %parallel_loop3A_878, %parallel_loop3A_883 : vector<16xf32>
          %parallel_loop3A_885 = arith.constant 0 : i32
          %parallel_loop3A_886 = arith.constant 0 : i32
          %parallel_loop3A_887 = arith.constant 0 : i32
          %parallel_loop3A_888 = tpu.memref_slice %arg13[%and3A_52, %parallel_loop3A_885, %parallel_loop3A_886, %parallel_loop3A_887] : memref<2x32x8x129xf32, #tpu.memory_space<vmem>> -> memref<1x32x8x129xf32, #tpu.memory_space<vmem>>
          %parallel_loop3A_889 = tpu.memref_squeeze %parallel_loop3A_888 : memref<1x32x8x129xf32, #tpu.memory_space<vmem>> -> memref<32x8x129xf32, #tpu.memory_space<vmem>>
          %parallel_loop3A_890 = arith.index_cast %parallel_loop3A_853 : i32 to index
          %parallel_loop3A_891 = arith.index_cast %scan3A_120 : i32 to index
          %parallel_loop3A_892 = arith.constant 112 : index
          %parallel_loop3A_893 = tpu.vector_load %parallel_loop3A_889[%parallel_loop3A_890, %parallel_loop3A_891, %parallel_loop3A_892] {strides = array<i32>} : memref<32x8x129xf32, #tpu.memory_space<vmem>>, vector<16xf32>,
          tpu.vector_store %parallel_loop3A_889[%parallel_loop3A_890, %parallel_loop3A_891, %parallel_loop3A_892], %parallel_loop3A_884 {strides = array<i32>} : memref<32x8x129xf32, #tpu.memory_space<vmem>>, vector<16xf32>,
          %parallel_loop3A_894 = arith.addf %get3A_740, %parallel_loop3A_859 : vector<16xf32>
          %parallel_loop3A_895 = arith.addf %parallel_loop3A_865, %parallel_loop3A_871 : vector<16xf32>
          %parallel_loop3A_896 = arith.addf %parallel_loop3A_895, %parallel_loop3A_877 : vector<16xf32>
          %parallel_loop3A_897 = arith.constant 0.333333343 : f32
          %parallel_loop3A_898 = vector.broadcast %parallel_loop3A_897 : f32 to vector<16xf32>
          %parallel_loop3A_899 = arith.mulf %parallel_loop3A_896, %parallel_loop3A_898 : vector<16xf32>
          %parallel_loop3A_900 = arith.addf %parallel_loop3A_894, %parallel_loop3A_899 : vector<16xf32>
          %parallel_loop3A_901 = arith.constant 16 : i32
          %parallel_loop3A_902 = arith.addi %parallel_loop3A_853, %parallel_loop3A_901 : i32
          %parallel_loop3A_903 = arith.constant 0 : i32
          %parallel_loop3A_904 = arith.constant 0 : i32
          %parallel_loop3A_905 = arith.constant 0 : i32
          %parallel_loop3A_906 = tpu.memref_slice %arg13[%and3A_52, %parallel_loop3A_903, %parallel_loop3A_904, %parallel_loop3A_905] : memref<2x32x8x129xf32, #tpu.memory_space<vmem>> -> memref<1x32x8x129xf32, #tpu.memory_space<vmem>>
          %parallel_loop3A_907 = tpu.memref_squeeze %parallel_loop3A_906 : memref<1x32x8x129xf32, #tpu.memory_space<vmem>> -> memref<32x8x129xf32, #tpu.memory_space<vmem>>
          %parallel_loop3A_908 = arith.index_cast %parallel_loop3A_902 : i32 to index
          %parallel_loop3A_909 = arith.index_cast %scan3A_120 : i32 to index
          %parallel_loop3A_910 = arith.constant 112 : index
          %parallel_loop3A_911 = tpu.vector_load %parallel_loop3A_907[%parallel_loop3A_908, %parallel_loop3A_909, %parallel_loop3A_910] {strides = array<i32>} : memref<32x8x129xf32, #tpu.memory_space<vmem>>, vector<16xf32>,
          tpu.vector_store %parallel_loop3A_907[%parallel_loop3A_908, %parallel_loop3A_909, %parallel_loop3A_910], %parallel_loop3A_900 {strides = array<i32>} : memref<32x8x129xf32, #tpu.memory_space<vmem>>, vector<16xf32>,
        } {sc.loop_unroll_factor = 4 : i64, sc.parallel_access}
        %broadcast_in_dim3A_744 = arith.constant 0 : i32
        %broadcast_in_dim3A_745 = vector.broadcast %broadcast_in_dim3A_744 : i32 to vector<16xi32>
        %add3A_746 = vector.broadcast %scan3A_120 : i32 to vector<16xi32>
        %add3A_747 = arith.addi %broadcast_in_dim3A_745, %add3A_746 : vector<16xi32>
        %broadcast_in_dim3A_748 = arith.constant 127 : i32
        %broadcast_in_dim3A_749 = vector.broadcast %broadcast_in_dim3A_748 : i32 to vector<16xi32>
        %gather3A_750 = tpu.vector_load_idx %arg10[%add3A_133, %broadcast_in_dim3A_749] : memref<8x128xi32, #tpu.memory_space<vmem>>[vector<16xi32>, vector<16xi32>], vector<16xi32>,
        %jit3A_751 = arith.constant 512 : i32
        %broadcast_in_dim3A_752 = vector.broadcast %jit3A_751 : i32 to vector<16xi32>
        %select_n3A_753 = arith.select %broadcast_in_dim3A_123, %broadcast_in_dim3A_752, %gather3A_750 : vector<16xi1>, vector<16xi32>
        %jit3A_754 = arith.constant 0 : i32
        %jit3A_755 = arith.constant 512 : i32
        %max3A_756 = vector.broadcast %jit3A_754 : i32 to vector<16xi32>
        %max3A_757 = arith.maxsi %max3A_756, %select_n3A_753 : vector<16xi32>
        %min3A_758 = vector.broadcast %jit3A_755 : i32 to vector<16xi32>
        %min3A_759 = arith.minsi %min3A_758, %max3A_757 : vector<16xi32>
        %mul3A_760 = arith.constant 17 : i32
        %mul3A_761 = vector.broadcast %mul3A_760 : i32 to vector<16xi32>
        %mul3A_762 = arith.muli %min3A_759, %mul3A_761 : vector<16xi32>
        %broadcast_in_dim3A_763 = arith.constant 0 : i32
        %broadcast_in_dim3A_764 = vector.broadcast %broadcast_in_dim3A_763 : i32 to vector<16xi32>
        %gather3A_765 = tpu.vector_load_idx %arg11[%add3A_133, %broadcast_in_dim3A_749, %broadcast_in_dim3A_764] : memref<8x128x3xi32, #tpu.memory_space<vmem>>[vector<16xi32>, vector<16xi32>, vector<16xi32>], vector<16xi32>,
        %jit3A_766 = arith.constant 1537 : i32
        %broadcast_in_dim3A_767 = vector.broadcast %jit3A_766 : i32 to vector<16xi32>
        %select_n3A_768 = arith.select %broadcast_in_dim3A_123, %broadcast_in_dim3A_767, %gather3A_765 : vector<16xi1>, vector<16xi32>
        %broadcast_in_dim3A_769 = arith.constant 1 : i32
        %broadcast_in_dim3A_770 = vector.broadcast %broadcast_in_dim3A_769 : i32 to vector<16xi32>
        %gather3A_771 = tpu.vector_load_idx %arg11[%add3A_133, %broadcast_in_dim3A_749, %broadcast_in_dim3A_770] : memref<8x128x3xi32, #tpu.memory_space<vmem>>[vector<16xi32>, vector<16xi32>, vector<16xi32>], vector<16xi32>,
        %jit3A_772 = arith.constant 1537 : i32
        %broadcast_in_dim3A_773 = vector.broadcast %jit3A_772 : i32 to vector<16xi32>
        %select_n3A_774 = arith.select %broadcast_in_dim3A_123, %broadcast_in_dim3A_773, %gather3A_771 : vector<16xi1>, vector<16xi32>
        %broadcast_in_dim3A_775 = arith.constant 2 : i32
        %broadcast_in_dim3A_776 = vector.broadcast %broadcast_in_dim3A_775 : i32 to vector<16xi32>
        %gather3A_777 = tpu.vector_load_idx %arg11[%add3A_133, %broadcast_in_dim3A_749, %broadcast_in_dim3A_776] : memref<8x128x3xi32, #tpu.memory_space<vmem>>[vector<16xi32>, vector<16xi32>, vector<16xi32>], vector<16xi32>,
        %jit3A_778 = arith.constant 1537 : i32
        %broadcast_in_dim3A_779 = vector.broadcast %jit3A_778 : i32 to vector<16xi32>
        %select_n3A_780 = arith.select %broadcast_in_dim3A_123, %broadcast_in_dim3A_779, %gather3A_777 : vector<16xi1>, vector<16xi32>
        %jit3A_781 = arith.constant 0 : i32
        %jit3A_782 = arith.constant 1537 : i32
        %max3A_783 = vector.broadcast %jit3A_781 : i32 to vector<16xi32>
        %max3A_784 = arith.maxsi %max3A_783, %select_n3A_768 : vector<16xi32>
        %min3A_785 = vector.broadcast %jit3A_782 : i32 to vector<16xi32>
        %min3A_786 = arith.minsi %min3A_785, %max3A_784 : vector<16xi32>
        %mul3A_787 = arith.constant 17 : i32
        %mul3A_788 = vector.broadcast %mul3A_787 : i32 to vector<16xi32>
        %mul3A_789 = arith.muli %min3A_786, %mul3A_788 : vector<16xi32>
        %jit3A_790 = arith.constant 0 : i32
        %jit3A_791 = arith.constant 1537 : i32
        %max3A_792 = vector.broadcast %jit3A_790 : i32 to vector<16xi32>
        %max3A_793 = arith.maxsi %max3A_792, %select_n3A_774 : vector<16xi32>
        %min3A_794 = vector.broadcast %jit3A_791 : i32 to vector<16xi32>
        %min3A_795 = arith.minsi %min3A_794, %max3A_793 : vector<16xi32>
        %mul3A_796 = arith.constant 17 : i32
        %mul3A_797 = vector.broadcast %mul3A_796 : i32 to vector<16xi32>
        %mul3A_798 = arith.muli %min3A_795, %mul3A_797 : vector<16xi32>
        %jit3A_799 = arith.constant 0 : i32
        %jit3A_800 = arith.constant 1537 : i32
        %max3A_801 = vector.broadcast %jit3A_799 : i32 to vector<16xi32>
        %max3A_802 = arith.maxsi %max3A_801, %select_n3A_780 : vector<16xi32>
        %min3A_803 = vector.broadcast %jit3A_800 : i32 to vector<16xi32>
        %min3A_804 = arith.minsi %min3A_803, %max3A_802 : vector<16xi32>
        %mul3A_805 = arith.constant 17 : i32
        %mul3A_806 = vector.broadcast %mul3A_805 : i32 to vector<16xi32>
        %mul3A_807 = arith.muli %min3A_804, %mul3A_806 : vector<16xi32>
        %gather3A_808 = tpu.vector_load_idx %arg12[%add3A_747, %broadcast_in_dim3A_1] : memref<8x144xf32, #tpu.memory_space<vmem>>[vector<16xi32>, vector<16xi32>], vector<16xf32>,
        %add3A_809 = arith.addi %mul3A_762, %iota3A : vector<16xi32>
        %gather3A_810 = tpu.vector_load_idx %arg8[%add3A_809] : memref<8721xi32, #tpu.memory_space<vmem>>[vector<16xi32>], vector<16xi32>,
        %bitcast3A = vector.bitcast %gather3A_810 : vector<16xi32> to vector<32xbf16>
        %unpack3A = tpu.unpack_subelements %bitcast3A, 0 {pack_format = #tpu.pack_format<interleaved>} : vector<32xbf16> -> vector<16xf32>
        %unpack3A_811 = tpu.unpack_subelements %bitcast3A, 1 {pack_format = #tpu.pack_format<interleaved>} : vector<32xbf16> -> vector<16xf32>
        %add3A_812 = arith.addi %mul3A_789, %iota3A : vector<16xi32>
        %gather3A_813 = tpu.vector_load_idx %arg9[%add3A_812] : memref<26146xi32, #tpu.memory_space<vmem>>[vector<16xi32>], vector<16xi32>,
        %bitcast3A_814 = vector.bitcast %gather3A_813 : vector<16xi32> to vector<32xbf16>
        %unpack3A_815 = tpu.unpack_subelements %bitcast3A_814, 0 {pack_format = #tpu.pack_format<interleaved>} : vector<32xbf16> -> vector<16xf32>
        %unpack3A_816 = tpu.unpack_subelements %bitcast3A_814, 1 {pack_format = #tpu.pack_format<interleaved>} : vector<32xbf16> -> vector<16xf32>
        %add3A_817 = arith.addi %mul3A_798, %iota3A : vector<16xi32>
        %gather3A_818 = tpu.vector_load_idx %arg9[%add3A_817] : memref<26146xi32, #tpu.memory_space<vmem>>[vector<16xi32>], vector<16xi32>,
        %bitcast3A_819 = vector.bitcast %gather3A_818 : vector<16xi32> to vector<32xbf16>
        %unpack3A_820 = tpu.unpack_subelements %bitcast3A_819, 0 {pack_format = #tpu.pack_format<interleaved>} : vector<32xbf16> -> vector<16xf32>
        %unpack3A_821 = tpu.unpack_subelements %bitcast3A_819, 1 {pack_format = #tpu.pack_format<interleaved>} : vector<32xbf16> -> vector<16xf32>
        %add3A_822 = arith.addi %mul3A_807, %iota3A : vector<16xi32>
        %gather3A_823 = tpu.vector_load_idx %arg9[%add3A_822] : memref<26146xi32, #tpu.memory_space<vmem>>[vector<16xi32>], vector<16xi32>,
        %bitcast3A_824 = vector.bitcast %gather3A_823 : vector<16xi32> to vector<32xbf16>
        %unpack3A_825 = tpu.unpack_subelements %bitcast3A_824, 0 {pack_format = #tpu.pack_format<interleaved>} : vector<32xbf16> -> vector<16xf32>
        %unpack3A_826 = tpu.unpack_subelements %bitcast3A_824, 1 {pack_format = #tpu.pack_format<interleaved>} : vector<32xbf16> -> vector<16xf32>
        %add3A_827 = arith.addf %gather3A_808, %unpack3A : vector<16xf32>
        %add3A_828 = arith.addf %unpack3A_815, %unpack3A_820 : vector<16xf32>
        %add3A_829 = arith.addf %add3A_828, %unpack3A_825 : vector<16xf32>
        %mul3A_830 = arith.constant 0.333333343 : f32
        %mul3A_831 = vector.broadcast %mul3A_830 : f32 to vector<16xf32>
        %mul3A_832 = arith.mulf %add3A_829, %mul3A_831 : vector<16xf32>
        %add3A_833 = arith.addf %add3A_827, %mul3A_832 : vector<16xf32>
        %scatter3A = arith.constant 0 : i32
        %scatter3A_834 = arith.constant 0 : i32
        %scatter3A_835 = arith.constant 0 : i32
        %scatter3A_836 = tpu.memref_slice %arg13[%and3A_52, %scatter3A, %scatter3A_834, %scatter3A_835] : memref<2x32x8x129xf32, #tpu.memory_space<vmem>> -> memref<1x32x8x129xf32, #tpu.memory_space<vmem>>
        %scatter3A_837 = tpu.memref_squeeze %scatter3A_836 : memref<1x32x8x129xf32, #tpu.memory_space<vmem>> -> memref<32x8x129xf32, #tpu.memory_space<vmem>>
        tpu.vector_store_idx %scatter3A_837[%iota3A, %add3A_747, %broadcast_in_dim3A_1], %add3A_833 : memref<32x8x129xf32, #tpu.memory_space<vmem>>[vector<16xi32>, vector<16xi32>, vector<16xi32>], vector<16xf32>,
        %add3A_838 = arith.constant 16 : i32
        %add3A_839 = vector.broadcast %add3A_838 : i32 to vector<16xi32>
        %add3A_840 = arith.addi %iota3A, %add3A_839 : vector<16xi32>
        %add3A_841 = arith.addf %gather3A_808, %unpack3A_811 : vector<16xf32>
        %add3A_842 = arith.addf %unpack3A_816, %unpack3A_821 : vector<16xf32>
        %add3A_843 = arith.addf %add3A_842, %unpack3A_826 : vector<16xf32>
        %mul3A_844 = arith.constant 0.333333343 : f32
        %mul3A_845 = vector.broadcast %mul3A_844 : f32 to vector<16xf32>
        %mul3A_846 = arith.mulf %add3A_843, %mul3A_845 : vector<16xf32>
        %add3A_847 = arith.addf %add3A_841, %mul3A_846 : vector<16xf32>
        %scatter3A_848 = arith.constant 0 : i32
        %scatter3A_849 = arith.constant 0 : i32
        %scatter3A_850 = arith.constant 0 : i32
        %scatter3A_851 = tpu.memref_slice %arg13[%and3A_52, %scatter3A_848, %scatter3A_849, %scatter3A_850] : memref<2x32x8x129xf32, #tpu.memory_space<vmem>> -> memref<1x32x8x129xf32, #tpu.memory_space<vmem>>
        %scatter3A_852 = tpu.memref_squeeze %scatter3A_851 : memref<1x32x8x129xf32, #tpu.memory_space<vmem>> -> memref<32x8x129xf32, #tpu.memory_space<vmem>>
        tpu.vector_store_idx %scatter3A_852[%add3A_840, %add3A_747, %broadcast_in_dim3A_1], %add3A_847 : memref<32x8x129xf32, #tpu.memory_space<vmem>>[vector<16xi32>, vector<16xi32>, vector<16xi32>], vector<16xf32>,
      }
      %scan3A_101 = arith.constant 8 : i32
      %dma_start3A_102 = arith.constant 0 : i32
      %dma_start3A_103 = arith.constant 0 : i32
      %dma_start3A_104 = arith.constant 0 : i32
      %dma_start3A_105 = tpu.memref_slice %arg13[%and3A_52, %dma_start3A_102, %dma_start3A_103, %dma_start3A_104] : memref<2x32x8x129xf32, #tpu.memory_space<vmem>> -> memref<1x32x8x129xf32, #tpu.memory_space<vmem>>
      %dma_start3A_106 = tpu.memref_squeeze %dma_start3A_105 : memref<1x32x8x129xf32, #tpu.memory_space<vmem>> -> memref<32x8x129xf32, #tpu.memory_space<vmem>>
      %dma_start3A_107 = arith.constant 0 : i32
      %dma_start3A_108 = arith.constant 0 : i32
      %dma_start3A_109 = tpu.memref_slice %arg7[%add3A, %dma_start3A_107, %min3A_51, %dma_start3A_108] : memref<32x32x129x129xf32, #tpu.memory_space<hbm>> -> memref<1x32x8x129xf32, #tpu.memory_space<hbm>>
      %dma_start3A_110 = tpu.memref_squeeze %dma_start3A_109 : memref<1x32x8x129xf32, #tpu.memory_space<hbm>> -> memref<32x8x129xf32, #tpu.memory_space<hbm>>
      %dma_start3A_111 = arith.constant 0 : i32
      %dma_start3A_112 = arith.constant 0 : i32
      %dma_start3A_113 = tpu.memref_slice %arg7[%add3A, %dma_start3A_111, %min3A_51, %dma_start3A_112] : memref<32x32x129x129xf32, #tpu.memory_space<hbm>> -> memref<1x32x8x129xf32, #tpu.memory_space<hbm>>
      %dma_start3A_114 = tpu.memref_squeeze %dma_start3A_113 : memref<1x32x8x129xf32, #tpu.memory_space<hbm>> -> memref<32x8x129xf32, #tpu.memory_space<hbm>>
      %dma_start3A_115 = arith.constant 0 : i32
      %dma_start3A_116 = arith.constant 0 : i32
      %dma_start3A_117 = arith.constant 0 : i32
      %dma_start3A_118 = tpu.memref_slice %arg13[%and3A_52, %dma_start3A_115, %dma_start3A_116, %dma_start3A_117] : memref<2x32x8x129xf32, #tpu.memory_space<vmem>> -> memref<1x32x8x129xf32, #tpu.memory_space<vmem>>
      %dma_start3A_119 = tpu.memref_squeeze %dma_start3A_118 : memref<1x32x8x129xf32, #tpu.memory_space<vmem>> -> memref<32x8x129xf32, #tpu.memory_space<vmem>>
      tpu.enqueue_dma source(%dma_start3A_119 : memref<32x8x129xf32, #tpu.memory_space<vmem>>) target(%dma_start3A_114 : memref<32x8x129xf32, #tpu.memory_space<hbm>>) target_semaphore(%arg15 : memref<!tpu.dma_semaphore, #tpu.memory_space<semaphore_mem>>)
    }
    %scan3A_6 = arith.constant 17 : i32
    %dma_wait3A = arith.constant 0 : i32
    %dma_wait3A_7 = arith.constant 0 : i32
    %dma_wait3A_8 = arith.constant 0 : i32
    %dma_wait3A_9 = arith.constant 0 : i32
    %dma_wait3A_10 = tpu.memref_slice %arg13[%dma_wait3A, %dma_wait3A_7, %dma_wait3A_8, %dma_wait3A_9] : memref<2x32x8x129xf32, #tpu.memory_space<vmem>> -> memref<1x32x8x129xf32, #tpu.memory_space<vmem>>
    %dma_wait3A_11 = tpu.memref_squeeze %dma_wait3A_10 : memref<1x32x8x129xf32, #tpu.memory_space<vmem>> -> memref<32x8x129xf32, #tpu.memory_space<vmem>>
    %dma_wait3A_12 = arith.constant 0 : i32
    %dma_wait3A_13 = arith.constant 0 : i32
    %dma_wait3A_14 = arith.constant 0 : i32
    %dma_wait3A_15 = tpu.memref_slice %arg7[%add3A, %dma_wait3A_12, %dma_wait3A_13, %dma_wait3A_14] : memref<32x32x129x129xf32, #tpu.memory_space<hbm>> -> memref<1x32x8x129xf32, #tpu.memory_space<hbm>>
    %dma_wait3A_16 = tpu.memref_squeeze %dma_wait3A_15 : memref<1x32x8x129xf32, #tpu.memory_space<hbm>> -> memref<32x8x129xf32, #tpu.memory_space<hbm>>
    %dma_wait3A_17 = arith.constant 0 : i32
    %dma_wait3A_18 = arith.constant 0 : i32
    %dma_wait3A_19 = arith.constant 0 : i32
    %dma_wait3A_20 = tpu.memref_slice %arg13[%dma_wait3A, %dma_wait3A_17, %dma_wait3A_18, %dma_wait3A_19] : memref<2x32x8x129xf32, #tpu.memory_space<vmem>> -> memref<1x32x8x129xf32, #tpu.memory_space<vmem>>
    %dma_wait3A_21 = tpu.memref_squeeze %dma_wait3A_20 : memref<1x32x8x129xf32, #tpu.memory_space<vmem>> -> memref<32x8x129xf32, #tpu.memory_space<vmem>>
    %dma_wait3A_22 = arith.constant 0 : i32
    %dma_wait3A_23 = arith.constant 0 : i32
    %dma_wait3A_24 = arith.constant 0 : i32
    %dma_wait3A_25 = tpu.memref_slice %arg7[%add3A, %dma_wait3A_22, %dma_wait3A_23, %dma_wait3A_24] : memref<32x32x129x129xf32, #tpu.memory_space<hbm>> -> memref<1x32x8x129xf32, #tpu.memory_space<hbm>>
    %dma_wait3A_26 = tpu.memref_squeeze %dma_wait3A_25 : memref<1x32x8x129xf32, #tpu.memory_space<hbm>> -> memref<32x8x129xf32, #tpu.memory_space<hbm>>
    tpu.wait_dma2 semaphore(%arg15 : memref<!tpu.dma_semaphore, #tpu.memory_space<semaphore_mem>>) src(%dma_wait3A_26 : memref<32x8x129xf32, #tpu.memory_space<hbm>>) dst(%dma_wait3A_21 : memref<32x8x129xf32, #tpu.memory_space<vmem>>)
    %dma_wait3A_27 = arith.constant 0 : i32
    %dma_wait3A_28 = arith.constant 0 : i32
    %dma_wait3A_29 = arith.constant 0 : i32
    %dma_wait3A_30 = arith.constant 0 : i32
    %dma_wait3A_31 = tpu.memref_slice %arg13[%dma_wait3A_27, %dma_wait3A_28, %dma_wait3A_29, %dma_wait3A_30] : memref<2x32x8x129xf32, #tpu.memory_space<vmem>> -> memref<1x32x8x129xf32, #tpu.memory_space<vmem>>
    %dma_wait3A_32 = tpu.memref_squeeze %dma_wait3A_31 : memref<1x32x8x129xf32, #tpu.memory_space<vmem>> -> memref<32x8x129xf32, #tpu.memory_space<vmem>>
    %dma_wait3A_33 = arith.constant 0 : i32
    %dma_wait3A_34 = arith.constant 0 : i32
    %dma_wait3A_35 = arith.constant 0 : i32
    %dma_wait3A_36 = tpu.memref_slice %arg7[%add3A, %dma_wait3A_33, %dma_wait3A_34, %dma_wait3A_35] : memref<32x32x129x129xf32, #tpu.memory_space<hbm>> -> memref<1x32x8x129xf32, #tpu.memory_space<hbm>>
    %dma_wait3A_37 = tpu.memref_squeeze %dma_wait3A_36 : memref<1x32x8x129xf32, #tpu.memory_space<hbm>> -> memref<32x8x129xf32, #tpu.memory_space<hbm>>
    %dma_wait3A_38 = arith.constant 0 : i32
    %dma_wait3A_39 = arith.constant 0 : i32
    %dma_wait3A_40 = arith.constant 0 : i32
    %dma_wait3A_41 = tpu.memref_slice %arg13[%dma_wait3A_27, %dma_wait3A_38, %dma_wait3A_39, %dma_wait3A_40] : memref<2x32x8x129xf32, #tpu.memory_space<vmem>> -> memref<1x32x8x129xf32, #tpu.memory_space<vmem>>
    %dma_wait3A_42 = tpu.memref_squeeze %dma_wait3A_41 : memref<1x32x8x129xf32, #tpu.memory_space<vmem>> -> memref<32x8x129xf32, #tpu.memory_space<vmem>>
    %dma_wait3A_43 = arith.constant 0 : i32
    %dma_wait3A_44 = arith.constant 0 : i32
    %dma_wait3A_45 = arith.constant 0 : i32
    %dma_wait3A_46 = tpu.memref_slice %arg7[%add3A, %dma_wait3A_43, %dma_wait3A_44, %dma_wait3A_45] : memref<32x32x129x129xf32, #tpu.memory_space<hbm>> -> memref<1x32x8x129xf32, #tpu.memory_space<hbm>>
    %dma_wait3A_47 = tpu.memref_squeeze %dma_wait3A_46 : memref<1x32x8x129xf32, #tpu.memory_space<hbm>> -> memref<32x8x129xf32, #tpu.memory_space<hbm>>
    tpu.wait_dma2 semaphore(%arg15 : memref<!tpu.dma_semaphore, #tpu.memory_space<semaphore_mem>>) src(%dma_wait3A_47 : memref<32x8x129xf32, #tpu.memory_space<hbm>>) dst(%dma_wait3A_42 : memref<32x8x129xf32, #tpu.memory_space<vmem>>)
    return
  }
}

</mosaic_0001>

<sc_bundles>
// kernel: kernel.3.cloned.1.call-start
scs
__scs_entry_jumppad:
0x0: {  	(pc) =	sbr.rel $0x88, $3  }
0x1: {  	(tag) =	ssettag $0x0;
	lr =	simm.s32 $0x1  }
0x2: {  	[smem:$0x3F9B] =	sst lr;
	_ =	strace $0xD0000000  }
0x3: {  	_ = 	snop  }
0x4: {  	_ = 	snop  }
0x5: {  	_ = 	snop  }
0x6: {  	_ = 	snop  }
0x7: {  	_ = 	snop  }
__scs_overlays_trampoline_lowered:
0x8: {  	[smem:$0x3FAA] =	sst s0  }
0x9: {  	[smem:$0x3FAB] =	sst s1  }
0xa: {  	[smem:$0x3FAC] =	sst s2  }
0xb: {  	[smem:$0x3FAD] =	sst s3  }
0xc: {  	[smem:$0x3FAE] =	sst s4  }
0xd: {  	[smem:$0x3FAF] =	sst s5  }
0xe: {  	[smem:$0x3FB0] =	sst s6  }
0xf: {  	[smem:$0x3FB1] =	sst s7  }
0x10: {  	[smem:$0x3FB2] =	sst s8  }
0x11: {  	[smem:$0x3FB3] =	sst s9;
	s0 =	simm.s32 @!p0 $0x0  }
0x12: {  	s1 =	sld [smem:$0x3F99];
	s0 =	simm.s32 @p0 $0x1  }
0x13: {  	[smem:$0x3FB4] =	sst s0;
	s0 =	simm.s32 @!p1 $0x0  }
0x14: {  	s2 =	sld [smem:$0x3F98];
	s0 =	simm.s32 @p1 $0x1  }
0x15: {  	[smem:$0x3FB5] =	sst s0;
	s0 =	simm.s32 @!p2 $0x0  }
0x16: {  	s3 =	sld [smem:$0x3FDB];
	s0 =	simm.s32 @p2 $0x1  }
0x17: {  	s4 =	simm.s32 $0x1BF5;
	[smem:$0x3FB7] =	sst s0  }
0x18: {  	s0 =	sld [smem:$0x3F9A];
	_ =	swait.ge [sflag:s4], $0x0  }
0x19: {  	s7 =	sld [smem:$0x3F9B]  }
0x1a: {  	s8 =	sadd.s32 $0xFFFFE003, lr  }
0x1b: {  	s9 =	sadd.s32 $0xFFFFFEF7, lr;
	s5 =	simm.s32 $0xFFFFFFFF;
	p2 =	slt.u32 s8, $0xFFFFF086  }
0x1c: {  	p1 =	slt.u32 s9, $0xF7A;
	s5 =	simm.s32 @!p2 $0x0  }
0x1d: {  	s5 =	simm.s32 @p1 $0x1;
	p0 =	seq.s32 s7, s2  }
0x1e: {  	s7 =	smul.u32 @!p0 $0xF7A, s2;
	p2 =	seq.s32 @!p0 s5, $0x0  }
0x1f: {  	s9 =	smul.u32 $0xF7A, s1;
	s8 =	simm.s32 @!p0 $0x1BF5;
	p2 =	por !p2, p0  }
0x20: {  	[sflag:s8] =	ssyncset.s32 @!p0 $0xFFFFF086;
	s6 =	sadd.s32 @!p0 s3, s7;
	s7 =	simm.s32 @!p0 $0x108  }
0x21: {  	s3 =	sadd.s32 s3, s9;
	s6 =	sadd.s32 @!p0 $0x88, s6;
	s7 =	simm.s32 @p2 $0x1082  }
0x22: {  	[simem:s7], [sflag:s8] =	dma.local @!p0 [hbm:s6], $0xF7A  }
0x23: {  	s9 =	sor.u32 $0xD0000000, s2;
	s6 =	simm.s32 $0x108;
	_ =	swait.ge @!p0 [sflag:s8], $0x0  }
0x24: {  	s3 =	sadd.s32 $0x88, s3;
	s6 =	simm.s32 @!p1 $0x1082;
	[sflag:s4] =	ssyncset.s32 $0xFFFFF086  }
0x25: {  	[simem:s6], [sflag:s4] =	dma.local [hbm:s3], $0xF7A  }
0x26: {  	[smem:$0x3F9B] =	sst s1;
	(tag) =	ssettag s2;
	_ =	strace s9  }
0x27: {  	s1 =	sld [smem:$0x3FAB]  }
0x28: {  	s2 =	sld [smem:$0x3FAC]  }
0x29: {  	s4 =	sld [smem:$0x3FAE]  }
0x2a: {  	p0 =	seq.s32 s5, $0x0;
	s5 =	sld [smem:$0x3FAF]  }
0x2b: {  	s6 =	sld [smem:$0x3FB0]  }
0x2c: {  	s7 =	sld [smem:$0x3FB1]  }
0x2d: {  	s3 =	simm.s32 $0x108;
	s8 =	sld [smem:$0x3FB2]  }
0x2e: {  	s3 =	simm.s32 @!p0 $0x1082;
	s9 =	sld [smem:$0x3FB3]  }
0x2f: {  	lr =	sadd.s32 s0, s3;
	s0 =	sld [smem:$0x3FAA]  }
0x30: {  	s3 =	sld [smem:$0x3FAD]  }
0x31: {  	[smem:$0x3FB6] =	sst s10  }
0x32: {  	s10 =	sld [smem:$0x3FB4];
	_ =	sdelay $0x3  }
0x33: {  	p0 =	seq.s32 s10, $0x1;
	s10 =	sld [smem:$0x3FB6];
	_ =	sdelay $0x3  }
0x34: {  	[smem:$0x3FB6] =	sst s10  }
0x35: {  	s10 =	sld [smem:$0x3FB5];
	_ =	sdelay $0x3  }
0x36: {  	p1 =	seq.s32 s10, $0x1;
	s10 =	sld [smem:$0x3FB6];
	_ =	sdelay $0x3  }
0x37: {  	[smem:$0x3FB6] =	sst s10  }
0x38: {  	s10 =	sld [smem:$0x3FB7]  }
0x39: {  	_ = 	snop;
	(pc) =	sbr.ind lr, $3  }
0x3a: {  	_ = 	snop  }
0x3b: {  	_ = 	snop  }
0x3c: {  	p2 =	seq.s32 s10, $0x1;
	s10 =	sld [smem:$0x3FB6]  }
0x3d: {  	_ =	shalt  }
0x3e: {  	_ =	shalt  }
0x3f: {  	_ =	shalt  }
0x40: {  	_ =	shalt  }
0x41: {  	_ =	shalt  }
0x42: {  	_ =	shalt  }
0x43: {  	_ =	shalt  }
0x44: {  	_ =	shalt  }
0x45: {  	_ =	shalt  }
0x46: {  	_ =	shalt  }
0x47: {  	_ =	shalt  }
0x48: {  	_ =	shalt  }
0x49: {  	_ =	shalt  }
0x4a: {  	_ =	shalt  }
0x4b: {  	_ =	shalt  }
0x4c: {  	_ =	shalt  }
0x4d: {  	_ =	shalt  }
0x4e: {  	_ =	shalt  }
0x4f: {  	_ =	shalt  }
0x50: {  	_ =	shalt  }
0x51: {  	_ =	shalt  }
0x52: {  	_ =	shalt  }
0x53: {  	_ =	shalt  }
0x54: {  	_ =	shalt  }
0x55: {  	_ =	shalt  }
0x56: {  	_ =	shalt  }
0x57: {  	_ =	shalt  }
0x58: {  	_ =	shalt  }
0x59: {  	_ =	shalt  }
0x5a: {  	_ =	shalt  }
0x5b: {  	_ =	shalt  }
0x5c: {  	_ =	shalt  }
0x5d: {  	_ =	shalt  }
0x5e: {  	_ =	shalt  }
0x5f: {  	_ =	shalt  }
0x60: {  	_ =	shalt  }
0x61: {  	_ =	shalt  }
0x62: {  	_ =	shalt  }
0x63: {  	_ =	shalt  }
0x64: {  	_ =	shalt  }
0x65: {  	_ =	shalt  }
0x66: {  	_ =	shalt  }
0x67: {  	_ =	shalt  }
0x68: {  	_ =	shalt  }
0x69: {  	_ =	shalt  }
0x6a: {  	_ =	shalt  }
0x6b: {  	_ =	shalt  }
0x6c: {  	_ =	shalt  }
0x6d: {  	_ =	shalt  }
0x6e: {  	_ =	shalt  }
0x6f: {  	_ =	shalt  }
0x70: {  	_ =	shalt  }
0x71: {  	_ =	shalt  }
0x72: {  	_ =	shalt  }
0x73: {  	_ =	shalt  }
0x74: {  	_ =	shalt  }
0x75: {  	_ =	shalt  }
0x76: {  	_ =	shalt  }
0x77: {  	_ =	shalt  }
0x78: {  	_ =	shalt  }
0x79: {  	_ =	shalt  }
0x7a: {  	_ =	shalt  }
0x7b: {  	_ =	shalt  }
0x7c: {  	_ =	shalt  }
0x7d: {  	_ =	shalt  }
0x7e: {  	_ =	shalt  }
0x7f: {  	_ =	shalt  }
0x80: {  	_ =	shalt  }
0x81: {  	_ =	shalt  }
0x82: {  	_ =	shalt  }
0x83: {  	_ =	shalt  }
0x84: {  	_ =	shalt  }
0x85: {  	_ =	shalt  }
0x86: {  	_ =	shalt  }
0x87: {  	_ =	shalt  }
.Lfunc_end0:
.L_simem_size_0:
called_computation.1_lowered:
.L_overlay_start_0:
0x88: {  	s2 =	sld [smem:$0x3FD9]  }
0x89: {  	s3 =	sld [smem:$0x3FFE];
	_ =	sdelay $0x1  }
0x8a: {  	s1 =	srdreg.scid  }
0x8b: {  	s0 =	sand.u32 $0x1, s1  }
0x8c: {  	s17 =	sshll.u32 s0, $0xA;
	s2 =	sadd.s32 s3, s2  }
0x8d: {  	s2 =	sadd.s32 s2, s17  }
0x8e: {  	[smem:$0x3FC2] =	sst s2  }
0x8f: {  	_ = 	snop  }
0x90: {  	s2 =	sld [smem:$0x3FC8]  }
0x91: {  	s18 =	sld [smem:$0x3FD0];
	(tm) =	ssettm $0x1  }
0x92: {  	s4 =	sld [smem:$0x3FFB];
	_ =	sdelay $0x3  }
0x93: {  	_ =	strace s4  }
0x94: {  	s4 =	sld [smem:$0x3FFC];
	_ =	sdelay $0x3  }
0x95: {  	_ =	strace s4  }
0x96: {  	s4 =	sld [smem:$0x3FFD];
	_ =	sdelay $0x3  }
0x97: {  	_ =	strace s4  }
0x98: {  	_ =	strace $0x8FFFFFFF  }
0x99: {  	s19 =	sld [smem:$0x3FDB];
	_ =	sdelay $0x1  }
0x9a: {  	s5 =	simm.s32 $_scs_section_size  }
0x9b: {  	s6 =	simm.s32 $_size__tile_overlayer_lowered;
	s7 =	simm.s32 $_tile_overlayer_lowered  }
0x9c: {  	s22 =	simm.s32 $0x1BFF;
	s21 =	sshll.u32 s7, $0x1;
	s4 =	sadd.s32 s5, s19  }
0x9d: {  	s8 =	simm.s32 $0x0;
	s20 =	sshll.u32 s6, $0x1;
	s6 =	sadd.s32 s21, s4  }
0x9e: {  	[timem:s8], [sflag:s22] =	dma.local [hbm:s6], s20  }
0x9f: {  	_ =	swait.ge [sflag:s22], s20  }
0xa0: {  	s5 =	ssub.s32 $0x0, s20;
	[sflag:s22] =	ssyncset.done $0x0  }
0xa1: {  	[sflag:s22] =	ssyncadd.s32 s5;
	_ =	sdelay $0x1  }
0xa2: {  	s23 =	simm.s32 $0x1B8B  }
0xa3: {  	_ =	swait.ge [sflag:s23], $0x1  }
0xa4: {  	[sflag:s23] =	ssyncset.done $0x0  }
0xa5: {  	s25 =	simm.s32 $0x1B8E;
	s24 =	sld [smem:$0x3FFE];
	[sflag:s23] =	ssyncadd.s32 $0xFFFFFFFF  }
0xa6: {  	s26 =	simm.s32 $execute0_lowered;
	[smem:$0x3FD2] =	sst s25  }
0xa7: {  	s6 =	sshll.u32 s26, $0x1;
	_ =	strace $0x80000046;
	[dreg:$0x1] =	wrdreg $0xFFFFFFFF  }
0xa8: {  	s28 =	simm.s32 $_size_execute0_lowered;
	s4 =	sadd.s32 s4, s6;
	[dreg:$0x0] =	wrdreg $0x0  }
0xa9: {  	s6 =	sshll.u32 s28, $0x1;
	[dreg:$0x2] =	wrdreg s4  }
0xaa: {  	[dreg:$0x3] =	wrdreg s6  }
0xab: {  	[dreg:$0x4] =	wrdreg $0xC0  }
0xac: {  	_ =	task [dreg:s8], $0x5FFFF  }
0xad: {  	[dreg:$0x1] =	wrdreg $0xFFFFFFFF  }
0xae: {  	[dreg:$0x0] =	wrdreg $0x60  }
0xaf: {  	[dreg:$0x2] =	wrdreg s24  }
0xb0: {  	[dreg:$0x3] =	wrdreg s2  }
0xb1: {  	[dreg:$0x4] =	wrdreg s18  }
0xb2: {  	[dreg:$0x5] =	wrdreg $0x9  }
0xb3: {  	_ =	task.clear_ibuf [dreg:s8], $0x6FFFF;
	_ =	strace $0x90000046  }
0xb4: {  	s29 =	simm.s32 $0x9;
	_ =	strace $0x80000048  }
0xb5: {  	_ =	swait.ge [sflag:s29], $0x1  }
0xb6: {  	[sflag:s29] =	ssyncadd.s32 $0xFFFFFFFF  }
0xb7: {  	_ =	strace $0x90000048  }
0xb8: {  	_ =	sfence  }
0xb9: {  	s30 =	sld [smem:$0x0];
	_ =	sdelay $0x2  }
0xba: {  	s31 =	sshll.u32 s1, $0xD;
	s1 =	sshrl.u32 s1, $0x2  }
0xbb: {  	s3 =	sand.u32 $0x4000, s31;
	s1 =	sadd.s32 s1, s30  }
0xbc: {  	s0 =	sor.u32 s3, s0;
	s1 =	sshll.u32 s1, $0x11  }
0xbd: {  	s0 =	sor.u32 s1, s0  }
0xbe: {  	s0 =	sadd.s32 $0x8F2B, s0  }
0xbf: {  	[sflag:s0] =	ssyncadd.remote.s32 $0x1  }
0xc0: {  	_ =	sfence.sel $0xFFFF  }
0xc1: {  	[dreg:$0x0] =	wrdreg $0xFFFFFFFF;
	(pc) =	sbr.abs _section_cstart, $3  }
0xc2: {  	[dreg:$0x1] =	wrdreg $0xFFFFFFFF  }
0xc3: {  	_ =	task.clear_ibuf [dreg:s8], $0x2FFFF;
	_ =	strace $0x9FFFFFFF  }
0xc4: {  	(tm) =	ssettm $0x7FFFFFFF  }
0xc5: {  	_ =	shalt  }
tec
execute0_lowered:
.L_overlay_start_1:
0x0: {  	(tag) =	ssettag $0x1  }
0x1: {  	v0 =	vimm.s32 $0xEDCBA987;
	v1 =	vimm.s32 $0x65432100;
	vm0 =	vmxor vm0, vm0  }
0x2: {  	v2 =	vimm.s32 $0x50484038;
	v3 =	vimm.s32 $0x70686058;
	v4 =	vimm.s32 $0x10080000  }
0x3: {  	v5 =	vimm.s32 $0x30282018;
	v6 =	vimm.s32 $0x51494139;
	v0 =	vunpack.c.l.s4.s8 v0  }
0x4: {  	v7 =	vimm.s32 $0x71696159;
	vm2 =	vcmask $0x1F10;
	v1 =	vunpack.c.l.s4.s8 v1  }
0x5: {  	v2 =	vunpack.c.0.s8.s32 v2;
	v3 =	vunpack.c.0.s8.s32 v3;
	v0 =	vunpack.c.0.s8.s32 v0  }
0x6: {  	s0 =	rddreg [dreg:$0x0];
	s3 =	simm.s32 $0x0;
	v4 =	vunpack.c.0.s8.s32 v4;
	v5 =	vunpack.c.0.s8.s32 v5;
	v1 =	vunpack.c.0.s8.s32 v1  }
0x7: {  	s25 =	srdreg.scid;
	s4 =	stileid.u32;
	v8 =	vimm.s32 $0x322A221A;
	s14 =	simm.s32 $0x1;
	v6 =	vunpack.c.0.s8.s32 v6;
	v0 =	vand.u32 $0xF, v0  }
0x8: {  	s15 =	simm.s32 $0x2218;
	s16 =	simm.s32 $0x8840;
	s17 =	simm.s32 $0x8C40;
	v0 =	vcombine.low v1, v0;
	v1 =	vsel vm2, v3, v2;
	v2 =	vsel vm2, v5, v4  }
0x9: {  	s18 =	simm.s32 $0xAC40;
	v7 =	vunpack.c.0.s8.s32 v7;
	[smem:$0x7FF] =	sst s3;
	s1 =	sadd.s32 $0x94200, s0;
	v1 =	vcombine.low v2, v1;
	v2 =	vimm.s32 $0x11090101  }
0xa: {  	s2 =	sadd.s32 $0x93400, s0;
	v8 =	vunpack.c.0.s8.s32 v8;
	_ =	strace $0x80000047;
	[dreg:$0x4] =	wrdreg s1;
	v3 =	vunpack.c.0.s8.s32 v2;
	v2 =	vimm.s32 $0x31292119  }
0xb: {  	s26 =	sadd.s32 $0x1000, s0;
	s4 =	sshll.u32 s4, $0x1;
	[dreg:$0x5] =	wrdreg s2;
	v4 =	vsel vm2, v7, v6;
	v6 =	vunpack.c.0.s8.s32 v2;
	v2 =	vimm.s32 $0x726A625A  }
0xc: {  	s0 =	sadd.s32 $0x81000, s0;
	s1 =	sand.u32 $0x1, s25;
	[dreg:$0x6] =	wrdreg s26;
	v5 =	vimm.s32 $0x524A423A;
	v7 =	vunpack.c.0.s8.s32 v2;
	v2 =	vimm.s32 $0x120A0202  }
0xd: {  	[dreg:$0x7] =	wrdreg s0;
	s28 =	ssub.s32 $0x2, s1;
	s1 =	sor.u32 s1, s4;
	v5 =	vunpack.c.0.s8.s32 v5;
	v9 =	vunpack.c.0.s8.s32 v2;
	v2 =	vlaneseq.u32  }
0xe: {  	vm1 =	vmmov $0x1;
	s29 =	sshrl.u32 s28, $0x1;
	s30 =	sshll.u32 s1, $0xE;
	s31 =	smul.u32 $0x4890, s1;
	v6 =	vsel vm2, v6, v3;
	v3 =	vmul.u32 $0x8, v2  }
0xf: {  	s13 =	simm.s32 $0x0;
	s0 =	ssub.s32 s28, s29;
	[dreg:$0x8] =	wrdreg s30;
	v4 =	vcombine.low v6, v4;
	v5 =	vsel vm2, v7, v5;
	v6 =	vsel vm2, v8, v9  }
0x10: {  	s2 =	simm.s32 $0x0;
	[dreg:$0x9] =	wrdreg s31;
	s0 =	smax.u32 s0, $0x1;
	v10 =	vadd.s32 $0x1F, v2;
	v5 =	vcombine.low v6, v5;
	v6 =	vadd.s32 $0xF, v2  }
0x11: {  	s11 =	sshll.u32 s1, $0x11;
	s12 =	smul.u32 $0x89100, s1;
	[dreg:$0xa] =	wrdreg s0;
	v7 =	vadd.s32 $0x78, v3;
	v8 =	vadd.s32 $0x79, v3;
	v9 =	vadd.s32 $0x7A, v3  }
.LBB2_1:
0x12: {  	[dreg:$0xb] =	wrdreg s2  }
0x13: {  	s0 =	rddreg [dreg:$0x4]  }
0x14: {  	[tilespmem:s3], [sflag:$0x1] =	stream.linear.gather [hbm4b:s0+s3], $0x2218, $0x38;
	[tilespmem:$0x1C0C0] =	vst v63  }
0x15: {  	_ =	swait.ge [sflag:s14], $0x2218  }
0x16: {  	[sflag:s14] =	ssyncset.done $0x0  }
0x17: {  	s31 =	rddreg [dreg:$0x5];
	[sflag:s14] =	ssyncadd.s32 $0xFFFFDDE8  }
0x18: {  	[tilespmem:s15], [sflag:$0x1] =	stream.linear.gather [hbm4b:s31+s3], $0x6628, $0x38;
	[tilespmem:$0x1C0C0] =	vst v63  }
0x19: {  	_ =	swait.ge [sflag:s14], $0x6628  }
0x1a: {  	[sflag:s14] =	ssyncset.done $0x0  }
0x1b: {  	s23 =	simm.s32 $0x0;
	[sflag:s14] =	ssyncadd.s32 $0xFFFF99D8  }
.LBB2_2:
0x1c: {  	s0 =	sshll.u32 s23, $0x3  }
0x1d: {  	s24 =	smin.u32 s0, $0x79  }
0x1e: {  	s25 =	smax.u32 s24, $0x1  }
0x1f: {  	s10 =	sadd.s32 $0xFFFFFFFF, s25  }
0x20: {  	s2 =	rddreg [dreg:$0x8];
	s1 =	sshll.u32 s10, $0x7  }
0x21: {  	s0 =	sshll.u32 s10, $0xA;
	s1 =	sadd.s32 s2, s1  }
0x22: {  	s19 =	rddreg [dreg:$0x1];
	s0 =	sadd.s32 s11, s0;
	s1 =	sshrl.u32 s1, $0x3  }
0x23: {  	s20 =	rddreg [dreg:$0x6];
	s0 =	sshrl.u32 s0, $0x3;
	s1 =	sadd.s32 s19, s1  }
0x24: {  	[tilespmem:s16], [sflag:$0x1] =	stream.linear.gather [hbm4b:s1+s3], $0x400, $0x38;
	[tilespmem:$0x1C0C0] =	vst v63  }
0x25: {  	s22 =	rddreg [dreg:$0x9];
	s21 =	smul.u32 $0x90, s24;
	s0 =	sadd.s32 s20, s0  }
0x26: {  	[tilespmem:s17], [sflag:$0x1] =	stream.linear.gather [hbm4b:s0+s3], $0x2000, $0x38;
	[tilespmem:$0x1C0C0] =	vst v63  }
0x27: {  	s0 =	sadd.s32 s22, s21  }
0x28: {  	s26 =	rddreg [dreg:$0x7];
	s0 =	sshrl.u32 s0, $0x3  }
0x29: {  	s0 =	sadd.s32 s26, s0  }
0x2a: {  	[tilespmem:s18], [sflag:$0x1] =	stream.linear.gather [hbm4b:s0+s3], $0x480, $0x38;
	[tilespmem:$0x1C0C0] =	vst v63  }
0x2b: {  	_ =	swait.ge [sflag:s14], $0x400  }
0x2c: {  	[sflag:s14] =	ssyncset.done $0x0  }
0x2d: {  	[sflag:s14] =	ssyncadd.s32 $0xFFFFFC00  }
0x2e: {  	s30 =	sand.u32 $0x1, s23;
	_ =	swait.ge [sflag:s14], $0x2000  }
0x2f: {  	p1 =	seq.s32 s30, $0x1;
	s2 =	simm.s32 $0x8800;
	[sflag:s14] =	ssyncset.done $0x0  }
0x30: {  	s2 =	simm.s32 @!p1 $0x0;
	[sflag:s14] =	ssyncadd.s32 $0xFFFFE000  }
0x31: {  	p0 =	slt.u32 s23, $0x2;
	s28 =	sor.u32 $0x10180, s2;
	_ =	swait.ge [sflag:s14], $0x480  }
0x32: {  	s29 =	sadd.s32 $0xF4D0, s2;
	s31 =	sadd.s32 $0xF4F0, s2;
	[sflag:s14] =	ssyncset.done $0x0  }
0x33: {  	s5 =	sadd.s32 $0xF510, s2;
	s0 =	simm.s32 @!p0 $0x2;
	[sflag:s14] =	ssyncadd.s32 $0xFFFFFB80  }
0x34: {  	s4 =	sadd.s32 $0xF520, s2;
	s6 =	sadd.s32 $0xF530, s2;
	_ =	swait.ge @!p0 [sflag:s0], $0x8800  }
0x35: {  	s1 =	sadd.s32 $0xF500, s2;
	s21 =	simm.s32 $0x0;
	[sflag:s0] =	ssyncset.done @!p0 $0x0  }
0x36: {  	s26 =	sadd.s32 $0xB0C0, s2;
	[sflag:s0] =	ssyncadd.s32 @!p0 $0xFFFF7800;
	s0 =	sadd.s32 $0xF4E0, s2  }
.LBB2_3:
0x37: {  	s2 =	sadd.s32 s24, s21  }
0x38: {  	s7 =	ssub.s32 s2, s25  }
0x39: {  	p0 =	sgt.s32 s7, $0x0  }
0x3a: {  	s7 =	simm.s32 @!p0 $0x0  }
0x3b: {  	v11 =	vmov s7  }
0x3c: {  	v12 =	vshll.u32 v11, $0x7  }
0x3d: {  	v11 =	vshll.u32 v11, $0xA;
	v13 =	vor.u32 v0, v12  }
0x3e: {  	v14 =	vor.u32 v1, v11  }
0x3f: {  	v15 =	vor.u32 v4, v11;
	_ =	sdelay $0x2  }
0x40: {  	v13 =	vld.idx.msk [tilespmem:v13+s16+$0x0], $0xffff  }
0x41: {  	v14 =	vld.idx.msk [tilespmem:v14+s17+$0x0], $0xffff  }
0x42: {  	v16 =	vor.u32 v5, v11;
	v15 =	vld.idx.msk [tilespmem:v15+s17+$0x0], $0xffff;
	_ =	sdelay $0x2  }
0x43: {  	vm2 =	vgt.s32 v13, $0x0  }
0x44: {  	v13 =	vnsel vm2, $0x0, v13;
	vm2 =	vgt.s32 v14, $0x0  }
0x45: {  	v16 =	vld.idx.msk [tilespmem:v16+s17+$0x0], $0xffff;
	v14 =	vnsel vm2, $0x0, v14;
	vm2 =	vgt.s32 v15, $0x0  }
0x46: {  	vm3 =	vmmov vm0;
	p0 =	seq.s32 s2, $0x0;
	v14 =	vmin.u32 v14, $0x601;
	v15 =	vnsel vm2, $0x0, v15  }
0x47: {  	vm3 =	vmneg @p0 vm3;
	v14 =	vmul.u32 $0x11, v14;
	v15 =	vmin.u32 v15, $0x601  }
0x48: {  	vm3 =	vmor vm3, vm1;
	v13 =	vmin.u32 v13, $0x200;
	v15 =	vmul.u32 $0x11, v15  }
0x49: {  	v17 =	vmul.u32 $0x11, v13;
	v13 =	vsel vm3, $0x6611, v14  }
0x4a: {  	vm2 =	vgt.s32 v16, $0x0;
	v14 =	vsel vm3, $0x6611, v15  }
0x4b: {  	s9 =	simm.s32 $0x1;
	v16 =	vnsel vm2, $0x0, v16;
	v15 =	vsel vm3, $0x2200, v17  }
0x4c: {  	s10 =	simm.s32 $0x3;
	v16 =	vmin.u32 v16, $0x601;
	v24 =	vadd.s32 s9, v13  }
0x4d: {  	s20 =	simm.s32 $0x2;
	v16 =	vmul.u32 $0x11, v16;
	v26 =	vadd.s32 s10, v13  }
0x4e: {  	v32 =	vadd.s32 s20, v13;
	v22 =	vld.idx.msk [tilespmem:v13+s15+$0x0], $0xffff  }
0x4f: {  	v16 =	vsel vm3, $0x6611, v16;
	v23 =	vld.idx.msk [tilespmem:v14+s15+$0x0], $0xffff  }
0x50: {  	v25 =	vld.idx.msk [tilespmem:v15+s3+$0x0], $0xffff  }
0x51: {  	v18 =	vadd.s32 $0x4, v13;
	v29 =	vadd.s32 s9, v15;
	v37 =	vld.idx.msk [tilespmem:v24+s15+$0x0], $0xffff  }
0x52: {  	s19 =	smul.u32 $0x240, s21;
	v17 =	vadd.s32 $0x4, v15;
	v19 =	vadd.s32 $0x4, v14;
	v28 =	vadd.s32 s9, v14;
	v52 =	vld.idx.msk [tilespmem:v26+s15+$0x0], $0xffff  }
0x53: {  	v30 =	vadd.s32 s20, v14;
	v31 =	vadd.s32 s20, v15;
	v38 =	vadd.s32 s10, v14;
	v32 =	vld.idx.msk [tilespmem:v32+s15+$0x0], $0xffff  }
0x54: {  	s22 =	sshra.s32 s19, $0x2;
	v54 =	vadd.s32 s10, v15;
	v20 =	vadd.s32 $0x4, v16;
	v36 =	vadd.s32 s9, v16;
	v27 =	vld.idx.msk [tilespmem:v16+s15+$0x0], $0xffff  }
0x55: {  	v21 =	vld [tilespmem:s22+$0xAC40];
	v33 =	vadd.s32 s20, v16;
	v41 =	vadd.s32 s10, v16;
	v34 =	vunpack.i.u.bf16.f32 v22  }
0x56: {  	v29 =	vld.idx.msk [tilespmem:v29+s3+$0x0], $0xffff;
	v22 =	vunpack.i.l.bf16.f32 v22;
	v35 =	vunpack.i.u.bf16.f32 v23;
	v26 =	vunpack.i.u.bf16.f32 v25  }
0x57: {  	v28 =	vld.idx.msk [tilespmem:v28+s15+$0x0], $0xffff;
	v23 =	vunpack.i.l.bf16.f32 v23;
	v25 =	vunpack.i.l.bf16.f32 v25;
	v55 =	vunpack.i.u.bf16.f32 v52  }
0x58: {  	v43 =	vld.idx.msk [tilespmem:v30+s15+$0x0], $0xffff;
	v42 =	vunpack.i.u.bf16.f32 v37;
	v45 =	vunpack.i.l.bf16.f32 v32;
	v37 =	vunpack.i.l.bf16.f32 v37  }
0x59: {  	v36 =	vld.idx.msk [tilespmem:v36+s15+$0x0], $0xffff;
	v60 =	vunpack.i.u.bf16.f32 v32;
	v24 =	vadd.f32 v35, v34;
	v53 =	vunpack.i.u.bf16.f32 v27  }
0x5a: {  	v41 =	vld.idx.msk [tilespmem:v41+s15+$0x0], $0xffff;
	v27 =	vunpack.i.l.bf16.f32 v27;
	v23 =	vadd.f32 v23, v22;
	v25 =	vadd.f32 v25, v21  }
0x5b: {  	v33 =	vld.idx.msk [tilespmem:v33+s15+$0x0], $0xffff;
	v39 =	vadd.f32 v26, v21;
	v22 =	vadd.s32 s13, v20;
	v26 =	vadd.s32 s13, v19  }
0x5c: {  	v34 =	vunpack.i.l.bf16.f32 v52;
	v44 =	vunpack.i.l.bf16.f32 v29;
	v30 =	vunpack.i.l.bf16.f32 v28  }
0x5d: {  	v28 =	vunpack.i.u.bf16.f32 v28;
	v47 =	vunpack.i.u.bf16.f32 v43;
	v58 =	vunpack.i.l.bf16.f32 v43  }
0x5e: {  	v56 =	vunpack.i.u.bf16.f32 v36;
	v30 =	vadd.f32 v30, v37;
	v36 =	vunpack.i.l.bf16.f32 v36  }
0x5f: {  	v31 =	vld.idx.msk [tilespmem:v31+s3+$0x0], $0xffff;
	v42 =	vadd.f32 v28, v42;
	v37 =	vadd.f32 v58, v45;
	v32 =	vunpack.i.l.bf16.f32 v41  }
0x60: {  	v35 =	vld.idx.msk [tilespmem:v54+s3+$0x0], $0xffff;
	v61 =	vadd.f32 v47, v60;
	v62 =	vunpack.i.u.bf16.f32 v33;
	v23 =	vadd.f32 v27, v23  }
0x61: {  	v44 =	vadd.f32 v44, v21;
	v33 =	vunpack.i.l.bf16.f32 v33;
	v24 =	vadd.f32 v53, v24  }
0x62: {  	v36 =	vadd.f32 v36, v30;
	v30 =	vunpack.i.u.bf16.f32 v41;
	v27 =	vmul.f32 $3.333333430e-01, v23  }
0x63: {  	v42 =	vadd.f32 v56, v42;
	v40 =	vmul.f32 $3.333333430e-01, v24;
	v23 =	vunpack.i.u.bf16.f32 v29  }
0x64: {  	v29 =	vunpack.i.u.bf16.f32 v31;
	v46 =	vadd.f32 v27, v25;
	v27 =	vunpack.i.l.bf16.f32 v31;
	v31 =	vld.idx.msk [tilespmem:v38+s15+$0x0], $0xffff  }
0x65: {  	v24 =	vadd.s32 s13, v17;
	v23 =	vadd.f32 v23, v21;
	v57 =	vunpack.i.l.bf16.f32 v35  }
0x66: {  	v36 =	vmul.f32 $3.333333430e-01, v36;
	v39 =	vadd.f32 v40, v39;
	v25 =	vadd.f32 v29, v21  }
0x67: {  	v29 =	vadd.s32 s13, v18;
	v28 =	vadd.f32 v57, v21;
	v38 =	vadd.f32 v33, v37  }
0x68: {  	v33 =	vmul.f32 $3.333333430e-01, v42;
	v37 =	vadd.f32 v62, v61;
	v27 =	vadd.f32 v27, v21  }
0x69: {  	[tilespmem:s28+$0xFFFFF340] =	vst v39;
	v59 =	vunpack.i.l.bf16.f32 v31;
	v63 =	vunpack.i.u.bf16.f32 v31;
	v31 =	vadd.f32 v36, v44  }
0x6a: {  	s30 =	smov.u32 s28;
	s19 =	simm.s32 $0x4;
	s2 =	sadd.s32 $0x1100, s28;
	[tilespmem:s28+$0xFFFFAF40] =	vst v46;
	v36 =	vunpack.i.u.bf16.f32 v35;
	v34 =	vadd.f32 v59, v34;
	v35 =	vadd.f32 v63, v55  }
.LBB2_4:
0x6b: {  	s8 =	sadd.s32 $0x1, s19  }
0x6c: {  	v29 =	vld.idx.msk [tilespmem:v29+s15+$0x0], $0xffff;
	s9 =	sadd.s32 $0x2, s19;
	v38 =	vmul.f32 $3.333333430e-01, v38;
	v32 =	vadd.f32 v32, v34;
	v34 =	vadd.f32 v36, v21;
	s20 =	smov.u32 s19;
	s7 =	sadd.s32 $0x4, s19  }
0x6d: {  	p1 =	slt.u32 s19, $0xC;
	v26 =	vld.idx.msk [tilespmem:v26+s15+$0x0], $0xffff;
	v36 =	vadd.s32 s8, v13;
	v39 =	vadd.s32 s8, v14;
	s10 =	sadd.s32 $0x3, s20;
	v37 =	vmul.f32 $3.333333430e-01, v37  }
0x6e: {  	v40 =	vadd.s32 s9, v14;
	v30 =	vadd.f32 v30, v35;
	v24 =	vld.idx.msk [tilespmem:v24+s3+$0x0], $0xffff;
	v41 =	vadd.s32 s10, v13  }
0x6f: {  	v35 =	vadd.s32 s9, v15;
	v42 =	vadd.s32 s9, v16;
	v32 =	vmul.f32 $3.333333430e-01, v32;
	v22 =	vld.idx.msk [tilespmem:v22+s15+$0x0], $0xffff  }
0x70: {  	v43 =	vadd.s32 s8, v15;
	v44 =	vadd.s32 s8, v16;
	v30 =	vmul.f32 $3.333333430e-01, v30  }
0x71: {  	v45 =	vadd.s32 s9, v13;
	v23 =	vadd.f32 v33, v23;
	v27 =	vadd.f32 v38, v27;
	[tilespmem:s30+$0xFFFFB380] =	vst v31  }
0x72: {  	v28 =	vadd.f32 v32, v28;
	v31 =	vunpack.i.u.bf16.f32 v29;
	v33 =	vld.idx.msk [tilespmem:v36+s15+$0x0], $0xffff;
	v36 =	vadd.s32 s10, v14  }
0x73: {  	v25 =	vadd.f32 v37, v25;
	v29 =	vunpack.i.l.bf16.f32 v29;
	v32 =	vunpack.i.u.bf16.f32 v26;
	v38 =	vld.idx.msk [tilespmem:v41+s15+$0x0], $0xffff  }
0x74: {  	v26 =	vunpack.i.l.bf16.f32 v26;
	v37 =	vunpack.i.u.bf16.f32 v24;
	v31 =	vadd.f32 v32, v31;
	[tilespmem:s30+$0xFFFFB7C0] =	vst v27  }
0x75: {  	v27 =	vunpack.i.u.bf16.f32 v22;
	v32 =	vunpack.i.l.bf16.f32 v22;
	v41 =	vld.idx.msk [tilespmem:v43+s3+$0x0], $0xffff;
	v43 =	vadd.s32 s10, v15;
	[tilespmem:s30+$0xFFFFF780] =	vst v23  }
0x76: {  	v22 =	vunpack.i.l.bf16.f32 v24;
	v24 =	vadd.f32 v30, v34;
	v23 =	vadd.f32 v27, v31;
	v31 =	vld.idx.msk [tilespmem:v45+s15+$0x0], $0xffff;
	[tilespmem:s30+$0xFFFFFBC0] =	vst v25  }
0x77: {  	v26 =	vadd.f32 v26, v29;
	v29 =	vadd.s32 s10, v16;
	v25 =	vadd.f32 v22, v21;
	v27 =	vld.idx.msk [tilespmem:v35+s3+$0x0], $0xffff;
	[tilespmem:s30+$0xFFFFBC00] =	vst v28  }
0x78: {  	v28 =	vadd.f32 v37, v21;
	v23 =	vmul.f32 $3.333333430e-01, v23;
	v34 =	vld.idx.msk [tilespmem:v44+s15+$0x0], $0xffff;
	[tilespmem:s30+$0x0] =	vst v24;
	s30 =	smov.u32 s2  }
0x79: {  	v30 =	vadd.f32 v32, v26;
	v22 =	vadd.s32 s20, v20;
	v32 =	vld.idx.msk [tilespmem:v39+s15+$0x0], $0xffff  }
0x7a: {  	v26 =	vadd.s32 s20, v19;
	v24 =	vadd.s32 s20, v17;
	v23 =	vadd.f32 v23, v28;
	v35 =	vld.idx.msk [tilespmem:v43+s3+$0x0], $0xffff  }
0x7b: {  	v28 =	vmul.f32 $3.333333430e-01, v30;
	v39 =	vunpack.i.u.bf16.f32 v38;
	v30 =	vunpack.i.u.bf16.f32 v41;
	v37 =	vld.idx.msk [tilespmem:v40+s15+$0x0], $0xffff  }
0x7c: {  	v38 =	vunpack.i.l.bf16.f32 v38;
	v40 =	vunpack.i.u.bf16.f32 v33;
	[tilespmem:s2+$0xFFFFF340] =	vst v23;
	v23 =	vadd.f32 v30, v21;
	v43 =	vld.idx.msk [tilespmem:v29+s15+$0x0], $0xffff  }
0x7d: {  	v41 =	vunpack.i.l.bf16.f32 v41;
	v44 =	vunpack.i.l.bf16.f32 v31;
	v29 =	vunpack.i.u.bf16.f32 v27;
	v36 =	vld.idx.msk [tilespmem:v36+s15+$0x0], $0xffff  }
0x7e: {  	v28 =	vadd.f32 v28, v25;
	v27 =	vunpack.i.l.bf16.f32 v27;
	v25 =	vadd.f32 v29, v21;
	v42 =	vld.idx.msk [tilespmem:v42+s15+$0x0], $0xffff  }
0x7f: {  	v29 =	vadd.s32 s20, v18;
	v27 =	vadd.f32 v27, v21;
	v30 =	vunpack.i.l.bf16.f32 v32  }
0x80: {  	v45 =	vunpack.i.l.bf16.f32 v35;
	[tilespmem:s2+$0xFFFFAF40] =	vst v28;
	v28 =	vunpack.i.l.bf16.f32 v33;
	v33 =	vunpack.i.u.bf16.f32 v34  }
0x81: {  	v32 =	vunpack.i.u.bf16.f32 v32;
	v47 =	vunpack.i.u.bf16.f32 v37;
	v46 =	vadd.f32 v30, v28  }
0x82: {  	v40 =	vadd.f32 v32, v40;
	v30 =	vunpack.i.u.bf16.f32 v43;
	v28 =	vadd.f32 v45, v21  }
0x83: {  	v34 =	vunpack.i.l.bf16.f32 v34;
	v32 =	vunpack.i.l.bf16.f32 v43;
	v45 =	vunpack.i.l.bf16.f32 v36  }
0x84: {  	v37 =	vunpack.i.l.bf16.f32 v37;
	v34 =	vadd.f32 v34, v46;
	v43 =	vunpack.i.u.bf16.f32 v42  }
.Ltmp0:
0x85: {  	v41 =	vadd.f32 v41, v21;
	v31 =	vunpack.i.u.bf16.f32 v31;
	v37 =	vadd.f32 v37, v44;
	(pc) =	sbr.rel @p1 .LBB2_4-.Ltmp0, $4  }
0x86: {  	v46 =	vadd.f32 v47, v31;
	v44 =	vmul.f32 $3.333333430e-01, v34;
	v34 =	vadd.f32 v45, v38  }
0x87: {  	v33 =	vadd.f32 v33, v40;
	v40 =	vunpack.i.u.bf16.f32 v36;
	v38 =	vunpack.i.l.bf16.f32 v42  }
0x88: {  	v36 =	vunpack.i.u.bf16.f32 v35;
	v38 =	vadd.f32 v38, v37;
	v31 =	vadd.f32 v44, v41  }
0x89: {  	s19 =	smov.u32 s7;
	s2 =	sadd.s32 $0x1100, s2;
	v33 =	vmul.f32 $3.333333430e-01, v33;
	v35 =	vadd.f32 v40, v39;
	v37 =	vadd.f32 v43, v46  }
0x8a: {  	v13 =	vmul.f32 $3.333333430e-01, v38;
	v14 =	vadd.f32 v32, v34  }
0x8b: {  	v15 =	vmul.f32 $3.333333430e-01, v37;
	v16 =	vadd.f32 v30, v35;
	v18 =	vadd.f32 v33, v23  }
0x8c: {  	v17 =	vadd.f32 v36, v21;
	[tilespmem:s30+$0xFFFFB380] =	vst v31;
	v13 =	vadd.f32 v13, v27;
	v14 =	vmul.f32 $3.333333430e-01, v14  }
0x8d: {  	v16 =	vmul.f32 $3.333333430e-01, v16;
	v15 =	vadd.f32 v15, v25;
	[tilespmem:s30+$0xFFFFF780] =	vst v18;
	v18 =	vor.u32 v7, v11  }
0x8e: {  	[tilespmem:s30+$0xFFFFB7C0] =	vst v13;
	v14 =	vadd.f32 v14, v28  }
0x8f: {  	v13 =	vor.u32 v6, v12;
	[tilespmem:s30+$0xFFFFFBC0] =	vst v15;
	v15 =	vadd.f32 v16, v17  }
0x90: {  	[tilespmem:s30+$0xFFFFBC00] =	vst v14  }
0x91: {  	v16 =	vor.u32 v8, v11;
	[tilespmem:s30+$0x0] =	vst v15  }
0x92: {  	v15 =	vld.idx.msk [tilespmem:v18+s17+$0x0], $0xffff;
	_ =	sdelay $0x1  }
0x93: {  	v14 =	vor.u32 v9, v11;
	v13 =	vld.idx.msk [tilespmem:v13+s16+$0x0], $0xffff;
	_ =	sdelay $0x1  }
0x94: {  	v16 =	vld.idx.msk [tilespmem:v16+s17+$0x0], $0xffff  }
0x95: {  	vm2 =	vgt.s32 v15, $0x0  }
0x96: {  	v15 =	vnsel vm2, $0x0, v15  }
0x97: {  	v14 =	vld.idx.msk [tilespmem:v14+s17+$0x0], $0xffff;
	vm3 =	vgt.s32 v13, $0x0;
	v15 =	vmin.u32 v15, $0x601  }
0x98: {  	v13 =	vnsel vm3, $0x0, v13;
	v15 =	vmul.u32 $0x11, v15  }
0x99: {  	vm2 =	vgt.s32 v16, $0x0;
	v13 =	vmin.u32 v13, $0x200  }
0x9a: {  	s2 =	simm.s32 $0x1;
	v16 =	vnsel vm2, $0x0, v16;
	v17 =	vmul.u32 $0x11, v13;
	v13 =	vpsel p0, $0x6611, v15  }
0x9b: {  	s7 =	simm.s32 $0x3;
	v16 =	vmin.u32 v16, $0x601;
	v24 =	vadd.s32 s2, v13  }
0x9c: {  	s8 =	simm.s32 $0x2;
	vm2 =	vgt.s32 v14, $0x0;
	v16 =	vmul.u32 $0x11, v16;
	v26 =	vadd.s32 s7, v13  }
0x9d: {  	v14 =	vnsel vm2, $0x0, v14;
	v62 =	vadd.s32 s8, v13  }
0x9e: {  	v15 =	vmin.u32 v14, $0x601;
	v14 =	vpsel p0, $0x6611, v16  }
0x9f: {  	v16 =	vmul.u32 $0x11, v15;
	v15 =	vpsel p0, $0x2200, v17;
	v22 =	vld.idx.msk [tilespmem:v13+s15+$0x0], $0xffff  }
0xa0: {  	v50 =	vld.idx.msk [tilespmem:v24+s15+$0x0], $0xffff  }
0xa1: {  	v28 =	vadd.s32 s2, v14;
	v52 =	vld.idx.msk [tilespmem:v26+s15+$0x0], $0xffff  }
0xa2: {  	v18 =	vadd.s32 $0x4, v13;
	v54 =	vadd.s32 s7, v15;
	v32 =	vld.idx.msk [tilespmem:v62+s15+$0x0], $0xffff  }
0xa3: {  	v17 =	vadd.s32 $0x4, v15;
	v19 =	vadd.s32 $0x4, v14;
	v30 =	vadd.s32 s8, v14;
	v23 =	vld.idx.msk [tilespmem:v14+s15+$0x0], $0xffff  }
0xa4: {  	v29 =	vadd.s32 s2, v15;
	v31 =	vadd.s32 s8, v15;
	v16 =	vpsel p0, $0x6611, v16;
	v25 =	vld.idx.msk [tilespmem:v15+s3+$0x0], $0xffff  }
0xa5: {  	v21 =	vld [tilespmem:s22+$0xAC50];
	v51 =	vadd.s32 s7, v14;
	v20 =	vadd.s32 $0x4, v16;
	v63 =	vadd.s32 s8, v16  }
0xa6: {  	v49 =	vadd.s32 s2, v16;
	v41 =	vadd.s32 s7, v16;
	v28 =	vld.idx.msk [tilespmem:v28+s15+$0x0], $0xffff;
	v47 =	vunpack.i.u.bf16.f32 v22  }
0xa7: {  	v35 =	vld.idx.msk [tilespmem:v54+s3+$0x0], $0xffff;
	v22 =	vunpack.i.l.bf16.f32 v22;
	v55 =	vunpack.i.u.bf16.f32 v52;
	v42 =	vunpack.i.u.bf16.f32 v50  }
0xa8: {  	v43 =	vld.idx.msk [tilespmem:v30+s15+$0x0], $0xffff;
	v34 =	vunpack.i.l.bf16.f32 v52;
	v45 =	vunpack.i.l.bf16.f32 v32;
	v37 =	vunpack.i.l.bf16.f32 v50  }
0xa9: {  	v27 =	vld.idx.msk [tilespmem:v16+s15+$0x0], $0xffff;
	v48 =	vunpack.i.u.bf16.f32 v23;
	v26 =	vunpack.i.u.bf16.f32 v25;
	v23 =	vunpack.i.l.bf16.f32 v23  }
0xaa: {  	v25 =	vunpack.i.l.bf16.f32 v25;
	v24 =	vadd.f32 v48, v47;
	v23 =	vadd.f32 v23, v22  }
0xab: {  	s20 =	simm.s32 $0x0;
	v29 =	vld.idx.msk [tilespmem:v29+s3+$0x0], $0xffff;
	v60 =	vunpack.i.u.bf16.f32 v32;
	v25 =	vadd.f32 v25, v21;
	v39 =	vadd.f32 v26, v21  }
0xac: {  	v36 =	vld.idx.msk [tilespmem:v49+s15+$0x0], $0xffff;
	v22 =	vadd.s32 s20, v20;
	v30 =	vunpack.i.l.bf16.f32 v28;
	v57 =	vunpack.i.l.bf16.f32 v35  }
0xad: {  	v41 =	vld.idx.msk [tilespmem:v41+s15+$0x0], $0xffff;
	v28 =	vunpack.i.u.bf16.f32 v28;
	v47 =	vunpack.i.u.bf16.f32 v43;
	v58 =	vunpack.i.l.bf16.f32 v43  }
0xae: {  	v33 =	vld.idx.msk [tilespmem:v63+s15+$0x0], $0xffff;
	v53 =	vunpack.i.u.bf16.f32 v27;
	v30 =	vadd.f32 v30, v37;
	v42 =	vadd.f32 v28, v42  }
0xaf: {  	v31 =	vld.idx.msk [tilespmem:v31+s3+$0x0], $0xffff;
	v27 =	vunpack.i.l.bf16.f32 v27;
	v28 =	vadd.f32 v57, v21;
	v37 =	vadd.f32 v58, v45  }
0xb0: {  	v44 =	vunpack.i.l.bf16.f32 v29;
	v61 =	vadd.f32 v47, v60;
	v23 =	vadd.f32 v27, v23  }
0xb1: {  	v26 =	vadd.s32 s20, v19;
	v44 =	vadd.f32 v44, v21;
	v24 =	vadd.f32 v53, v24  }
0xb2: {  	v56 =	vunpack.i.u.bf16.f32 v36;
	v36 =	vunpack.i.l.bf16.f32 v36;
	v27 =	vmul.f32 $3.333333430e-01, v23  }
0xb3: {  	v32 =	vunpack.i.l.bf16.f32 v41;
	v62 =	vunpack.i.u.bf16.f32 v33;
	v23 =	vunpack.i.u.bf16.f32 v29  }
0xb4: {  	v29 =	vunpack.i.u.bf16.f32 v31;
	v46 =	vadd.f32 v27, v25;
	v27 =	vunpack.i.l.bf16.f32 v31;
	v31 =	vld.idx.msk [tilespmem:v51+s15+$0x0], $0xffff  }
0xb5: {  	v33 =	vunpack.i.l.bf16.f32 v33;
	v36 =	vadd.f32 v36, v30;
	v30 =	vunpack.i.u.bf16.f32 v41  }
0xb6: {  	v42 =	vadd.f32 v56, v42;
	v38 =	vadd.f32 v33, v37;
	v40 =	vmul.f32 $3.333333430e-01, v24  }
0xb7: {  	v37 =	vunpack.i.u.bf16.f32 v35;
	v24 =	vadd.s32 s20, v17;
	v36 =	vmul.f32 $3.333333430e-01, v36  }
0xb8: {  	v39 =	vadd.f32 v40, v39;
	v25 =	vadd.f32 v29, v21;
	v29 =	vadd.s32 s20, v18  }
0xb9: {  	v23 =	vadd.f32 v23, v21;
	v27 =	vadd.f32 v27, v21;
	v59 =	vunpack.i.l.bf16.f32 v31  }
0xba: {  	[tilespmem:s29+$0x0] =	vst v39;
	v63 =	vunpack.i.u.bf16.f32 v31;
	v31 =	vadd.f32 v36, v44;
	v36 =	vadd.f32 v62, v61  }
0xbb: {  	s30 =	smov.u32 s29;
	s7 =	simm.s32 $0x4;
	s2 =	sadd.s32 $0x1100, s29;
	v33 =	vmul.f32 $3.333333430e-01, v42;
	[tilespmem:s29+$0xFFFFBC00] =	vst v46;
	v34 =	vadd.f32 v59, v34;
	v35 =	vadd.f32 v63, v55  }
.LBB2_6:
0xbc: {  	s8 =	sadd.s32 $0x1, s7  }
0xbd: {  	v29 =	vld.idx.msk [tilespmem:v29+s15+$0x0], $0xffff;
	s9 =	sadd.s32 $0x2, s7;
	v38 =	vmul.f32 $3.333333430e-01, v38;
	v32 =	vadd.f32 v32, v34;
	v34 =	vadd.f32 v37, v21;
	s20 =	smov.u32 s7;
	s19 =	sadd.s32 $0x4, s7  }
0xbe: {  	p1 =	slt.u32 s7, $0xC;
	v26 =	vld.idx.msk [tilespmem:v26+s15+$0x0], $0xffff;
	v37 =	vadd.s32 s8, v13;
	v39 =	vadd.s32 s8, v14;
	s10 =	sadd.s32 $0x3, s20;
	v36 =	vmul.f32 $3.333333430e-01, v36  }
0xbf: {  	v40 =	vadd.s32 s9, v14;
	v30 =	vadd.f32 v30, v35;
	v24 =	vld.idx.msk [tilespmem:v24+s3+$0x0], $0xffff;
	v41 =	vadd.s32 s10, v13  }
0xc0: {  	v35 =	vadd.s32 s9, v15;
	v42 =	vadd.s32 s9, v16;
	v32 =	vmul.f32 $3.333333430e-01, v32;
	v22 =	vld.idx.msk [tilespmem:v22+s15+$0x0], $0xffff  }
0xc1: {  	v43 =	vadd.s32 s8, v15;
	v44 =	vadd.s32 s8, v16;
	v30 =	vmul.f32 $3.333333430e-01, v30  }
0xc2: {  	v45 =	vadd.s32 s9, v13;
	v23 =	vadd.f32 v33, v23;
	v27 =	vadd.f32 v38, v27;
	[tilespmem:s30+$0xFFFFC040] =	vst v31  }
0xc3: {  	v28 =	vadd.f32 v32, v28;
	v31 =	vunpack.i.u.bf16.f32 v29;
	v33 =	vld.idx.msk [tilespmem:v37+s15+$0x0], $0xffff;
	v37 =	vadd.s32 s10, v14  }
0xc4: {  	v25 =	vadd.f32 v36, v25;
	v29 =	vunpack.i.l.bf16.f32 v29;
	v32 =	vunpack.i.u.bf16.f32 v26;
	v38 =	vld.idx.msk [tilespmem:v41+s15+$0x0], $0xffff  }
0xc5: {  	v26 =	vunpack.i.l.bf16.f32 v26;
	v36 =	vunpack.i.u.bf16.f32 v24;
	v31 =	vadd.f32 v32, v31;
	[tilespmem:s30+$0xFFFFC480] =	vst v27  }
0xc6: {  	v27 =	vunpack.i.u.bf16.f32 v22;
	v32 =	vunpack.i.l.bf16.f32 v22;
	v41 =	vld.idx.msk [tilespmem:v43+s3+$0x0], $0xffff;
	v43 =	vadd.s32 s10, v15;
	[tilespmem:s30+$0x440] =	vst v23  }
0xc7: {  	v22 =	vunpack.i.l.bf16.f32 v24;
	v24 =	vadd.f32 v30, v34;
	v23 =	vadd.f32 v27, v31;
	v31 =	vld.idx.msk [tilespmem:v45+s15+$0x0], $0xffff;
	[tilespmem:s30+$0x880] =	vst v25  }
0xc8: {  	v26 =	vadd.f32 v26, v29;
	v29 =	vadd.s32 s10, v16;
	v25 =	vadd.f32 v22, v21;
	v27 =	vld.idx.msk [tilespmem:v35+s3+$0x0], $0xffff;
	[tilespmem:s30+$0xFFFFC8C0] =	vst v28  }
0xc9: {  	v28 =	vadd.f32 v36, v21;
	v23 =	vmul.f32 $3.333333430e-01, v23;
	v34 =	vld.idx.msk [tilespmem:v44+s15+$0x0], $0xffff;
	[tilespmem:s30+$0xCC0] =	vst v24;
	s30 =	smov.u32 s2  }
0xca: {  	v30 =	vadd.f32 v32, v26;
	v22 =	vadd.s32 s20, v20;
	v32 =	vld.idx.msk [tilespmem:v39+s15+$0x0], $0xffff  }
0xcb: {  	v26 =	vadd.s32 s20, v19;
	v24 =	vadd.s32 s20, v17;
	v23 =	vadd.f32 v23, v28;
	v35 =	vld.idx.msk [tilespmem:v43+s3+$0x0], $0xffff  }
0xcc: {  	v28 =	vmul.f32 $3.333333430e-01, v30;
	v39 =	vunpack.i.u.bf16.f32 v38;
	v30 =	vunpack.i.u.bf16.f32 v41;
	v36 =	vld.idx.msk [tilespmem:v40+s15+$0x0], $0xffff  }
0xcd: {  	v38 =	vunpack.i.l.bf16.f32 v38;
	v40 =	vunpack.i.u.bf16.f32 v33;
	[tilespmem:s2+$0x0] =	vst v23;
	v23 =	vadd.f32 v30, v21;
	v43 =	vld.idx.msk [tilespmem:v29+s15+$0x0], $0xffff  }
0xce: {  	v41 =	vunpack.i.l.bf16.f32 v41;
	v44 =	vunpack.i.l.bf16.f32 v31;
	v29 =	vunpack.i.u.bf16.f32 v27;
	v37 =	vld.idx.msk [tilespmem:v37+s15+$0x0], $0xffff  }
0xcf: {  	v28 =	vadd.f32 v28, v25;
	v27 =	vunpack.i.l.bf16.f32 v27;
	v25 =	vadd.f32 v29, v21;
	v42 =	vld.idx.msk [tilespmem:v42+s15+$0x0], $0xffff  }
0xd0: {  	v29 =	vadd.s32 s20, v18;
	v27 =	vadd.f32 v27, v21;
	v30 =	vunpack.i.l.bf16.f32 v32  }
0xd1: {  	v45 =	vunpack.i.l.bf16.f32 v35;
	[tilespmem:s2+$0xFFFFBC00] =	vst v28;
	v28 =	vunpack.i.l.bf16.f32 v33;
	v33 =	vunpack.i.u.bf16.f32 v34  }
0xd2: {  	v32 =	vunpack.i.u.bf16.f32 v32;
	v47 =	vunpack.i.u.bf16.f32 v36;
	v46 =	vadd.f32 v30, v28  }
0xd3: {  	v40 =	vadd.f32 v32, v40;
	v30 =	vunpack.i.u.bf16.f32 v43;
	v28 =	vadd.f32 v45, v21  }
0xd4: {  	v34 =	vunpack.i.l.bf16.f32 v34;
	v32 =	vunpack.i.l.bf16.f32 v43;
	v45 =	vunpack.i.l.bf16.f32 v37  }
0xd5: {  	v36 =	vunpack.i.l.bf16.f32 v36;
	v34 =	vadd.f32 v34, v46;
	v43 =	vunpack.i.u.bf16.f32 v42  }
.Ltmp1:
0xd6: {  	v41 =	vadd.f32 v41, v21;
	v31 =	vunpack.i.u.bf16.f32 v31;
	v36 =	vadd.f32 v36, v44;
	(pc) =	sbr.rel @p1 .LBB2_6-.Ltmp1, $4  }
0xd7: {  	v46 =	vadd.f32 v47, v31;
	v44 =	vmul.f32 $3.333333430e-01, v34;
	v34 =	vadd.f32 v45, v38  }
0xd8: {  	v33 =	vadd.f32 v33, v40;
	v40 =	vunpack.i.u.bf16.f32 v37;
	v38 =	vunpack.i.l.bf16.f32 v42  }
0xd9: {  	v37 =	vunpack.i.u.bf16.f32 v35;
	v38 =	vadd.f32 v38, v36;
	v31 =	vadd.f32 v44, v41  }
0xda: {  	s7 =	smov.u32 s19;
	s2 =	sadd.s32 $0x1100, s2;
	v33 =	vmul.f32 $3.333333430e-01, v33;
	v35 =	vadd.f32 v40, v39;
	v36 =	vadd.f32 v43, v46  }
0xdb: {  	v13 =	vmul.f32 $3.333333430e-01, v38;
	v14 =	vadd.f32 v32, v34;
	v16 =	vadd.f32 v37, v21  }
0xdc: {  	v15 =	vadd.f32 v30, v35;
	v17 =	vmul.f32 $3.333333430e-01, v36;
	v18 =	vadd.f32 v33, v23  }
0xdd: {  	[tilespmem:s30+$0xFFFFC040] =	vst v31;
	v19 =	vadd.s32 $0xF8, v3;
	v13 =	vadd.f32 v13, v27;
	v14 =	vmul.f32 $3.333333430e-01, v14  }
0xde: {  	v15 =	vmul.f32 $3.333333430e-01, v15;
	v17 =	vadd.f32 v17, v25;
	[tilespmem:s30+$0x440] =	vst v18;
	v18 =	vor.u32 v19, v11  }
0xdf: {  	[tilespmem:s30+$0xFFFFC480] =	vst v13;
	v14 =	vadd.f32 v14, v28  }
0xe0: {  	v13 =	vor.u32 v10, v12;
	[tilespmem:s30+$0x880] =	vst v17;
	v15 =	vadd.f32 v15, v16  }
0xe1: {  	v19 =	vadd.s32 $0xF9, v3;
	[tilespmem:s30+$0xFFFFC8C0] =	vst v14  }
0xe2: {  	v16 =	vor.u32 v19, v11;
	[tilespmem:s30+$0xCC0] =	vst v15  }
0xe3: {  	v15 =	vld.idx.msk [tilespmem:v18+s17+$0x0], $0xffff  }
0xe4: {  	v14 =	vadd.s32 $0xFA, v3  }
0xe5: {  	v14 =	vor.u32 v14, v11;
	v13 =	vld.idx.msk [tilespmem:v13+s16+$0x0], $0xffff;
	_ =	sdelay $0x1  }
0xe6: {  	v16 =	vld.idx.msk [tilespmem:v16+s17+$0x0], $0xffff  }
0xe7: {  	vm2 =	vgt.s32 v15, $0x0  }
0xe8: {  	v15 =	vnsel vm2, $0x0, v15  }
0xe9: {  	v14 =	vld.idx.msk [tilespmem:v14+s17+$0x0], $0xffff;
	vm3 =	vgt.s32 v13, $0x0;
	v15 =	vmin.u32 v15, $0x601  }
0xea: {  	v13 =	vnsel vm3, $0x0, v13;
	v15 =	vmul.u32 $0x11, v15  }
0xeb: {  	vm2 =	vgt.s32 v16, $0x0;
	v13 =	vmin.u32 v13, $0x200  }
0xec: {  	s2 =	simm.s32 $0x1;
	v16 =	vnsel vm2, $0x0, v16;
	v17 =	vmul.u32 $0x11, v13;
	v13 =	vpsel p0, $0x6611, v15  }
0xed: {  	s7 =	simm.s32 $0x3;
	v16 =	vmin.u32 v16, $0x601;
	v24 =	vadd.s32 s2, v13  }
0xee: {  	s8 =	simm.s32 $0x2;
	vm2 =	vgt.s32 v14, $0x0;
	v16 =	vmul.u32 $0x11, v16;
	v26 =	vadd.s32 s7, v13  }
0xef: {  	v14 =	vnsel vm2, $0x0, v14;
	v62 =	vadd.s32 s8, v13  }
0xf0: {  	v15 =	vmin.u32 v14, $0x601;
	v14 =	vpsel p0, $0x6611, v16  }
0xf1: {  	v16 =	vmul.u32 $0x11, v15;
	v15 =	vpsel p0, $0x2200, v17;
	v22 =	vld.idx.msk [tilespmem:v13+s15+$0x0], $0xffff  }
0xf2: {  	v50 =	vld.idx.msk [tilespmem:v24+s15+$0x0], $0xffff  }
0xf3: {  	v28 =	vadd.s32 s2, v14;
	v52 =	vld.idx.msk [tilespmem:v26+s15+$0x0], $0xffff  }
0xf4: {  	v18 =	vadd.s32 $0x4, v13;
	v54 =	vadd.s32 s7, v15;
	v32 =	vld.idx.msk [tilespmem:v62+s15+$0x0], $0xffff  }
0xf5: {  	v17 =	vadd.s32 $0x4, v15;
	v19 =	vadd.s32 $0x4, v14;
	v30 =	vadd.s32 s8, v14;
	v23 =	vld.idx.msk [tilespmem:v14+s15+$0x0], $0xffff  }
0xf6: {  	v29 =	vadd.s32 s2, v15;
	v31 =	vadd.s32 s8, v15;
	v16 =	vpsel p0, $0x6611, v16;
	v25 =	vld.idx.msk [tilespmem:v15+s3+$0x0], $0xffff  }
0xf7: {  	v21 =	vld [tilespmem:s22+$0xAC60];
	v51 =	vadd.s32 s7, v14;
	v20 =	vadd.s32 $0x4, v16;
	v63 =	vadd.s32 s8, v16  }
0xf8: {  	v49 =	vadd.s32 s2, v16;
	v41 =	vadd.s32 s7, v16;
	v28 =	vld.idx.msk [tilespmem:v28+s15+$0x0], $0xffff;
	v47 =	vunpack.i.u.bf16.f32 v22  }
0xf9: {  	v35 =	vld.idx.msk [tilespmem:v54+s3+$0x0], $0xffff;
	v22 =	vunpack.i.l.bf16.f32 v22;
	v55 =	vunpack.i.u.bf16.f32 v52;
	v42 =	vunpack.i.u.bf16.f32 v50  }
0xfa: {  	v43 =	vld.idx.msk [tilespmem:v30+s15+$0x0], $0xffff;
	v34 =	vunpack.i.l.bf16.f32 v52;
	v45 =	vunpack.i.l.bf16.f32 v32;
	v37 =	vunpack.i.l.bf16.f32 v50  }
0xfb: {  	v27 =	vld.idx.msk [tilespmem:v16+s15+$0x0], $0xffff;
	v48 =	vunpack.i.u.bf16.f32 v23;
	v26 =	vunpack.i.u.bf16.f32 v25;
	v23 =	vunpack.i.l.bf16.f32 v23  }
0xfc: {  	v25 =	vunpack.i.l.bf16.f32 v25;
	v24 =	vadd.f32 v48, v47;
	v23 =	vadd.f32 v23, v22  }
0xfd: {  	s20 =	simm.s32 $0x0;
	v29 =	vld.idx.msk [tilespmem:v29+s3+$0x0], $0xffff;
	v60 =	vunpack.i.u.bf16.f32 v32;
	v25 =	vadd.f32 v25, v21;
	v39 =	vadd.f32 v26, v21  }
0xfe: {  	v36 =	vld.idx.msk [tilespmem:v49+s15+$0x0], $0xffff;
	v22 =	vadd.s32 s20, v20;
	v30 =	vunpack.i.l.bf16.f32 v28;
	v57 =	vunpack.i.l.bf16.f32 v35  }
0xff: {  	v41 =	vld.idx.msk [tilespmem:v41+s15+$0x0], $0xffff;
	v28 =	vunpack.i.u.bf16.f32 v28;
	v47 =	vunpack.i.u.bf16.f32 v43;
	v58 =	vunpack.i.l.bf16.f32 v43  }
0x100: {  	v33 =	vld.idx.msk [tilespmem:v63+s15+$0x0], $0xffff;
	v53 =	vunpack.i.u.bf16.f32 v27;
	v30 =	vadd.f32 v30, v37;
	v42 =	vadd.f32 v28, v42  }
0x101: {  	v31 =	vld.idx.msk [tilespmem:v31+s3+$0x0], $0xffff;
	v27 =	vunpack.i.l.bf16.f32 v27;
	v28 =	vadd.f32 v57, v21;
	v37 =	vadd.f32 v58, v45  }
0x102: {  	v44 =	vunpack.i.l.bf16.f32 v29;
	v61 =	vadd.f32 v47, v60;
	v23 =	vadd.f32 v27, v23  }
0x103: {  	v26 =	vadd.s32 s20, v19;
	v44 =	vadd.f32 v44, v21;
	v24 =	vadd.f32 v53, v24  }
0x104: {  	v56 =	vunpack.i.u.bf16.f32 v36;
	v36 =	vunpack.i.l.bf16.f32 v36;
	v27 =	vmul.f32 $3.333333430e-01, v23  }
0x105: {  	v32 =	vunpack.i.l.bf16.f32 v41;
	v62 =	vunpack.i.u.bf16.f32 v33;
	v23 =	vunpack.i.u.bf16.f32 v29  }
0x106: {  	v29 =	vunpack.i.u.bf16.f32 v31;
	v46 =	vadd.f32 v27, v25;
	v27 =	vunpack.i.l.bf16.f32 v31;
	v31 =	vld.idx.msk [tilespmem:v51+s15+$0x0], $0xffff  }
0x107: {  	v33 =	vunpack.i.l.bf16.f32 v33;
	v36 =	vadd.f32 v36, v30;
	v30 =	vunpack.i.u.bf16.f32 v41  }
0x108: {  	v42 =	vadd.f32 v56, v42;
	v38 =	vadd.f32 v33, v37;
	v40 =	vmul.f32 $3.333333430e-01, v24  }
0x109: {  	v37 =	vunpack.i.u.bf16.f32 v35;
	v24 =	vadd.s32 s20, v17;
	v36 =	vmul.f32 $3.333333430e-01, v36  }
0x10a: {  	v39 =	vadd.f32 v40, v39;
	v25 =	vadd.f32 v29, v21;
	v29 =	vadd.s32 s20, v18  }
0x10b: {  	v23 =	vadd.f32 v23, v21;
	v27 =	vadd.f32 v27, v21;
	v59 =	vunpack.i.l.bf16.f32 v31  }
0x10c: {  	[tilespmem:s0+$0x0] =	vst v39;
	v63 =	vunpack.i.u.bf16.f32 v31;
	v31 =	vadd.f32 v36, v44;
	v36 =	vadd.f32 v62, v61  }
0x10d: {  	s30 =	smov.u32 s0;
	s7 =	simm.s32 $0x4;
	s2 =	sadd.s32 $0x1100, s0;
	v33 =	vmul.f32 $3.333333430e-01, v42;
	[tilespmem:s0+$0xFFFFBC00] =	vst v46;
	v34 =	vadd.f32 v59, v34;
	v35 =	vadd.f32 v63, v55  }
.LBB2_8:
0x10e: {  	s8 =	sadd.s32 $0x1, s7  }
0x10f: {  	v29 =	vld.idx.msk [tilespmem:v29+s15+$0x0], $0xffff;
	s9 =	sadd.s32 $0x2, s7;
	v38 =	vmul.f32 $3.333333430e-01, v38;
	v32 =	vadd.f32 v32, v34;
	v34 =	vadd.f32 v37, v21;
	s20 =	smov.u32 s7;
	s19 =	sadd.s32 $0x4, s7  }
0x110: {  	p1 =	slt.u32 s7, $0xC;
	v26 =	vld.idx.msk [tilespmem:v26+s15+$0x0], $0xffff;
	v37 =	vadd.s32 s8, v13;
	v39 =	vadd.s32 s8, v14;
	s10 =	sadd.s32 $0x3, s20;
	v36 =	vmul.f32 $3.333333430e-01, v36  }
0x111: {  	v40 =	vadd.s32 s9, v14;
	v30 =	vadd.f32 v30, v35;
	v24 =	vld.idx.msk [tilespmem:v24+s3+$0x0], $0xffff;
	v41 =	vadd.s32 s10, v13  }
0x112: {  	v35 =	vadd.s32 s9, v15;
	v42 =	vadd.s32 s9, v16;
	v32 =	vmul.f32 $3.333333430e-01, v32;
	v22 =	vld.idx.msk [tilespmem:v22+s15+$0x0], $0xffff  }
0x113: {  	v43 =	vadd.s32 s8, v15;
	v44 =	vadd.s32 s8, v16;
	v30 =	vmul.f32 $3.333333430e-01, v30  }
0x114: {  	v45 =	vadd.s32 s9, v13;
	v23 =	vadd.f32 v33, v23;
	v27 =	vadd.f32 v38, v27;
	[tilespmem:s30+$0xFFFFC040] =	vst v31  }
0x115: {  	v28 =	vadd.f32 v32, v28;
	v31 =	vunpack.i.u.bf16.f32 v29;
	v33 =	vld.idx.msk [tilespmem:v37+s15+$0x0], $0xffff;
	v37 =	vadd.s32 s10, v14  }
0x116: {  	v25 =	vadd.f32 v36, v25;
	v29 =	vunpack.i.l.bf16.f32 v29;
	v32 =	vunpack.i.u.bf16.f32 v26;
	v38 =	vld.idx.msk [tilespmem:v41+s15+$0x0], $0xffff  }
0x117: {  	v26 =	vunpack.i.l.bf16.f32 v26;
	v36 =	vunpack.i.u.bf16.f32 v24;
	v31 =	vadd.f32 v32, v31;
	[tilespmem:s30+$0xFFFFC480] =	vst v27  }
0x118: {  	v27 =	vunpack.i.u.bf16.f32 v22;
	v32 =	vunpack.i.l.bf16.f32 v22;
	v41 =	vld.idx.msk [tilespmem:v43+s3+$0x0], $0xffff;
	v43 =	vadd.s32 s10, v15;
	[tilespmem:s30+$0x440] =	vst v23  }
0x119: {  	v22 =	vunpack.i.l.bf16.f32 v24;
	v24 =	vadd.f32 v30, v34;
	v23 =	vadd.f32 v27, v31;
	v31 =	vld.idx.msk [tilespmem:v45+s15+$0x0], $0xffff;
	[tilespmem:s30+$0x880] =	vst v25  }
0x11a: {  	v26 =	vadd.f32 v26, v29;
	v29 =	vadd.s32 s10, v16;
	v25 =	vadd.f32 v22, v21;
	v27 =	vld.idx.msk [tilespmem:v35+s3+$0x0], $0xffff;
	[tilespmem:s30+$0xFFFFC8C0] =	vst v28  }
0x11b: {  	v28 =	vadd.f32 v36, v21;
	v23 =	vmul.f32 $3.333333430e-01, v23;
	v34 =	vld.idx.msk [tilespmem:v44+s15+$0x0], $0xffff;
	[tilespmem:s30+$0xCC0] =	vst v24;
	s30 =	smov.u32 s2  }
0x11c: {  	v30 =	vadd.f32 v32, v26;
	v22 =	vadd.s32 s20, v20;
	v32 =	vld.idx.msk [tilespmem:v39+s15+$0x0], $0xffff  }
0x11d: {  	v26 =	vadd.s32 s20, v19;
	v24 =	vadd.s32 s20, v17;
	v23 =	vadd.f32 v23, v28;
	v35 =	vld.idx.msk [tilespmem:v43+s3+$0x0], $0xffff  }
0x11e: {  	v28 =	vmul.f32 $3.333333430e-01, v30;
	v39 =	vunpack.i.u.bf16.f32 v38;
	v30 =	vunpack.i.u.bf16.f32 v41;
	v36 =	vld.idx.msk [tilespmem:v40+s15+$0x0], $0xffff  }
0x11f: {  	v38 =	vunpack.i.l.bf16.f32 v38;
	v40 =	vunpack.i.u.bf16.f32 v33;
	[tilespmem:s2+$0x0] =	vst v23;
	v23 =	vadd.f32 v30, v21;
	v43 =	vld.idx.msk [tilespmem:v29+s15+$0x0], $0xffff  }
0x120: {  	v41 =	vunpack.i.l.bf16.f32 v41;
	v44 =	vunpack.i.l.bf16.f32 v31;
	v29 =	vunpack.i.u.bf16.f32 v27;
	v37 =	vld.idx.msk [tilespmem:v37+s15+$0x0], $0xffff  }
0x121: {  	v28 =	vadd.f32 v28, v25;
	v27 =	vunpack.i.l.bf16.f32 v27;
	v25 =	vadd.f32 v29, v21;
	v42 =	vld.idx.msk [tilespmem:v42+s15+$0x0], $0xffff  }
0x122: {  	v29 =	vadd.s32 s20, v18;
	v27 =	vadd.f32 v27, v21;
	v30 =	vunpack.i.l.bf16.f32 v32  }
0x123: {  	v45 =	vunpack.i.l.bf16.f32 v35;
	[tilespmem:s2+$0xFFFFBC00] =	vst v28;
	v28 =	vunpack.i.l.bf16.f32 v33;
	v33 =	vunpack.i.u.bf16.f32 v34  }
0x124: {  	v32 =	vunpack.i.u.bf16.f32 v32;
	v47 =	vunpack.i.u.bf16.f32 v36;
	v46 =	vadd.f32 v30, v28  }
0x125: {  	v40 =	vadd.f32 v32, v40;
	v30 =	vunpack.i.u.bf16.f32 v43;
	v28 =	vadd.f32 v45, v21  }
0x126: {  	v34 =	vunpack.i.l.bf16.f32 v34;
	v32 =	vunpack.i.l.bf16.f32 v43;
	v45 =	vunpack.i.l.bf16.f32 v37  }
0x127: {  	v36 =	vunpack.i.l.bf16.f32 v36;
	v34 =	vadd.f32 v34, v46;
	v43 =	vunpack.i.u.bf16.f32 v42  }
.Ltmp2:
0x128: {  	v41 =	vadd.f32 v41, v21;
	v31 =	vunpack.i.u.bf16.f32 v31;
	v36 =	vadd.f32 v36, v44;
	(pc) =	sbr.rel @p1 .LBB2_8-.Ltmp2, $4  }
0x129: {  	v46 =	vadd.f32 v47, v31;
	v44 =	vmul.f32 $3.333333430e-01, v34;
	v34 =	vadd.f32 v45, v38  }
0x12a: {  	v33 =	vadd.f32 v33, v40;
	v40 =	vunpack.i.u.bf16.f32 v37;
	v38 =	vunpack.i.l.bf16.f32 v42  }
0x12b: {  	v37 =	vunpack.i.u.bf16.f32 v35;
	v38 =	vadd.f32 v38, v36;
	v31 =	vadd.f32 v44, v41  }
0x12c: {  	s7 =	smov.u32 s19;
	s2 =	sadd.s32 $0x1100, s2;
	v33 =	vmul.f32 $3.333333430e-01, v33;
	v35 =	vadd.f32 v40, v39;
	v36 =	vadd.f32 v43, v46  }
0x12d: {  	v13 =	vmul.f32 $3.333333430e-01, v38  }
0x12e: {  	v14 =	vadd.f32 v32, v34;
	v15 =	vadd.f32 v37, v21  }
0x12f: {  	v19 =	vadd.s32 $0x2F, v2;
	v16 =	vadd.f32 v30, v35;
	v13 =	vadd.f32 v13, v27  }
0x130: {  	v17 =	vmul.f32 $3.333333430e-01, v36;
	v18 =	vadd.f32 v33, v23;
	v14 =	vmul.f32 $3.333333430e-01, v14  }
0x131: {  	v16 =	vmul.f32 $3.333333430e-01, v16;
	[tilespmem:s30+$0xFFFFC480] =	vst v13;
	v13 =	vor.u32 v19, v12;
	v19 =	vadd.s32 $0x178, v3  }
0x132: {  	v17 =	vadd.f32 v17, v25;
	[tilespmem:s30+$0x440] =	vst v18;
	v18 =	vor.u32 v19, v11;
	v19 =	vadd.s32 $0x179, v3  }
0x133: {  	[tilespmem:s30+$0xFFFFC040] =	vst v31;
	v14 =	vadd.f32 v14, v28;
	v15 =	vadd.f32 v16, v15;
	v16 =	vor.u32 v19, v11  }
0x134: {  	[tilespmem:s30+$0x880] =	vst v17  }
0x135: {  	[tilespmem:s30+$0xFFFFC8C0] =	vst v14;
	v14 =	vadd.s32 $0x17A, v3  }
0x136: {  	[tilespmem:s30+$0xCC0] =	vst v15;
	v14 =	vor.u32 v14, v11  }
0x137: {  	v15 =	vld.idx.msk [tilespmem:v18+s17+$0x0], $0xffff  }
0x138: {  	v16 =	vld.idx.msk [tilespmem:v16+s17+$0x0], $0xffff  }
0x139: {  	v13 =	vld.idx.msk [tilespmem:v13+s16+$0x0], $0xffff;
	_ =	sdelay $0x1  }
0x13a: {  	v14 =	vld.idx.msk [tilespmem:v14+s17+$0x0], $0xffff  }
0x13b: {  	vm2 =	vgt.s32 v15, $0x0  }
0x13c: {  	v15 =	vnsel vm2, $0x0, v15;
	vm2 =	vgt.s32 v16, $0x0  }
0x13d: {  	vm3 =	vgt.s32 v13, $0x0;
	v15 =	vmin.u32 v15, $0x601;
	v16 =	vnsel vm2, $0x0, v16  }
0x13e: {  	v13 =	vnsel vm3, $0x0, v13;
	v15 =	vmul.u32 $0x11, v15;
	v16 =	vmin.u32 v16, $0x601  }
0x13f: {  	v13 =	vmin.u32 v13, $0x200;
	vm2 =	vgt.s32 v14, $0x0;
	v16 =	vmul.u32 $0x11, v16  }
0x140: {  	v17 =	vmul.u32 $0x11, v13;
	v14 =	vnsel vm2, $0x0, v14;
	v13 =	vpsel p0, $0x6611, v15  }
0x141: {  	v15 =	vmin.u32 v14, $0x601;
	v14 =	vpsel p0, $0x6611, v16  }
0x142: {  	s2 =	simm.s32 $0x1;
	v16 =	vmul.u32 $0x11, v15;
	v15 =	vpsel p0, $0x2200, v17  }
0x143: {  	s7 =	simm.s32 $0x3;
	v24 =	vadd.s32 s2, v13  }
0x144: {  	s8 =	simm.s32 $0x2;
	v26 =	vadd.s32 s7, v13  }
0x145: {  	v62 =	vadd.s32 s8, v13;
	v22 =	vld.idx.msk [tilespmem:v13+s15+$0x0], $0xffff  }
0x146: {  	v23 =	vld.idx.msk [tilespmem:v14+s15+$0x0], $0xffff  }
0x147: {  	v28 =	vadd.s32 s2, v14;
	v25 =	vld.idx.msk [tilespmem:v15+s3+$0x0], $0xffff  }
0x148: {  	v18 =	vadd.s32 $0x4, v13;
	v54 =	vadd.s32 s7, v15;
	v50 =	vld.idx.msk [tilespmem:v24+s15+$0x0], $0xffff  }
0x149: {  	v17 =	vadd.s32 $0x4, v15;
	v19 =	vadd.s32 $0x4, v14;
	v30 =	vadd.s32 s8, v14;
	v52 =	vld.idx.msk [tilespmem:v26+s15+$0x0], $0xffff  }
0x14a: {  	v29 =	vadd.s32 s2, v15;
	v31 =	vadd.s32 s8, v15;
	v16 =	vpsel p0, $0x6611, v16;
	v32 =	vld.idx.msk [tilespmem:v62+s15+$0x0], $0xffff  }
0x14b: {  	v21 =	vld [tilespmem:s22+$0xAC70];
	v51 =	vadd.s32 s7, v14;
	v20 =	vadd.s32 $0x4, v16;
	v63 =	vadd.s32 s8, v16  }
0x14c: {  	v49 =	vadd.s32 s2, v16;
	v41 =	vadd.s32 s7, v16;
	v28 =	vld.idx.msk [tilespmem:v28+s15+$0x0], $0xffff;
	v47 =	vunpack.i.u.bf16.f32 v22  }
0x14d: {  	v35 =	vld.idx.msk [tilespmem:v54+s3+$0x0], $0xffff;
	v22 =	vunpack.i.l.bf16.f32 v22;
	v48 =	vunpack.i.u.bf16.f32 v23;
	v26 =	vunpack.i.u.bf16.f32 v25  }
0x14e: {  	v43 =	vld.idx.msk [tilespmem:v30+s15+$0x0], $0xffff;
	v23 =	vunpack.i.l.bf16.f32 v23;
	v25 =	vunpack.i.l.bf16.f32 v25;
	v55 =	vunpack.i.u.bf16.f32 v52  }
0x14f: {  	v27 =	vld.idx.msk [tilespmem:v16+s15+$0x0], $0xffff;
	v42 =	vunpack.i.u.bf16.f32 v50;
	v34 =	vunpack.i.l.bf16.f32 v52;
	v45 =	vunpack.i.l.bf16.f32 v32  }
0x150: {  	v37 =	vunpack.i.l.bf16.f32 v50;
	v24 =	vadd.f32 v48, v47;
	v23 =	vadd.f32 v23, v22  }
0x151: {  	s20 =	simm.s32 $0x0;
	v29 =	vld.idx.msk [tilespmem:v29+s3+$0x0], $0xffff;
	v60 =	vunpack.i.u.bf16.f32 v32;
	v25 =	vadd.f32 v25, v21;
	v39 =	vadd.f32 v26, v21  }
0x152: {  	v36 =	vld.idx.msk [tilespmem:v49+s15+$0x0], $0xffff;
	v22 =	vadd.s32 s20, v20;
	v30 =	vunpack.i.l.bf16.f32 v28;
	v57 =	vunpack.i.l.bf16.f32 v35  }
0x153: {  	v41 =	vld.idx.msk [tilespmem:v41+s15+$0x0], $0xffff;
	v28 =	vunpack.i.u.bf16.f32 v28;
	v47 =	vunpack.i.u.bf16.f32 v43;
	v58 =	vunpack.i.l.bf16.f32 v43  }
0x154: {  	v33 =	vld.idx.msk [tilespmem:v63+s15+$0x0], $0xffff;
	v53 =	vunpack.i.u.bf16.f32 v27;
	v30 =	vadd.f32 v30, v37;
	v42 =	vadd.f32 v28, v42  }
0x155: {  	v31 =	vld.idx.msk [tilespmem:v31+s3+$0x0], $0xffff;
	v27 =	vunpack.i.l.bf16.f32 v27;
	v28 =	vadd.f32 v57, v21;
	v37 =	vadd.f32 v58, v45  }
0x156: {  	v44 =	vunpack.i.l.bf16.f32 v29;
	v61 =	vadd.f32 v47, v60;
	v23 =	vadd.f32 v27, v23  }
0x157: {  	v26 =	vadd.s32 s20, v19;
	v44 =	vadd.f32 v44, v21;
	v24 =	vadd.f32 v53, v24  }
0x158: {  	v56 =	vunpack.i.u.bf16.f32 v36;
	v36 =	vunpack.i.l.bf16.f32 v36;
	v27 =	vmul.f32 $3.333333430e-01, v23  }
0x159: {  	v32 =	vunpack.i.l.bf16.f32 v41;
	v62 =	vunpack.i.u.bf16.f32 v33;
	v23 =	vunpack.i.u.bf16.f32 v29  }
0x15a: {  	v29 =	vunpack.i.u.bf16.f32 v31;
	v46 =	vadd.f32 v27, v25;
	v27 =	vunpack.i.l.bf16.f32 v31;
	v31 =	vld.idx.msk [tilespmem:v51+s15+$0x0], $0xffff  }
0x15b: {  	v33 =	vunpack.i.l.bf16.f32 v33;
	v36 =	vadd.f32 v36, v30;
	v30 =	vunpack.i.u.bf16.f32 v41  }
0x15c: {  	v42 =	vadd.f32 v56, v42;
	v38 =	vadd.f32 v33, v37;
	v40 =	vmul.f32 $3.333333430e-01, v24  }
0x15d: {  	v37 =	vunpack.i.u.bf16.f32 v35;
	v24 =	vadd.s32 s20, v17;
	v36 =	vmul.f32 $3.333333430e-01, v36  }
0x15e: {  	v39 =	vadd.f32 v40, v39;
	v25 =	vadd.f32 v29, v21;
	v29 =	vadd.s32 s20, v18  }
0x15f: {  	v23 =	vadd.f32 v23, v21;
	v27 =	vadd.f32 v27, v21;
	v59 =	vunpack.i.l.bf16.f32 v31  }
0x160: {  	[tilespmem:s31+$0x0] =	vst v39;
	v63 =	vunpack.i.u.bf16.f32 v31;
	v31 =	vadd.f32 v36, v44;
	v36 =	vadd.f32 v62, v61  }
0x161: {  	s30 =	smov.u32 s31;
	s7 =	simm.s32 $0x4;
	s2 =	sadd.s32 $0x1100, s31;
	v33 =	vmul.f32 $3.333333430e-01, v42;
	[tilespmem:s31+$0xFFFFBC00] =	vst v46;
	v34 =	vadd.f32 v59, v34;
	v35 =	vadd.f32 v63, v55  }
.LBB2_10:
0x162: {  	s8 =	sadd.s32 $0x1, s7  }
0x163: {  	v29 =	vld.idx.msk [tilespmem:v29+s15+$0x0], $0xffff;
	s9 =	sadd.s32 $0x2, s7;
	v38 =	vmul.f32 $3.333333430e-01, v38;
	v32 =	vadd.f32 v32, v34;
	v34 =	vadd.f32 v37, v21;
	s20 =	smov.u32 s7;
	s19 =	sadd.s32 $0x4, s7  }
0x164: {  	p1 =	slt.u32 s7, $0xC;
	v26 =	vld.idx.msk [tilespmem:v26+s15+$0x0], $0xffff;
	v37 =	vadd.s32 s8, v13;
	v39 =	vadd.s32 s8, v14;
	s10 =	sadd.s32 $0x3, s20;
	v36 =	vmul.f32 $3.333333430e-01, v36  }
0x165: {  	v40 =	vadd.s32 s9, v14;
	v30 =	vadd.f32 v30, v35;
	v24 =	vld.idx.msk [tilespmem:v24+s3+$0x0], $0xffff;
	v41 =	vadd.s32 s10, v13  }
0x166: {  	v35 =	vadd.s32 s9, v15;
	v42 =	vadd.s32 s9, v16;
	v32 =	vmul.f32 $3.333333430e-01, v32;
	v22 =	vld.idx.msk [tilespmem:v22+s15+$0x0], $0xffff  }
0x167: {  	v43 =	vadd.s32 s8, v15;
	v44 =	vadd.s32 s8, v16;
	v30 =	vmul.f32 $3.333333430e-01, v30  }
0x168: {  	v45 =	vadd.s32 s9, v13;
	v23 =	vadd.f32 v33, v23;
	v27 =	vadd.f32 v38, v27;
	[tilespmem:s30+$0xFFFFC040] =	vst v31  }
0x169: {  	v28 =	vadd.f32 v32, v28;
	v31 =	vunpack.i.u.bf16.f32 v29;
	v33 =	vld.idx.msk [tilespmem:v37+s15+$0x0], $0xffff;
	v37 =	vadd.s32 s10, v14  }
0x16a: {  	v25 =	vadd.f32 v36, v25;
	v29 =	vunpack.i.l.bf16.f32 v29;
	v32 =	vunpack.i.u.bf16.f32 v26;
	v38 =	vld.idx.msk [tilespmem:v41+s15+$0x0], $0xffff  }
0x16b: {  	v26 =	vunpack.i.l.bf16.f32 v26;
	v36 =	vunpack.i.u.bf16.f32 v24;
	v31 =	vadd.f32 v32, v31;
	[tilespmem:s30+$0xFFFFC480] =	vst v27  }
0x16c: {  	v27 =	vunpack.i.u.bf16.f32 v22;
	v32 =	vunpack.i.l.bf16.f32 v22;
	v41 =	vld.idx.msk [tilespmem:v43+s3+$0x0], $0xffff;
	v43 =	vadd.s32 s10, v15;
	[tilespmem:s30+$0x440] =	vst v23  }
0x16d: {  	v22 =	vunpack.i.l.bf16.f32 v24;
	v24 =	vadd.f32 v30, v34;
	v23 =	vadd.f32 v27, v31;
	v31 =	vld.idx.msk [tilespmem:v45+s15+$0x0], $0xffff;
	[tilespmem:s30+$0x880] =	vst v25  }
0x16e: {  	v26 =	vadd.f32 v26, v29;
	v29 =	vadd.s32 s10, v16;
	v25 =	vadd.f32 v22, v21;
	v27 =	vld.idx.msk [tilespmem:v35+s3+$0x0], $0xffff;
	[tilespmem:s30+$0xFFFFC8C0] =	vst v28  }
0x16f: {  	v28 =	vadd.f32 v36, v21;
	v23 =	vmul.f32 $3.333333430e-01, v23;
	v34 =	vld.idx.msk [tilespmem:v44+s15+$0x0], $0xffff;
	[tilespmem:s30+$0xCC0] =	vst v24;
	s30 =	smov.u32 s2  }
0x170: {  	v30 =	vadd.f32 v32, v26;
	v22 =	vadd.s32 s20, v20;
	v32 =	vld.idx.msk [tilespmem:v39+s15+$0x0], $0xffff  }
0x171: {  	v26 =	vadd.s32 s20, v19;
	v24 =	vadd.s32 s20, v17;
	v23 =	vadd.f32 v23, v28;
	v35 =	vld.idx.msk [tilespmem:v43+s3+$0x0], $0xffff  }
0x172: {  	v28 =	vmul.f32 $3.333333430e-01, v30;
	v39 =	vunpack.i.u.bf16.f32 v38;
	v30 =	vunpack.i.u.bf16.f32 v41;
	v36 =	vld.idx.msk [tilespmem:v40+s15+$0x0], $0xffff  }
0x173: {  	v38 =	vunpack.i.l.bf16.f32 v38;
	v40 =	vunpack.i.u.bf16.f32 v33;
	[tilespmem:s2+$0x0] =	vst v23;
	v23 =	vadd.f32 v30, v21;
	v43 =	vld.idx.msk [tilespmem:v29+s15+$0x0], $0xffff  }
0x174: {  	v41 =	vunpack.i.l.bf16.f32 v41;
	v44 =	vunpack.i.l.bf16.f32 v31;
	v29 =	vunpack.i.u.bf16.f32 v27;
	v37 =	vld.idx.msk [tilespmem:v37+s15+$0x0], $0xffff  }
0x175: {  	v28 =	vadd.f32 v28, v25;
	v27 =	vunpack.i.l.bf16.f32 v27;
	v25 =	vadd.f32 v29, v21;
	v42 =	vld.idx.msk [tilespmem:v42+s15+$0x0], $0xffff  }
0x176: {  	v29 =	vadd.s32 s20, v18;
	v27 =	vadd.f32 v27, v21;
	v30 =	vunpack.i.l.bf16.f32 v32  }
0x177: {  	v45 =	vunpack.i.l.bf16.f32 v35;
	[tilespmem:s2+$0xFFFFBC00] =	vst v28;
	v28 =	vunpack.i.l.bf16.f32 v33;
	v33 =	vunpack.i.u.bf16.f32 v34  }
0x178: {  	v32 =	vunpack.i.u.bf16.f32 v32;
	v47 =	vunpack.i.u.bf16.f32 v36;
	v46 =	vadd.f32 v30, v28  }
0x179: {  	v40 =	vadd.f32 v32, v40;
	v30 =	vunpack.i.u.bf16.f32 v43;
	v28 =	vadd.f32 v45, v21  }
0x17a: {  	v34 =	vunpack.i.l.bf16.f32 v34;
	v32 =	vunpack.i.l.bf16.f32 v43;
	v45 =	vunpack.i.l.bf16.f32 v37  }
0x17b: {  	v36 =	vunpack.i.l.bf16.f32 v36;
	v34 =	vadd.f32 v34, v46;
	v43 =	vunpack.i.u.bf16.f32 v42  }
.Ltmp3:
0x17c: {  	v41 =	vadd.f32 v41, v21;
	v31 =	vunpack.i.u.bf16.f32 v31;
	v36 =	vadd.f32 v36, v44;
	(pc) =	sbr.rel @p1 .LBB2_10-.Ltmp3, $4  }
0x17d: {  	v46 =	vadd.f32 v47, v31;
	v44 =	vmul.f32 $3.333333430e-01, v34;
	v34 =	vadd.f32 v45, v38  }
0x17e: {  	v33 =	vadd.f32 v33, v40;
	v40 =	vunpack.i.u.bf16.f32 v37;
	v38 =	vunpack.i.l.bf16.f32 v42  }
0x17f: {  	v37 =	vunpack.i.u.bf16.f32 v35;
	v38 =	vadd.f32 v38, v36;
	v31 =	vadd.f32 v44, v41  }
0x180: {  	s7 =	smov.u32 s19;
	s2 =	sadd.s32 $0x1100, s2;
	v33 =	vmul.f32 $3.333333430e-01, v33;
	v35 =	vadd.f32 v40, v39;
	v36 =	vadd.f32 v43, v46  }
0x181: {  	v13 =	vmul.f32 $3.333333430e-01, v38  }
0x182: {  	v14 =	vadd.f32 v32, v34;
	v15 =	vadd.f32 v37, v21  }
0x183: {  	v19 =	vadd.s32 $0x3F, v2;
	v16 =	vadd.f32 v30, v35;
	v13 =	vadd.f32 v13, v27  }
0x184: {  	v17 =	vmul.f32 $3.333333430e-01, v36;
	v18 =	vadd.f32 v33, v23;
	v14 =	vmul.f32 $3.333333430e-01, v14  }
0x185: {  	v16 =	vmul.f32 $3.333333430e-01, v16;
	[tilespmem:s30+$0xFFFFC480] =	vst v13;
	v13 =	vor.u32 v19, v12;
	v19 =	vadd.s32 $0x1F8, v3  }
0x186: {  	v17 =	vadd.f32 v17, v25;
	[tilespmem:s30+$0x440] =	vst v18;
	v18 =	vor.u32 v19, v11;
	v19 =	vadd.s32 $0x1F9, v3  }
0x187: {  	[tilespmem:s30+$0xFFFFC040] =	vst v31;
	v14 =	vadd.f32 v14, v28;
	v15 =	vadd.f32 v16, v15;
	v16 =	vor.u32 v19, v11  }
0x188: {  	[tilespmem:s30+$0x880] =	vst v17  }
0x189: {  	[tilespmem:s30+$0xFFFFC8C0] =	vst v14;
	v14 =	vadd.s32 $0x1FA, v3  }
0x18a: {  	[tilespmem:s30+$0xCC0] =	vst v15;
	v14 =	vor.u32 v14, v11  }
0x18b: {  	v15 =	vld.idx.msk [tilespmem:v18+s17+$0x0], $0xffff  }
0x18c: {  	v16 =	vld.idx.msk [tilespmem:v16+s17+$0x0], $0xffff  }
0x18d: {  	v13 =	vld.idx.msk [tilespmem:v13+s16+$0x0], $0xffff;
	_ =	sdelay $0x1  }
0x18e: {  	v14 =	vld.idx.msk [tilespmem:v14+s17+$0x0], $0xffff  }
0x18f: {  	vm2 =	vgt.s32 v15, $0x0  }
0x190: {  	v15 =	vnsel vm2, $0x0, v15;
	vm2 =	vgt.s32 v16, $0x0  }
0x191: {  	vm3 =	vgt.s32 v13, $0x0;
	v15 =	vmin.u32 v15, $0x601;
	v16 =	vnsel vm2, $0x0, v16  }
0x192: {  	v13 =	vnsel vm3, $0x0, v13;
	v15 =	vmul.u32 $0x11, v15;
	v16 =	vmin.u32 v16, $0x601  }
0x193: {  	v13 =	vmin.u32 v13, $0x200;
	vm2 =	vgt.s32 v14, $0x0;
	v16 =	vmul.u32 $0x11, v16  }
0x194: {  	v17 =	vmul.u32 $0x11, v13;
	v14 =	vnsel vm2, $0x0, v14;
	v13 =	vpsel p0, $0x6611, v15  }
0x195: {  	v15 =	vmin.u32 v14, $0x601;
	v14 =	vpsel p0, $0x6611, v16  }
0x196: {  	s2 =	simm.s32 $0x1;
	v16 =	vmul.u32 $0x11, v15;
	v15 =	vpsel p0, $0x2200, v17  }
0x197: {  	s7 =	simm.s32 $0x3;
	v24 =	vadd.s32 s2, v13  }
0x198: {  	s8 =	simm.s32 $0x2;
	v26 =	vadd.s32 s7, v13  }
0x199: {  	v62 =	vadd.s32 s8, v13;
	v22 =	vld.idx.msk [tilespmem:v13+s15+$0x0], $0xffff  }
0x19a: {  	v23 =	vld.idx.msk [tilespmem:v14+s15+$0x0], $0xffff  }
0x19b: {  	v28 =	vadd.s32 s2, v14;
	v25 =	vld.idx.msk [tilespmem:v15+s3+$0x0], $0xffff  }
0x19c: {  	v18 =	vadd.s32 $0x4, v13;
	v54 =	vadd.s32 s7, v15;
	v50 =	vld.idx.msk [tilespmem:v24+s15+$0x0], $0xffff  }
0x19d: {  	v17 =	vadd.s32 $0x4, v15;
	v19 =	vadd.s32 $0x4, v14;
	v30 =	vadd.s32 s8, v14;
	v52 =	vld.idx.msk [tilespmem:v26+s15+$0x0], $0xffff  }
0x19e: {  	v29 =	vadd.s32 s2, v15;
	v31 =	vadd.s32 s8, v15;
	v16 =	vpsel p0, $0x6611, v16;
	v32 =	vld.idx.msk [tilespmem:v62+s15+$0x0], $0xffff  }
0x19f: {  	v21 =	vld [tilespmem:s22+$0xAC80];
	v51 =	vadd.s32 s7, v14;
	v20 =	vadd.s32 $0x4, v16;
	v63 =	vadd.s32 s8, v16  }
0x1a0: {  	v49 =	vadd.s32 s2, v16;
	v41 =	vadd.s32 s7, v16;
	v28 =	vld.idx.msk [tilespmem:v28+s15+$0x0], $0xffff;
	v47 =	vunpack.i.u.bf16.f32 v22  }
0x1a1: {  	v35 =	vld.idx.msk [tilespmem:v54+s3+$0x0], $0xffff;
	v22 =	vunpack.i.l.bf16.f32 v22;
	v48 =	vunpack.i.u.bf16.f32 v23;
	v26 =	vunpack.i.u.bf16.f32 v25  }
0x1a2: {  	v43 =	vld.idx.msk [tilespmem:v30+s15+$0x0], $0xffff;
	v23 =	vunpack.i.l.bf16.f32 v23;
	v25 =	vunpack.i.l.bf16.f32 v25;
	v55 =	vunpack.i.u.bf16.f32 v52  }
0x1a3: {  	v27 =	vld.idx.msk [tilespmem:v16+s15+$0x0], $0xffff;
	v42 =	vunpack.i.u.bf16.f32 v50;
	v34 =	vunpack.i.l.bf16.f32 v52;
	v45 =	vunpack.i.l.bf16.f32 v32  }
0x1a4: {  	v37 =	vunpack.i.l.bf16.f32 v50;
	v24 =	vadd.f32 v48, v47;
	v23 =	vadd.f32 v23, v22  }
0x1a5: {  	s20 =	simm.s32 $0x0;
	v29 =	vld.idx.msk [tilespmem:v29+s3+$0x0], $0xffff;
	v60 =	vunpack.i.u.bf16.f32 v32;
	v25 =	vadd.f32 v25, v21;
	v39 =	vadd.f32 v26, v21  }
0x1a6: {  	v36 =	vld.idx.msk [tilespmem:v49+s15+$0x0], $0xffff;
	v22 =	vadd.s32 s20, v20;
	v30 =	vunpack.i.l.bf16.f32 v28;
	v57 =	vunpack.i.l.bf16.f32 v35  }
0x1a7: {  	v41 =	vld.idx.msk [tilespmem:v41+s15+$0x0], $0xffff;
	v28 =	vunpack.i.u.bf16.f32 v28;
	v47 =	vunpack.i.u.bf16.f32 v43;
	v58 =	vunpack.i.l.bf16.f32 v43  }
0x1a8: {  	v33 =	vld.idx.msk [tilespmem:v63+s15+$0x0], $0xffff;
	v53 =	vunpack.i.u.bf16.f32 v27;
	v30 =	vadd.f32 v30, v37;
	v42 =	vadd.f32 v28, v42  }
0x1a9: {  	v31 =	vld.idx.msk [tilespmem:v31+s3+$0x0], $0xffff;
	v27 =	vunpack.i.l.bf16.f32 v27;
	v28 =	vadd.f32 v57, v21;
	v37 =	vadd.f32 v58, v45  }
0x1aa: {  	v44 =	vunpack.i.l.bf16.f32 v29;
	v61 =	vadd.f32 v47, v60;
	v23 =	vadd.f32 v27, v23  }
0x1ab: {  	v26 =	vadd.s32 s20, v19;
	v44 =	vadd.f32 v44, v21;
	v24 =	vadd.f32 v53, v24  }
0x1ac: {  	v56 =	vunpack.i.u.bf16.f32 v36;
	v36 =	vunpack.i.l.bf16.f32 v36;
	v27 =	vmul.f32 $3.333333430e-01, v23  }
0x1ad: {  	v32 =	vunpack.i.l.bf16.f32 v41;
	v62 =	vunpack.i.u.bf16.f32 v33;
	v23 =	vunpack.i.u.bf16.f32 v29  }
0x1ae: {  	v29 =	vunpack.i.u.bf16.f32 v31;
	v46 =	vadd.f32 v27, v25;
	v27 =	vunpack.i.l.bf16.f32 v31;
	v31 =	vld.idx.msk [tilespmem:v51+s15+$0x0], $0xffff  }
0x1af: {  	v33 =	vunpack.i.l.bf16.f32 v33;
	v36 =	vadd.f32 v36, v30;
	v30 =	vunpack.i.u.bf16.f32 v41  }
0x1b0: {  	v42 =	vadd.f32 v56, v42;
	v38 =	vadd.f32 v33, v37;
	v40 =	vmul.f32 $3.333333430e-01, v24  }
0x1b1: {  	v37 =	vunpack.i.u.bf16.f32 v35;
	v24 =	vadd.s32 s20, v17;
	v36 =	vmul.f32 $3.333333430e-01, v36  }
0x1b2: {  	v39 =	vadd.f32 v40, v39;
	v25 =	vadd.f32 v29, v21;
	v29 =	vadd.s32 s20, v18  }
0x1b3: {  	v23 =	vadd.f32 v23, v21;
	v27 =	vadd.f32 v27, v21;
	v59 =	vunpack.i.l.bf16.f32 v31  }
0x1b4: {  	[tilespmem:s1+$0x0] =	vst v39;
	v63 =	vunpack.i.u.bf16.f32 v31;
	v31 =	vadd.f32 v36, v44;
	v36 =	vadd.f32 v62, v61  }
0x1b5: {  	s30 =	smov.u32 s1;
	s7 =	simm.s32 $0x4;
	s2 =	sadd.s32 $0x1100, s1;
	v33 =	vmul.f32 $3.333333430e-01, v42;
	[tilespmem:s1+$0xFFFFBC00] =	vst v46;
	v34 =	vadd.f32 v59, v34;
	v35 =	vadd.f32 v63, v55  }
.LBB2_12:
0x1b6: {  	s8 =	sadd.s32 $0x1, s7  }
0x1b7: {  	v29 =	vld.idx.msk [tilespmem:v29+s15+$0x0], $0xffff;
	s9 =	sadd.s32 $0x2, s7;
	v38 =	vmul.f32 $3.333333430e-01, v38;
	v32 =	vadd.f32 v32, v34;
	v34 =	vadd.f32 v37, v21;
	s20 =	smov.u32 s7;
	s19 =	sadd.s32 $0x4, s7  }
0x1b8: {  	p1 =	slt.u32 s7, $0xC;
	v26 =	vld.idx.msk [tilespmem:v26+s15+$0x0], $0xffff;
	v37 =	vadd.s32 s8, v13;
	v39 =	vadd.s32 s8, v14;
	s10 =	sadd.s32 $0x3, s20;
	v36 =	vmul.f32 $3.333333430e-01, v36  }
0x1b9: {  	v40 =	vadd.s32 s9, v14;
	v30 =	vadd.f32 v30, v35;
	v24 =	vld.idx.msk [tilespmem:v24+s3+$0x0], $0xffff;
	v41 =	vadd.s32 s10, v13  }
0x1ba: {  	v35 =	vadd.s32 s9, v15;
	v42 =	vadd.s32 s9, v16;
	v32 =	vmul.f32 $3.333333430e-01, v32;
	v22 =	vld.idx.msk [tilespmem:v22+s15+$0x0], $0xffff  }
0x1bb: {  	v43 =	vadd.s32 s8, v15;
	v44 =	vadd.s32 s8, v16;
	v30 =	vmul.f32 $3.333333430e-01, v30  }
0x1bc: {  	v45 =	vadd.s32 s9, v13;
	v23 =	vadd.f32 v33, v23;
	v27 =	vadd.f32 v38, v27;
	[tilespmem:s30+$0xFFFFC040] =	vst v31  }
0x1bd: {  	v28 =	vadd.f32 v32, v28;
	v31 =	vunpack.i.u.bf16.f32 v29;
	v33 =	vld.idx.msk [tilespmem:v37+s15+$0x0], $0xffff;
	v37 =	vadd.s32 s10, v14  }
0x1be: {  	v25 =	vadd.f32 v36, v25;
	v29 =	vunpack.i.l.bf16.f32 v29;
	v32 =	vunpack.i.u.bf16.f32 v26;
	v38 =	vld.idx.msk [tilespmem:v41+s15+$0x0], $0xffff  }
0x1bf: {  	v26 =	vunpack.i.l.bf16.f32 v26;
	v36 =	vunpack.i.u.bf16.f32 v24;
	v31 =	vadd.f32 v32, v31;
	[tilespmem:s30+$0xFFFFC480] =	vst v27  }
0x1c0: {  	v27 =	vunpack.i.u.bf16.f32 v22;
	v32 =	vunpack.i.l.bf16.f32 v22;
	v41 =	vld.idx.msk [tilespmem:v43+s3+$0x0], $0xffff;
	v43 =	vadd.s32 s10, v15;
	[tilespmem:s30+$0x440] =	vst v23  }
0x1c1: {  	v22 =	vunpack.i.l.bf16.f32 v24;
	v24 =	vadd.f32 v30, v34;
	v23 =	vadd.f32 v27, v31;
	v31 =	vld.idx.msk [tilespmem:v45+s15+$0x0], $0xffff;
	[tilespmem:s30+$0x880] =	vst v25  }
0x1c2: {  	v26 =	vadd.f32 v26, v29;
	v29 =	vadd.s32 s10, v16;
	v25 =	vadd.f32 v22, v21;
	v27 =	vld.idx.msk [tilespmem:v35+s3+$0x0], $0xffff;
	[tilespmem:s30+$0xFFFFC8C0] =	vst v28  }
0x1c3: {  	v28 =	vadd.f32 v36, v21;
	v23 =	vmul.f32 $3.333333430e-01, v23;
	v34 =	vld.idx.msk [tilespmem:v44+s15+$0x0], $0xffff;
	[tilespmem:s30+$0xCC0] =	vst v24;
	s30 =	smov.u32 s2  }
0x1c4: {  	v30 =	vadd.f32 v32, v26;
	v22 =	vadd.s32 s20, v20;
	v32 =	vld.idx.msk [tilespmem:v39+s15+$0x0], $0xffff  }
0x1c5: {  	v26 =	vadd.s32 s20, v19;
	v24 =	vadd.s32 s20, v17;
	v23 =	vadd.f32 v23, v28;
	v35 =	vld.idx.msk [tilespmem:v43+s3+$0x0], $0xffff  }
0x1c6: {  	v28 =	vmul.f32 $3.333333430e-01, v30;
	v39 =	vunpack.i.u.bf16.f32 v38;
	v30 =	vunpack.i.u.bf16.f32 v41;
	v36 =	vld.idx.msk [tilespmem:v40+s15+$0x0], $0xffff  }
0x1c7: {  	v38 =	vunpack.i.l.bf16.f32 v38;
	v40 =	vunpack.i.u.bf16.f32 v33;
	[tilespmem:s2+$0x0] =	vst v23;
	v23 =	vadd.f32 v30, v21;
	v43 =	vld.idx.msk [tilespmem:v29+s15+$0x0], $0xffff  }
0x1c8: {  	v41 =	vunpack.i.l.bf16.f32 v41;
	v44 =	vunpack.i.l.bf16.f32 v31;
	v29 =	vunpack.i.u.bf16.f32 v27;
	v37 =	vld.idx.msk [tilespmem:v37+s15+$0x0], $0xffff  }
0x1c9: {  	v28 =	vadd.f32 v28, v25;
	v27 =	vunpack.i.l.bf16.f32 v27;
	v25 =	vadd.f32 v29, v21;
	v42 =	vld.idx.msk [tilespmem:v42+s15+$0x0], $0xffff  }
0x1ca: {  	v29 =	vadd.s32 s20, v18;
	v27 =	vadd.f32 v27, v21;
	v30 =	vunpack.i.l.bf16.f32 v32  }
0x1cb: {  	v45 =	vunpack.i.l.bf16.f32 v35;
	[tilespmem:s2+$0xFFFFBC00] =	vst v28;
	v28 =	vunpack.i.l.bf16.f32 v33;
	v33 =	vunpack.i.u.bf16.f32 v34  }
0x1cc: {  	v32 =	vunpack.i.u.bf16.f32 v32;
	v47 =	vunpack.i.u.bf16.f32 v36;
	v46 =	vadd.f32 v30, v28  }
0x1cd: {  	v40 =	vadd.f32 v32, v40;
	v30 =	vunpack.i.u.bf16.f32 v43;
	v28 =	vadd.f32 v45, v21  }
0x1ce: {  	v34 =	vunpack.i.l.bf16.f32 v34;
	v32 =	vunpack.i.l.bf16.f32 v43;
	v45 =	vunpack.i.l.bf16.f32 v37  }
0x1cf: {  	v36 =	vunpack.i.l.bf16.f32 v36;
	v34 =	vadd.f32 v34, v46;
	v43 =	vunpack.i.u.bf16.f32 v42  }
.Ltmp4:
0x1d0: {  	v41 =	vadd.f32 v41, v21;
	v31 =	vunpack.i.u.bf16.f32 v31;
	v36 =	vadd.f32 v36, v44;
	(pc) =	sbr.rel @p1 .LBB2_12-.Ltmp4, $4  }
0x1d1: {  	v46 =	vadd.f32 v47, v31;
	v44 =	vmul.f32 $3.333333430e-01, v34;
	v34 =	vadd.f32 v45, v38  }
0x1d2: {  	v33 =	vadd.f32 v33, v40;
	v40 =	vunpack.i.u.bf16.f32 v37;
	v38 =	vunpack.i.l.bf16.f32 v42  }
0x1d3: {  	v37 =	vunpack.i.u.bf16.f32 v35;
	v38 =	vadd.f32 v38, v36;
	v31 =	vadd.f32 v44, v41  }
0x1d4: {  	s7 =	smov.u32 s19;
	s2 =	sadd.s32 $0x1100, s2;
	v33 =	vmul.f32 $3.333333430e-01, v33;
	v35 =	vadd.f32 v40, v39;
	v36 =	vadd.f32 v43, v46  }
0x1d5: {  	v13 =	vmul.f32 $3.333333430e-01, v38  }
0x1d6: {  	v14 =	vadd.f32 v32, v34;
	v15 =	vadd.f32 v37, v21  }
0x1d7: {  	v19 =	vadd.s32 $0x4F, v2;
	v16 =	vadd.f32 v30, v35;
	v13 =	vadd.f32 v13, v27  }
0x1d8: {  	v17 =	vmul.f32 $3.333333430e-01, v36;
	v18 =	vadd.f32 v33, v23;
	v14 =	vmul.f32 $3.333333430e-01, v14  }
0x1d9: {  	v16 =	vmul.f32 $3.333333430e-01, v16;
	[tilespmem:s30+$0xFFFFC480] =	vst v13;
	v13 =	vor.u32 v19, v12;
	v19 =	vadd.s32 $0x278, v3  }
0x1da: {  	v17 =	vadd.f32 v17, v25;
	[tilespmem:s30+$0x440] =	vst v18;
	v18 =	vor.u32 v19, v11;
	v19 =	vadd.s32 $0x279, v3  }
0x1db: {  	[tilespmem:s30+$0xFFFFC040] =	vst v31;
	v14 =	vadd.f32 v14, v28;
	v15 =	vadd.f32 v16, v15;
	v16 =	vor.u32 v19, v11  }
0x1dc: {  	[tilespmem:s30+$0x880] =	vst v17  }
0x1dd: {  	[tilespmem:s30+$0xFFFFC8C0] =	vst v14;
	v14 =	vadd.s32 $0x27A, v3  }
0x1de: {  	[tilespmem:s30+$0xCC0] =	vst v15;
	v14 =	vor.u32 v14, v11  }
0x1df: {  	v15 =	vld.idx.msk [tilespmem:v18+s17+$0x0], $0xffff  }
0x1e0: {  	v16 =	vld.idx.msk [tilespmem:v16+s17+$0x0], $0xffff  }
0x1e1: {  	v13 =	vld.idx.msk [tilespmem:v13+s16+$0x0], $0xffff;
	_ =	sdelay $0x1  }
0x1e2: {  	v14 =	vld.idx.msk [tilespmem:v14+s17+$0x0], $0xffff  }
0x1e3: {  	vm2 =	vgt.s32 v15, $0x0  }
0x1e4: {  	v15 =	vnsel vm2, $0x0, v15;
	vm2 =	vgt.s32 v16, $0x0  }
0x1e5: {  	vm3 =	vgt.s32 v13, $0x0;
	v15 =	vmin.u32 v15, $0x601;
	v16 =	vnsel vm2, $0x0, v16  }
0x1e6: {  	v13 =	vnsel vm3, $0x0, v13;
	v15 =	vmul.u32 $0x11, v15;
	v16 =	vmin.u32 v16, $0x601  }
0x1e7: {  	v13 =	vmin.u32 v13, $0x200;
	vm2 =	vgt.s32 v14, $0x0;
	v16 =	vmul.u32 $0x11, v16  }
0x1e8: {  	v17 =	vmul.u32 $0x11, v13;
	v14 =	vnsel vm2, $0x0, v14;
	v13 =	vpsel p0, $0x6611, v15  }
0x1e9: {  	v15 =	vmin.u32 v14, $0x601;
	v14 =	vpsel p0, $0x6611, v16  }
0x1ea: {  	s2 =	simm.s32 $0x1;
	v16 =	vmul.u32 $0x11, v15;
	v15 =	vpsel p0, $0x2200, v17  }
0x1eb: {  	s7 =	simm.s32 $0x3;
	v24 =	vadd.s32 s2, v13  }
0x1ec: {  	s8 =	simm.s32 $0x2;
	v26 =	vadd.s32 s7, v13  }
0x1ed: {  	v62 =	vadd.s32 s8, v13;
	v22 =	vld.idx.msk [tilespmem:v13+s15+$0x0], $0xffff  }
0x1ee: {  	v23 =	vld.idx.msk [tilespmem:v14+s15+$0x0], $0xffff  }
0x1ef: {  	v28 =	vadd.s32 s2, v14;
	v25 =	vld.idx.msk [tilespmem:v15+s3+$0x0], $0xffff  }
0x1f0: {  	v18 =	vadd.s32 $0x4, v13;
	v54 =	vadd.s32 s7, v15;
	v50 =	vld.idx.msk [tilespmem:v24+s15+$0x0], $0xffff  }
0x1f1: {  	v17 =	vadd.s32 $0x4, v15;
	v19 =	vadd.s32 $0x4, v14;
	v30 =	vadd.s32 s8, v14;
	v52 =	vld.idx.msk [tilespmem:v26+s15+$0x0], $0xffff  }
0x1f2: {  	v29 =	vadd.s32 s2, v15;
	v31 =	vadd.s32 s8, v15;
	v16 =	vpsel p0, $0x6611, v16;
	v32 =	vld.idx.msk [tilespmem:v62+s15+$0x0], $0xffff  }
0x1f3: {  	v21 =	vld [tilespmem:s22+$0xAC90];
	v51 =	vadd.s32 s7, v14;
	v20 =	vadd.s32 $0x4, v16;
	v63 =	vadd.s32 s8, v16  }
0x1f4: {  	v49 =	vadd.s32 s2, v16;
	v41 =	vadd.s32 s7, v16;
	v28 =	vld.idx.msk [tilespmem:v28+s15+$0x0], $0xffff;
	v47 =	vunpack.i.u.bf16.f32 v22  }
0x1f5: {  	v35 =	vld.idx.msk [tilespmem:v54+s3+$0x0], $0xffff;
	v22 =	vunpack.i.l.bf16.f32 v22;
	v48 =	vunpack.i.u.bf16.f32 v23;
	v26 =	vunpack.i.u.bf16.f32 v25  }
0x1f6: {  	v43 =	vld.idx.msk [tilespmem:v30+s15+$0x0], $0xffff;
	v23 =	vunpack.i.l.bf16.f32 v23;
	v25 =	vunpack.i.l.bf16.f32 v25;
	v55 =	vunpack.i.u.bf16.f32 v52  }
0x1f7: {  	v27 =	vld.idx.msk [tilespmem:v16+s15+$0x0], $0xffff;
	v42 =	vunpack.i.u.bf16.f32 v50;
	v34 =	vunpack.i.l.bf16.f32 v52;
	v45 =	vunpack.i.l.bf16.f32 v32  }
0x1f8: {  	v37 =	vunpack.i.l.bf16.f32 v50;
	v24 =	vadd.f32 v48, v47;
	v23 =	vadd.f32 v23, v22  }
0x1f9: {  	s20 =	simm.s32 $0x0;
	v29 =	vld.idx.msk [tilespmem:v29+s3+$0x0], $0xffff;
	v60 =	vunpack.i.u.bf16.f32 v32;
	v25 =	vadd.f32 v25, v21;
	v39 =	vadd.f32 v26, v21  }
0x1fa: {  	v36 =	vld.idx.msk [tilespmem:v49+s15+$0x0], $0xffff;
	v22 =	vadd.s32 s20, v20;
	v30 =	vunpack.i.l.bf16.f32 v28;
	v57 =	vunpack.i.l.bf16.f32 v35  }
0x1fb: {  	v41 =	vld.idx.msk [tilespmem:v41+s15+$0x0], $0xffff;
	v28 =	vunpack.i.u.bf16.f32 v28;
	v47 =	vunpack.i.u.bf16.f32 v43;
	v58 =	vunpack.i.l.bf16.f32 v43  }
0x1fc: {  	v33 =	vld.idx.msk [tilespmem:v63+s15+$0x0], $0xffff;
	v53 =	vunpack.i.u.bf16.f32 v27;
	v30 =	vadd.f32 v30, v37;
	v42 =	vadd.f32 v28, v42  }
0x1fd: {  	v31 =	vld.idx.msk [tilespmem:v31+s3+$0x0], $0xffff;
	v27 =	vunpack.i.l.bf16.f32 v27;
	v28 =	vadd.f32 v57, v21;
	v37 =	vadd.f32 v58, v45  }
0x1fe: {  	v44 =	vunpack.i.l.bf16.f32 v29;
	v61 =	vadd.f32 v47, v60;
	v23 =	vadd.f32 v27, v23  }
0x1ff: {  	v26 =	vadd.s32 s20, v19;
	v44 =	vadd.f32 v44, v21;
	v24 =	vadd.f32 v53, v24  }
0x200: {  	v56 =	vunpack.i.u.bf16.f32 v36;
	v36 =	vunpack.i.l.bf16.f32 v36;
	v27 =	vmul.f32 $3.333333430e-01, v23  }
0x201: {  	v32 =	vunpack.i.l.bf16.f32 v41;
	v62 =	vunpack.i.u.bf16.f32 v33;
	v23 =	vunpack.i.u.bf16.f32 v29  }
0x202: {  	v29 =	vunpack.i.u.bf16.f32 v31;
	v46 =	vadd.f32 v27, v25;
	v27 =	vunpack.i.l.bf16.f32 v31;
	v31 =	vld.idx.msk [tilespmem:v51+s15+$0x0], $0xffff  }
0x203: {  	v33 =	vunpack.i.l.bf16.f32 v33;
	v36 =	vadd.f32 v36, v30;
	v30 =	vunpack.i.u.bf16.f32 v41  }
0x204: {  	v42 =	vadd.f32 v56, v42;
	v38 =	vadd.f32 v33, v37;
	v40 =	vmul.f32 $3.333333430e-01, v24  }
0x205: {  	v37 =	vunpack.i.u.bf16.f32 v35;
	v24 =	vadd.s32 s20, v17;
	v36 =	vmul.f32 $3.333333430e-01, v36  }
0x206: {  	v39 =	vadd.f32 v40, v39;
	v25 =	vadd.f32 v29, v21;
	v29 =	vadd.s32 s20, v18  }
0x207: {  	v23 =	vadd.f32 v23, v21;
	v27 =	vadd.f32 v27, v21;
	v59 =	vunpack.i.l.bf16.f32 v31  }
0x208: {  	[tilespmem:s5+$0x0] =	vst v39;
	v63 =	vunpack.i.u.bf16.f32 v31;
	v31 =	vadd.f32 v36, v44;
	v36 =	vadd.f32 v62, v61  }
0x209: {  	s30 =	smov.u32 s5;
	s7 =	simm.s32 $0x4;
	s2 =	sadd.s32 $0x1100, s5;
	v33 =	vmul.f32 $3.333333430e-01, v42;
	[tilespmem:s5+$0xFFFFBC00] =	vst v46;
	v34 =	vadd.f32 v59, v34;
	v35 =	vadd.f32 v63, v55  }
.LBB2_14:
0x20a: {  	s8 =	sadd.s32 $0x1, s7  }
0x20b: {  	v29 =	vld.idx.msk [tilespmem:v29+s15+$0x0], $0xffff;
	s9 =	sadd.s32 $0x2, s7;
	v38 =	vmul.f32 $3.333333430e-01, v38;
	v32 =	vadd.f32 v32, v34;
	v34 =	vadd.f32 v37, v21;
	s20 =	smov.u32 s7;
	s19 =	sadd.s32 $0x4, s7  }
0x20c: {  	p1 =	slt.u32 s7, $0xC;
	v26 =	vld.idx.msk [tilespmem:v26+s15+$0x0], $0xffff;
	v37 =	vadd.s32 s8, v13;
	v39 =	vadd.s32 s8, v14;
	s10 =	sadd.s32 $0x3, s20;
	v36 =	vmul.f32 $3.333333430e-01, v36  }
0x20d: {  	v40 =	vadd.s32 s9, v14;
	v30 =	vadd.f32 v30, v35;
	v24 =	vld.idx.msk [tilespmem:v24+s3+$0x0], $0xffff;
	v41 =	vadd.s32 s10, v13  }
0x20e: {  	v35 =	vadd.s32 s9, v15;
	v42 =	vadd.s32 s9, v16;
	v32 =	vmul.f32 $3.333333430e-01, v32;
	v22 =	vld.idx.msk [tilespmem:v22+s15+$0x0], $0xffff  }
0x20f: {  	v43 =	vadd.s32 s8, v15;
	v44 =	vadd.s32 s8, v16;
	v30 =	vmul.f32 $3.333333430e-01, v30  }
0x210: {  	v45 =	vadd.s32 s9, v13;
	v23 =	vadd.f32 v33, v23;
	v27 =	vadd.f32 v38, v27;
	[tilespmem:s30+$0xFFFFC040] =	vst v31  }
0x211: {  	v28 =	vadd.f32 v32, v28;
	v31 =	vunpack.i.u.bf16.f32 v29;
	v33 =	vld.idx.msk [tilespmem:v37+s15+$0x0], $0xffff;
	v37 =	vadd.s32 s10, v14  }
0x212: {  	v25 =	vadd.f32 v36, v25;
	v29 =	vunpack.i.l.bf16.f32 v29;
	v32 =	vunpack.i.u.bf16.f32 v26;
	v38 =	vld.idx.msk [tilespmem:v41+s15+$0x0], $0xffff  }
0x213: {  	v26 =	vunpack.i.l.bf16.f32 v26;
	v36 =	vunpack.i.u.bf16.f32 v24;
	v31 =	vadd.f32 v32, v31;
	[tilespmem:s30+$0xFFFFC480] =	vst v27  }
0x214: {  	v27 =	vunpack.i.u.bf16.f32 v22;
	v32 =	vunpack.i.l.bf16.f32 v22;
	v41 =	vld.idx.msk [tilespmem:v43+s3+$0x0], $0xffff;
	v43 =	vadd.s32 s10, v15;
	[tilespmem:s30+$0x440] =	vst v23  }
0x215: {  	v22 =	vunpack.i.l.bf16.f32 v24;
	v24 =	vadd.f32 v30, v34;
	v23 =	vadd.f32 v27, v31;
	v31 =	vld.idx.msk [tilespmem:v45+s15+$0x0], $0xffff;
	[tilespmem:s30+$0x880] =	vst v25  }
0x216: {  	v26 =	vadd.f32 v26, v29;
	v29 =	vadd.s32 s10, v16;
	v25 =	vadd.f32 v22, v21;
	v27 =	vld.idx.msk [tilespmem:v35+s3+$0x0], $0xffff;
	[tilespmem:s30+$0xFFFFC8C0] =	vst v28  }
0x217: {  	v28 =	vadd.f32 v36, v21;
	v23 =	vmul.f32 $3.333333430e-01, v23;
	v34 =	vld.idx.msk [tilespmem:v44+s15+$0x0], $0xffff;
	[tilespmem:s30+$0xCC0] =	vst v24;
	s30 =	smov.u32 s2  }
0x218: {  	v30 =	vadd.f32 v32, v26;
	v22 =	vadd.s32 s20, v20;
	v32 =	vld.idx.msk [tilespmem:v39+s15+$0x0], $0xffff  }
0x219: {  	v26 =	vadd.s32 s20, v19;
	v24 =	vadd.s32 s20, v17;
	v23 =	vadd.f32 v23, v28;
	v35 =	vld.idx.msk [tilespmem:v43+s3+$0x0], $0xffff  }
0x21a: {  	v28 =	vmul.f32 $3.333333430e-01, v30;
	v39 =	vunpack.i.u.bf16.f32 v38;
	v30 =	vunpack.i.u.bf16.f32 v41;
	v36 =	vld.idx.msk [tilespmem:v40+s15+$0x0], $0xffff  }
0x21b: {  	v38 =	vunpack.i.l.bf16.f32 v38;
	v40 =	vunpack.i.u.bf16.f32 v33;
	[tilespmem:s2+$0x0] =	vst v23;
	v23 =	vadd.f32 v30, v21;
	v43 =	vld.idx.msk [tilespmem:v29+s15+$0x0], $0xffff  }
0x21c: {  	v41 =	vunpack.i.l.bf16.f32 v41;
	v44 =	vunpack.i.l.bf16.f32 v31;
	v29 =	vunpack.i.u.bf16.f32 v27;
	v37 =	vld.idx.msk [tilespmem:v37+s15+$0x0], $0xffff  }
0x21d: {  	v28 =	vadd.f32 v28, v25;
	v27 =	vunpack.i.l.bf16.f32 v27;
	v25 =	vadd.f32 v29, v21;
	v42 =	vld.idx.msk [tilespmem:v42+s15+$0x0], $0xffff  }
0x21e: {  	v29 =	vadd.s32 s20, v18;
	v27 =	vadd.f32 v27, v21;
	v30 =	vunpack.i.l.bf16.f32 v32  }
0x21f: {  	v45 =	vunpack.i.l.bf16.f32 v35;
	[tilespmem:s2+$0xFFFFBC00] =	vst v28;
	v28 =	vunpack.i.l.bf16.f32 v33;
	v33 =	vunpack.i.u.bf16.f32 v34  }
0x220: {  	v32 =	vunpack.i.u.bf16.f32 v32;
	v47 =	vunpack.i.u.bf16.f32 v36;
	v46 =	vadd.f32 v30, v28  }
0x221: {  	v40 =	vadd.f32 v32, v40;
	v30 =	vunpack.i.u.bf16.f32 v43;
	v28 =	vadd.f32 v45, v21  }
0x222: {  	v34 =	vunpack.i.l.bf16.f32 v34;
	v32 =	vunpack.i.l.bf16.f32 v43;
	v45 =	vunpack.i.l.bf16.f32 v37  }
0x223: {  	v36 =	vunpack.i.l.bf16.f32 v36;
	v34 =	vadd.f32 v34, v46;
	v43 =	vunpack.i.u.bf16.f32 v42  }
.Ltmp5:
0x224: {  	v41 =	vadd.f32 v41, v21;
	v31 =	vunpack.i.u.bf16.f32 v31;
	v36 =	vadd.f32 v36, v44;
	(pc) =	sbr.rel @p1 .LBB2_14-.Ltmp5, $4  }
0x225: {  	v46 =	vadd.f32 v47, v31;
	v44 =	vmul.f32 $3.333333430e-01, v34;
	v34 =	vadd.f32 v45, v38  }
0x226: {  	v33 =	vadd.f32 v33, v40;
	v40 =	vunpack.i.u.bf16.f32 v37;
	v38 =	vunpack.i.l.bf16.f32 v42  }
0x227: {  	v37 =	vunpack.i.u.bf16.f32 v35;
	v38 =	vadd.f32 v38, v36;
	v31 =	vadd.f32 v44, v41  }
0x228: {  	s7 =	smov.u32 s19;
	s2 =	sadd.s32 $0x1100, s2;
	v33 =	vmul.f32 $3.333333430e-01, v33;
	v35 =	vadd.f32 v40, v39;
	v36 =	vadd.f32 v43, v46  }
0x229: {  	v13 =	vmul.f32 $3.333333430e-01, v38  }
0x22a: {  	v14 =	vadd.f32 v32, v34;
	v15 =	vadd.f32 v37, v21  }
0x22b: {  	v19 =	vadd.s32 $0x5F, v2;
	v16 =	vadd.f32 v30, v35;
	v13 =	vadd.f32 v13, v27  }
0x22c: {  	v17 =	vmul.f32 $3.333333430e-01, v36;
	v18 =	vadd.f32 v33, v23;
	v14 =	vmul.f32 $3.333333430e-01, v14  }
0x22d: {  	v16 =	vmul.f32 $3.333333430e-01, v16;
	[tilespmem:s30+$0xFFFFC480] =	vst v13;
	v13 =	vor.u32 v19, v12;
	v19 =	vadd.s32 $0x2F8, v3  }
0x22e: {  	v17 =	vadd.f32 v17, v25;
	[tilespmem:s30+$0x440] =	vst v18;
	v18 =	vor.u32 v19, v11;
	v19 =	vadd.s32 $0x2F9, v3  }
0x22f: {  	[tilespmem:s30+$0xFFFFC040] =	vst v31;
	v14 =	vadd.f32 v14, v28;
	v15 =	vadd.f32 v16, v15;
	v16 =	vor.u32 v19, v11  }
0x230: {  	[tilespmem:s30+$0x880] =	vst v17  }
0x231: {  	[tilespmem:s30+$0xFFFFC8C0] =	vst v14;
	v14 =	vadd.s32 $0x2FA, v3  }
0x232: {  	[tilespmem:s30+$0xCC0] =	vst v15;
	v14 =	vor.u32 v14, v11  }
0x233: {  	v15 =	vld.idx.msk [tilespmem:v18+s17+$0x0], $0xffff  }
0x234: {  	v16 =	vld.idx.msk [tilespmem:v16+s17+$0x0], $0xffff  }
0x235: {  	v13 =	vld.idx.msk [tilespmem:v13+s16+$0x0], $0xffff;
	_ =	sdelay $0x1  }
0x236: {  	v14 =	vld.idx.msk [tilespmem:v14+s17+$0x0], $0xffff  }
0x237: {  	vm2 =	vgt.s32 v15, $0x0  }
0x238: {  	v15 =	vnsel vm2, $0x0, v15;
	vm2 =	vgt.s32 v16, $0x0  }
0x239: {  	vm3 =	vgt.s32 v13, $0x0;
	v15 =	vmin.u32 v15, $0x601;
	v16 =	vnsel vm2, $0x0, v16  }
0x23a: {  	v13 =	vnsel vm3, $0x0, v13;
	v15 =	vmul.u32 $0x11, v15;
	v16 =	vmin.u32 v16, $0x601  }
0x23b: {  	v13 =	vmin.u32 v13, $0x200;
	vm2 =	vgt.s32 v14, $0x0;
	v16 =	vmul.u32 $0x11, v16  }
0x23c: {  	v17 =	vmul.u32 $0x11, v13;
	v14 =	vnsel vm2, $0x0, v14;
	v13 =	vpsel p0, $0x6611, v15  }
0x23d: {  	v15 =	vmin.u32 v14, $0x601;
	v14 =	vpsel p0, $0x6611, v16  }
0x23e: {  	s2 =	simm.s32 $0x1;
	v16 =	vmul.u32 $0x11, v15;
	v15 =	vpsel p0, $0x2200, v17  }
0x23f: {  	s7 =	simm.s32 $0x3;
	v24 =	vadd.s32 s2, v13  }
0x240: {  	s8 =	simm.s32 $0x2;
	v26 =	vadd.s32 s7, v13  }
0x241: {  	v62 =	vadd.s32 s8, v13;
	v22 =	vld.idx.msk [tilespmem:v13+s15+$0x0], $0xffff  }
0x242: {  	v23 =	vld.idx.msk [tilespmem:v14+s15+$0x0], $0xffff  }
0x243: {  	v28 =	vadd.s32 s2, v14;
	v25 =	vld.idx.msk [tilespmem:v15+s3+$0x0], $0xffff  }
0x244: {  	v18 =	vadd.s32 $0x4, v13;
	v54 =	vadd.s32 s7, v15;
	v50 =	vld.idx.msk [tilespmem:v24+s15+$0x0], $0xffff  }
0x245: {  	v17 =	vadd.s32 $0x4, v15;
	v19 =	vadd.s32 $0x4, v14;
	v30 =	vadd.s32 s8, v14;
	v52 =	vld.idx.msk [tilespmem:v26+s15+$0x0], $0xffff  }
0x246: {  	v29 =	vadd.s32 s2, v15;
	v31 =	vadd.s32 s8, v15;
	v16 =	vpsel p0, $0x6611, v16;
	v32 =	vld.idx.msk [tilespmem:v62+s15+$0x0], $0xffff  }
0x247: {  	v21 =	vld [tilespmem:s22+$0xACA0];
	v51 =	vadd.s32 s7, v14;
	v20 =	vadd.s32 $0x4, v16;
	v63 =	vadd.s32 s8, v16  }
0x248: {  	v49 =	vadd.s32 s2, v16;
	v41 =	vadd.s32 s7, v16;
	v28 =	vld.idx.msk [tilespmem:v28+s15+$0x0], $0xffff;
	v47 =	vunpack.i.u.bf16.f32 v22  }
0x249: {  	v35 =	vld.idx.msk [tilespmem:v54+s3+$0x0], $0xffff;
	v22 =	vunpack.i.l.bf16.f32 v22;
	v48 =	vunpack.i.u.bf16.f32 v23;
	v26 =	vunpack.i.u.bf16.f32 v25  }
0x24a: {  	v43 =	vld.idx.msk [tilespmem:v30+s15+$0x0], $0xffff;
	v23 =	vunpack.i.l.bf16.f32 v23;
	v25 =	vunpack.i.l.bf16.f32 v25;
	v55 =	vunpack.i.u.bf16.f32 v52  }
0x24b: {  	v27 =	vld.idx.msk [tilespmem:v16+s15+$0x0], $0xffff;
	v42 =	vunpack.i.u.bf16.f32 v50;
	v34 =	vunpack.i.l.bf16.f32 v52;
	v45 =	vunpack.i.l.bf16.f32 v32  }
0x24c: {  	v37 =	vunpack.i.l.bf16.f32 v50;
	v24 =	vadd.f32 v48, v47;
	v23 =	vadd.f32 v23, v22  }
0x24d: {  	s20 =	simm.s32 $0x0;
	v29 =	vld.idx.msk [tilespmem:v29+s3+$0x0], $0xffff;
	v60 =	vunpack.i.u.bf16.f32 v32;
	v25 =	vadd.f32 v25, v21;
	v39 =	vadd.f32 v26, v21  }
0x24e: {  	v36 =	vld.idx.msk [tilespmem:v49+s15+$0x0], $0xffff;
	v22 =	vadd.s32 s20, v20;
	v30 =	vunpack.i.l.bf16.f32 v28;
	v57 =	vunpack.i.l.bf16.f32 v35  }
0x24f: {  	v41 =	vld.idx.msk [tilespmem:v41+s15+$0x0], $0xffff;
	v28 =	vunpack.i.u.bf16.f32 v28;
	v47 =	vunpack.i.u.bf16.f32 v43;
	v58 =	vunpack.i.l.bf16.f32 v43  }
0x250: {  	v33 =	vld.idx.msk [tilespmem:v63+s15+$0x0], $0xffff;
	v53 =	vunpack.i.u.bf16.f32 v27;
	v30 =	vadd.f32 v30, v37;
	v42 =	vadd.f32 v28, v42  }
0x251: {  	v31 =	vld.idx.msk [tilespmem:v31+s3+$0x0], $0xffff;
	v27 =	vunpack.i.l.bf16.f32 v27;
	v28 =	vadd.f32 v57, v21;
	v37 =	vadd.f32 v58, v45  }
0x252: {  	v44 =	vunpack.i.l.bf16.f32 v29;
	v61 =	vadd.f32 v47, v60;
	v23 =	vadd.f32 v27, v23  }
0x253: {  	v26 =	vadd.s32 s20, v19;
	v44 =	vadd.f32 v44, v21;
	v24 =	vadd.f32 v53, v24  }
0x254: {  	v56 =	vunpack.i.u.bf16.f32 v36;
	v36 =	vunpack.i.l.bf16.f32 v36;
	v27 =	vmul.f32 $3.333333430e-01, v23  }
0x255: {  	v32 =	vunpack.i.l.bf16.f32 v41;
	v62 =	vunpack.i.u.bf16.f32 v33;
	v23 =	vunpack.i.u.bf16.f32 v29  }
0x256: {  	v29 =	vunpack.i.u.bf16.f32 v31;
	v46 =	vadd.f32 v27, v25;
	v27 =	vunpack.i.l.bf16.f32 v31;
	v31 =	vld.idx.msk [tilespmem:v51+s15+$0x0], $0xffff  }
0x257: {  	v33 =	vunpack.i.l.bf16.f32 v33;
	v36 =	vadd.f32 v36, v30;
	v30 =	vunpack.i.u.bf16.f32 v41  }
0x258: {  	v42 =	vadd.f32 v56, v42;
	v38 =	vadd.f32 v33, v37;
	v40 =	vmul.f32 $3.333333430e-01, v24  }
0x259: {  	v37 =	vunpack.i.u.bf16.f32 v35;
	v24 =	vadd.s32 s20, v17;
	v36 =	vmul.f32 $3.333333430e-01, v36  }
0x25a: {  	v39 =	vadd.f32 v40, v39;
	v25 =	vadd.f32 v29, v21;
	v29 =	vadd.s32 s20, v18  }
0x25b: {  	v23 =	vadd.f32 v23, v21;
	v27 =	vadd.f32 v27, v21;
	v59 =	vunpack.i.l.bf16.f32 v31  }
0x25c: {  	[tilespmem:s4+$0x0] =	vst v39;
	v63 =	vunpack.i.u.bf16.f32 v31;
	v31 =	vadd.f32 v36, v44;
	v36 =	vadd.f32 v62, v61  }
0x25d: {  	s30 =	smov.u32 s4;
	s7 =	simm.s32 $0x4;
	s2 =	sadd.s32 $0x1100, s4;
	v33 =	vmul.f32 $3.333333430e-01, v42;
	[tilespmem:s4+$0xFFFFBC00] =	vst v46;
	v34 =	vadd.f32 v59, v34;
	v35 =	vadd.f32 v63, v55  }
.LBB2_16:
0x25e: {  	s8 =	sadd.s32 $0x1, s7  }
0x25f: {  	v29 =	vld.idx.msk [tilespmem:v29+s15+$0x0], $0xffff;
	s9 =	sadd.s32 $0x2, s7;
	v38 =	vmul.f32 $3.333333430e-01, v38;
	v32 =	vadd.f32 v32, v34;
	v34 =	vadd.f32 v37, v21;
	s20 =	smov.u32 s7;
	s19 =	sadd.s32 $0x4, s7  }
0x260: {  	p1 =	slt.u32 s7, $0xC;
	v26 =	vld.idx.msk [tilespmem:v26+s15+$0x0], $0xffff;
	v37 =	vadd.s32 s8, v13;
	v39 =	vadd.s32 s8, v14;
	s10 =	sadd.s32 $0x3, s20;
	v36 =	vmul.f32 $3.333333430e-01, v36  }
0x261: {  	v40 =	vadd.s32 s9, v14;
	v30 =	vadd.f32 v30, v35;
	v24 =	vld.idx.msk [tilespmem:v24+s3+$0x0], $0xffff;
	v41 =	vadd.s32 s10, v13  }
0x262: {  	v35 =	vadd.s32 s9, v15;
	v42 =	vadd.s32 s9, v16;
	v32 =	vmul.f32 $3.333333430e-01, v32;
	v22 =	vld.idx.msk [tilespmem:v22+s15+$0x0], $0xffff  }
0x263: {  	v43 =	vadd.s32 s8, v15;
	v44 =	vadd.s32 s8, v16;
	v30 =	vmul.f32 $3.333333430e-01, v30  }
0x264: {  	v45 =	vadd.s32 s9, v13;
	v23 =	vadd.f32 v33, v23;
	v27 =	vadd.f32 v38, v27;
	[tilespmem:s30+$0xFFFFC040] =	vst v31  }
0x265: {  	v28 =	vadd.f32 v32, v28;
	v31 =	vunpack.i.u.bf16.f32 v29;
	v33 =	vld.idx.msk [tilespmem:v37+s15+$0x0], $0xffff;
	v37 =	vadd.s32 s10, v14  }
0x266: {  	v25 =	vadd.f32 v36, v25;
	v29 =	vunpack.i.l.bf16.f32 v29;
	v32 =	vunpack.i.u.bf16.f32 v26;
	v38 =	vld.idx.msk [tilespmem:v41+s15+$0x0], $0xffff  }
0x267: {  	v26 =	vunpack.i.l.bf16.f32 v26;
	v36 =	vunpack.i.u.bf16.f32 v24;
	v31 =	vadd.f32 v32, v31;
	[tilespmem:s30+$0xFFFFC480] =	vst v27  }
0x268: {  	v27 =	vunpack.i.u.bf16.f32 v22;
	v32 =	vunpack.i.l.bf16.f32 v22;
	v41 =	vld.idx.msk [tilespmem:v43+s3+$0x0], $0xffff;
	v43 =	vadd.s32 s10, v15;
	[tilespmem:s30+$0x440] =	vst v23  }
0x269: {  	v22 =	vunpack.i.l.bf16.f32 v24;
	v24 =	vadd.f32 v30, v34;
	v23 =	vadd.f32 v27, v31;
	v31 =	vld.idx.msk [tilespmem:v45+s15+$0x0], $0xffff;
	[tilespmem:s30+$0x880] =	vst v25  }
0x26a: {  	v26 =	vadd.f32 v26, v29;
	v29 =	vadd.s32 s10, v16;
	v25 =	vadd.f32 v22, v21;
	v27 =	vld.idx.msk [tilespmem:v35+s3+$0x0], $0xffff;
	[tilespmem:s30+$0xFFFFC8C0] =	vst v28  }
0x26b: {  	v28 =	vadd.f32 v36, v21;
	v23 =	vmul.f32 $3.333333430e-01, v23;
	v34 =	vld.idx.msk [tilespmem:v44+s15+$0x0], $0xffff;
	[tilespmem:s30+$0xCC0] =	vst v24;
	s30 =	smov.u32 s2  }
0x26c: {  	v30 =	vadd.f32 v32, v26;
	v22 =	vadd.s32 s20, v20;
	v32 =	vld.idx.msk [tilespmem:v39+s15+$0x0], $0xffff  }
0x26d: {  	v26 =	vadd.s32 s20, v19;
	v24 =	vadd.s32 s20, v17;
	v23 =	vadd.f32 v23, v28;
	v35 =	vld.idx.msk [tilespmem:v43+s3+$0x0], $0xffff  }
0x26e: {  	v28 =	vmul.f32 $3.333333430e-01, v30;
	v39 =	vunpack.i.u.bf16.f32 v38;
	v30 =	vunpack.i.u.bf16.f32 v41;
	v36 =	vld.idx.msk [tilespmem:v40+s15+$0x0], $0xffff  }
0x26f: {  	v38 =	vunpack.i.l.bf16.f32 v38;
	v40 =	vunpack.i.u.bf16.f32 v33;
	[tilespmem:s2+$0x0] =	vst v23;
	v23 =	vadd.f32 v30, v21;
	v43 =	vld.idx.msk [tilespmem:v29+s15+$0x0], $0xffff  }
0x270: {  	v41 =	vunpack.i.l.bf16.f32 v41;
	v44 =	vunpack.i.l.bf16.f32 v31;
	v29 =	vunpack.i.u.bf16.f32 v27;
	v37 =	vld.idx.msk [tilespmem:v37+s15+$0x0], $0xffff  }
0x271: {  	v28 =	vadd.f32 v28, v25;
	v27 =	vunpack.i.l.bf16.f32 v27;
	v25 =	vadd.f32 v29, v21;
	v42 =	vld.idx.msk [tilespmem:v42+s15+$0x0], $0xffff  }
0x272: {  	v29 =	vadd.s32 s20, v18;
	v27 =	vadd.f32 v27, v21;
	v30 =	vunpack.i.l.bf16.f32 v32  }
0x273: {  	v45 =	vunpack.i.l.bf16.f32 v35;
	[tilespmem:s2+$0xFFFFBC00] =	vst v28;
	v28 =	vunpack.i.l.bf16.f32 v33;
	v33 =	vunpack.i.u.bf16.f32 v34  }
0x274: {  	v32 =	vunpack.i.u.bf16.f32 v32;
	v47 =	vunpack.i.u.bf16.f32 v36;
	v46 =	vadd.f32 v30, v28  }
0x275: {  	v40 =	vadd.f32 v32, v40;
	v30 =	vunpack.i.u.bf16.f32 v43;
	v28 =	vadd.f32 v45, v21  }
0x276: {  	v34 =	vunpack.i.l.bf16.f32 v34;
	v32 =	vunpack.i.l.bf16.f32 v43;
	v45 =	vunpack.i.l.bf16.f32 v37  }
0x277: {  	v36 =	vunpack.i.l.bf16.f32 v36;
	v34 =	vadd.f32 v34, v46;
	v43 =	vunpack.i.u.bf16.f32 v42  }
.Ltmp6:
0x278: {  	v41 =	vadd.f32 v41, v21;
	v31 =	vunpack.i.u.bf16.f32 v31;
	v36 =	vadd.f32 v36, v44;
	(pc) =	sbr.rel @p1 .LBB2_16-.Ltmp6, $4  }
0x279: {  	v46 =	vadd.f32 v47, v31;
	v44 =	vmul.f32 $3.333333430e-01, v34;
	v34 =	vadd.f32 v45, v38  }
0x27a: {  	v33 =	vadd.f32 v33, v40;
	v40 =	vunpack.i.u.bf16.f32 v37;
	v38 =	vunpack.i.l.bf16.f32 v42  }
0x27b: {  	v37 =	vunpack.i.u.bf16.f32 v35;
	v38 =	vadd.f32 v38, v36;
	v31 =	vadd.f32 v44, v41  }
0x27c: {  	s7 =	smov.u32 s19;
	s2 =	sadd.s32 $0x1100, s2;
	v33 =	vmul.f32 $3.333333430e-01, v33;
	v35 =	vadd.f32 v40, v39;
	v36 =	vadd.f32 v43, v46  }
0x27d: {  	v13 =	vmul.f32 $3.333333430e-01, v38  }
0x27e: {  	v14 =	vadd.f32 v32, v34;
	v15 =	vadd.f32 v37, v21  }
0x27f: {  	v19 =	vadd.s32 $0x6F, v2;
	v16 =	vadd.f32 v30, v35;
	v13 =	vadd.f32 v13, v27  }
0x280: {  	v17 =	vmul.f32 $3.333333430e-01, v36;
	v18 =	vadd.f32 v33, v23;
	v14 =	vmul.f32 $3.333333430e-01, v14  }
0x281: {  	v16 =	vmul.f32 $3.333333430e-01, v16;
	[tilespmem:s30+$0xFFFFC480] =	vst v13;
	v13 =	vor.u32 v19, v12;
	v19 =	vadd.s32 $0x378, v3  }
0x282: {  	v17 =	vadd.f32 v17, v25;
	[tilespmem:s30+$0x440] =	vst v18;
	v18 =	vor.u32 v19, v11;
	v19 =	vadd.s32 $0x379, v3  }
0x283: {  	[tilespmem:s30+$0xFFFFC040] =	vst v31;
	v14 =	vadd.f32 v14, v28;
	v15 =	vadd.f32 v16, v15;
	v16 =	vor.u32 v19, v11  }
0x284: {  	[tilespmem:s30+$0x880] =	vst v17  }
0x285: {  	[tilespmem:s30+$0xFFFFC8C0] =	vst v14;
	v14 =	vadd.s32 $0x37A, v3  }
0x286: {  	[tilespmem:s30+$0xCC0] =	vst v15;
	v14 =	vor.u32 v14, v11  }
0x287: {  	v15 =	vld.idx.msk [tilespmem:v18+s17+$0x0], $0xffff  }
0x288: {  	v16 =	vld.idx.msk [tilespmem:v16+s17+$0x0], $0xffff  }
0x289: {  	v13 =	vld.idx.msk [tilespmem:v13+s16+$0x0], $0xffff;
	_ =	sdelay $0x1  }
0x28a: {  	v14 =	vld.idx.msk [tilespmem:v14+s17+$0x0], $0xffff  }
0x28b: {  	vm2 =	vgt.s32 v15, $0x0  }
0x28c: {  	v15 =	vnsel vm2, $0x0, v15;
	vm2 =	vgt.s32 v16, $0x0  }
0x28d: {  	vm3 =	vgt.s32 v13, $0x0;
	v15 =	vmin.u32 v15, $0x601;
	v16 =	vnsel vm2, $0x0, v16  }
0x28e: {  	v13 =	vnsel vm3, $0x0, v13;
	v15 =	vmul.u32 $0x11, v15;
	v16 =	vmin.u32 v16, $0x601  }
0x28f: {  	v13 =	vmin.u32 v13, $0x200;
	vm2 =	vgt.s32 v14, $0x0;
	v16 =	vmul.u32 $0x11, v16  }
0x290: {  	v17 =	vmul.u32 $0x11, v13;
	v14 =	vnsel vm2, $0x0, v14;
	v13 =	vpsel p0, $0x6611, v15  }
0x291: {  	v15 =	vmin.u32 v14, $0x601;
	v14 =	vpsel p0, $0x6611, v16  }
0x292: {  	s2 =	simm.s32 $0x1;
	v16 =	vmul.u32 $0x11, v15;
	v15 =	vpsel p0, $0x2200, v17  }
0x293: {  	s7 =	simm.s32 $0x3;
	v24 =	vadd.s32 s2, v13  }
0x294: {  	s8 =	simm.s32 $0x2;
	v21 =	vld [tilespmem:s22+$0xACB0];
	v26 =	vadd.s32 s7, v13  }
0x295: {  	v62 =	vadd.s32 s8, v13;
	v22 =	vld.idx.msk [tilespmem:v13+s15+$0x0], $0xffff  }
0x296: {  	v29 =	vadd.s32 s2, v15;
	v23 =	vld.idx.msk [tilespmem:v14+s15+$0x0], $0xffff  }
0x297: {  	v28 =	vadd.s32 s2, v14;
	v25 =	vld.idx.msk [tilespmem:v15+s3+$0x0], $0xffff  }
0x298: {  	v54 =	vadd.s32 s7, v15;
	v50 =	vld.idx.msk [tilespmem:v24+s15+$0x0], $0xffff  }
0x299: {  	v18 =	vadd.s32 $0x4, v13;
	v17 =	vadd.s32 $0x4, v15;
	v30 =	vadd.s32 s8, v14;
	v52 =	vld.idx.msk [tilespmem:v26+s15+$0x0], $0xffff  }
0x29a: {  	v19 =	vadd.s32 $0x4, v14;
	v31 =	vadd.s32 s8, v15;
	v16 =	vpsel p0, $0x6611, v16;
	v32 =	vld.idx.msk [tilespmem:v62+s15+$0x0], $0xffff  }
0x29b: {  	v51 =	vadd.s32 s7, v14;
	v20 =	vadd.s32 $0x4, v16;
	v63 =	vadd.s32 s8, v16;
	v29 =	vld.idx.msk [tilespmem:v29+s3+$0x0], $0xffff  }
0x29c: {  	v49 =	vadd.s32 s2, v16;
	v41 =	vadd.s32 s7, v16;
	v28 =	vld.idx.msk [tilespmem:v28+s15+$0x0], $0xffff;
	v47 =	vunpack.i.u.bf16.f32 v22  }
0x29d: {  	v35 =	vld.idx.msk [tilespmem:v54+s3+$0x0], $0xffff;
	v22 =	vunpack.i.l.bf16.f32 v22;
	v48 =	vunpack.i.u.bf16.f32 v23;
	v26 =	vunpack.i.u.bf16.f32 v25  }
0x29e: {  	v43 =	vld.idx.msk [tilespmem:v30+s15+$0x0], $0xffff;
	v23 =	vunpack.i.l.bf16.f32 v23;
	v25 =	vunpack.i.l.bf16.f32 v25;
	v55 =	vunpack.i.u.bf16.f32 v52  }
0x29f: {  	v42 =	vunpack.i.u.bf16.f32 v50;
	v34 =	vunpack.i.l.bf16.f32 v52;
	v45 =	vunpack.i.l.bf16.f32 v32  }
0x2a0: {  	v27 =	vld.idx.msk [tilespmem:v16+s15+$0x0], $0xffff;
	v37 =	vunpack.i.l.bf16.f32 v50;
	v24 =	vadd.f32 v48, v47;
	v23 =	vadd.f32 v23, v22  }
0x2a1: {  	s30 =	simm.s32 $0x0;
	v60 =	vunpack.i.u.bf16.f32 v32;
	v25 =	vadd.f32 v25, v21;
	v39 =	vadd.f32 v26, v21  }
0x2a2: {  	v36 =	vld.idx.msk [tilespmem:v49+s15+$0x0], $0xffff;
	v22 =	vadd.s32 s30, v20;
	v44 =	vunpack.i.l.bf16.f32 v29;
	v30 =	vunpack.i.l.bf16.f32 v28  }
0x2a3: {  	v41 =	vld.idx.msk [tilespmem:v41+s15+$0x0], $0xffff;
	v57 =	vunpack.i.l.bf16.f32 v35;
	v28 =	vunpack.i.u.bf16.f32 v28;
	v47 =	vunpack.i.u.bf16.f32 v43  }
0x2a4: {  	v33 =	vld.idx.msk [tilespmem:v63+s15+$0x0], $0xffff;
	v58 =	vunpack.i.l.bf16.f32 v43;
	v30 =	vadd.f32 v30, v37;
	v42 =	vadd.f32 v28, v42  }
0x2a5: {  	v53 =	vunpack.i.u.bf16.f32 v27;
	v28 =	vadd.f32 v57, v21;
	v37 =	vadd.f32 v58, v45  }
0x2a6: {  	v31 =	vld.idx.msk [tilespmem:v31+s3+$0x0], $0xffff;
	v27 =	vunpack.i.l.bf16.f32 v27;
	v61 =	vadd.f32 v47, v60;
	v44 =	vadd.f32 v44, v21  }
0x2a7: {  	v26 =	vadd.s32 s30, v19;
	v24 =	vadd.f32 v53, v24;
	v23 =	vadd.f32 v27, v23  }
0x2a8: {  	v56 =	vunpack.i.u.bf16.f32 v36;
	v36 =	vunpack.i.l.bf16.f32 v36;
	v32 =	vunpack.i.l.bf16.f32 v41  }
0x2a9: {  	v62 =	vunpack.i.u.bf16.f32 v33;
	v33 =	vunpack.i.l.bf16.f32 v33;
	v27 =	vmul.f32 $3.333333430e-01, v23  }
0x2aa: {  	v36 =	vadd.f32 v36, v30;
	v30 =	vunpack.i.u.bf16.f32 v41;
	v23 =	vunpack.i.u.bf16.f32 v29  }
0x2ab: {  	v29 =	vunpack.i.u.bf16.f32 v31;
	v46 =	vadd.f32 v27, v25;
	v27 =	vunpack.i.l.bf16.f32 v31;
	v31 =	vld.idx.msk [tilespmem:v51+s15+$0x0], $0xffff  }
0x2ac: {  	v42 =	vadd.f32 v56, v42;
	v38 =	vadd.f32 v33, v37;
	v40 =	vmul.f32 $3.333333430e-01, v24  }
0x2ad: {  	v37 =	vadd.f32 v62, v61;
	v24 =	vadd.s32 s30, v17;
	v36 =	vmul.f32 $3.333333430e-01, v36  }
0x2ae: {  	v39 =	vadd.f32 v40, v39;
	v25 =	vadd.f32 v29, v21;
	v29 =	vadd.s32 s30, v18  }
0x2af: {  	v23 =	vadd.f32 v23, v21;
	v33 =	vmul.f32 $3.333333430e-01, v42;
	v27 =	vadd.f32 v27, v21  }
0x2b0: {  	[tilespmem:s6+$0x0] =	vst v39;
	v59 =	vunpack.i.l.bf16.f32 v31;
	v63 =	vunpack.i.u.bf16.f32 v31;
	v31 =	vadd.f32 v36, v44  }
0x2b1: {  	s22 =	smov.u32 s6;
	s7 =	simm.s32 $0x4;
	s2 =	sadd.s32 $0x1100, s6;
	[tilespmem:s6+$0xFFFFBC00] =	vst v46;
	v36 =	vunpack.i.u.bf16.f32 v35;
	v34 =	vadd.f32 v59, v34;
	v35 =	vadd.f32 v63, v55  }
.LBB2_18:
0x2b2: {  	s8 =	sadd.s32 $0x1, s7  }
0x2b3: {  	v29 =	vld.idx.msk [tilespmem:v29+s15+$0x0], $0xffff;
	s9 =	sadd.s32 $0x2, s7;
	v38 =	vmul.f32 $3.333333430e-01, v38;
	v32 =	vadd.f32 v32, v34;
	v34 =	vadd.f32 v36, v21;
	s20 =	smov.u32 s7;
	s19 =	sadd.s32 $0x4, s7  }
0x2b4: {  	p1 =	slt.u32 s7, $0xC;
	v26 =	vld.idx.msk [tilespmem:v26+s15+$0x0], $0xffff;
	v36 =	vadd.s32 s8, v13;
	v39 =	vadd.s32 s8, v14;
	s10 =	sadd.s32 $0x3, s20;
	v37 =	vmul.f32 $3.333333430e-01, v37  }
0x2b5: {  	v40 =	vadd.s32 s9, v14;
	v30 =	vadd.f32 v30, v35;
	v24 =	vld.idx.msk [tilespmem:v24+s3+$0x0], $0xffff;
	v41 =	vadd.s32 s10, v13  }
0x2b6: {  	v35 =	vadd.s32 s9, v15;
	v42 =	vadd.s32 s9, v16;
	v32 =	vmul.f32 $3.333333430e-01, v32;
	v22 =	vld.idx.msk [tilespmem:v22+s15+$0x0], $0xffff  }
0x2b7: {  	v43 =	vadd.s32 s8, v15;
	v44 =	vadd.s32 s8, v16;
	v30 =	vmul.f32 $3.333333430e-01, v30  }
0x2b8: {  	v45 =	vadd.s32 s9, v13;
	v23 =	vadd.f32 v33, v23;
	v27 =	vadd.f32 v38, v27;
	[tilespmem:s22+$0xFFFFC040] =	vst v31  }
0x2b9: {  	v28 =	vadd.f32 v32, v28;
	v31 =	vunpack.i.u.bf16.f32 v29;
	v33 =	vld.idx.msk [tilespmem:v36+s15+$0x0], $0xffff;
	v36 =	vadd.s32 s10, v14  }
0x2ba: {  	v25 =	vadd.f32 v37, v25;
	v29 =	vunpack.i.l.bf16.f32 v29;
	v32 =	vunpack.i.u.bf16.f32 v26;
	v38 =	vld.idx.msk [tilespmem:v41+s15+$0x0], $0xffff  }
0x2bb: {  	v26 =	vunpack.i.l.bf16.f32 v26;
	v37 =	vunpack.i.u.bf16.f32 v24;
	v31 =	vadd.f32 v32, v31;
	[tilespmem:s22+$0xFFFFC480] =	vst v27  }
0x2bc: {  	v27 =	vunpack.i.u.bf16.f32 v22;
	v32 =	vunpack.i.l.bf16.f32 v22;
	v41 =	vld.idx.msk [tilespmem:v43+s3+$0x0], $0xffff;
	v43 =	vadd.s32 s10, v15;
	[tilespmem:s22+$0x440] =	vst v23  }
0x2bd: {  	v22 =	vunpack.i.l.bf16.f32 v24;
	v24 =	vadd.f32 v30, v34;
	v23 =	vadd.f32 v27, v31;
	v31 =	vld.idx.msk [tilespmem:v45+s15+$0x0], $0xffff;
	[tilespmem:s22+$0x880] =	vst v25  }
0x2be: {  	v26 =	vadd.f32 v26, v29;
	v29 =	vadd.s32 s10, v16;
	v25 =	vadd.f32 v22, v21;
	v27 =	vld.idx.msk [tilespmem:v35+s3+$0x0], $0xffff;
	[tilespmem:s22+$0xFFFFC8C0] =	vst v28  }
0x2bf: {  	v28 =	vadd.f32 v37, v21;
	v23 =	vmul.f32 $3.333333430e-01, v23;
	v34 =	vld.idx.msk [tilespmem:v44+s15+$0x0], $0xffff;
	[tilespmem:s22+$0xCC0] =	vst v24;
	s22 =	smov.u32 s2  }
0x2c0: {  	v30 =	vadd.f32 v32, v26;
	v22 =	vadd.s32 s20, v20;
	v32 =	vld.idx.msk [tilespmem:v39+s15+$0x0], $0xffff  }
0x2c1: {  	v26 =	vadd.s32 s20, v19;
	v24 =	vadd.s32 s20, v17;
	v23 =	vadd.f32 v23, v28;
	v35 =	vld.idx.msk [tilespmem:v43+s3+$0x0], $0xffff  }
0x2c2: {  	v28 =	vmul.f32 $3.333333430e-01, v30;
	v39 =	vunpack.i.u.bf16.f32 v38;
	v30 =	vunpack.i.u.bf16.f32 v41;
	v37 =	vld.idx.msk [tilespmem:v40+s15+$0x0], $0xffff  }
0x2c3: {  	v38 =	vunpack.i.l.bf16.f32 v38;
	v40 =	vunpack.i.u.bf16.f32 v33;
	[tilespmem:s2+$0x0] =	vst v23;
	v23 =	vadd.f32 v30, v21;
	v43 =	vld.idx.msk [tilespmem:v29+s15+$0x0], $0xffff  }
0x2c4: {  	v41 =	vunpack.i.l.bf16.f32 v41;
	v44 =	vunpack.i.l.bf16.f32 v31;
	v29 =	vunpack.i.u.bf16.f32 v27;
	v36 =	vld.idx.msk [tilespmem:v36+s15+$0x0], $0xffff  }
0x2c5: {  	v28 =	vadd.f32 v28, v25;
	v27 =	vunpack.i.l.bf16.f32 v27;
	v25 =	vadd.f32 v29, v21;
	v42 =	vld.idx.msk [tilespmem:v42+s15+$0x0], $0xffff  }
0x2c6: {  	v29 =	vadd.s32 s20, v18;
	v27 =	vadd.f32 v27, v21;
	v30 =	vunpack.i.l.bf16.f32 v32  }
0x2c7: {  	v45 =	vunpack.i.l.bf16.f32 v35;
	[tilespmem:s2+$0xFFFFBC00] =	vst v28;
	v28 =	vunpack.i.l.bf16.f32 v33;
	v33 =	vunpack.i.u.bf16.f32 v34  }
0x2c8: {  	v32 =	vunpack.i.u.bf16.f32 v32;
	v47 =	vunpack.i.u.bf16.f32 v37;
	v46 =	vadd.f32 v30, v28  }
0x2c9: {  	v40 =	vadd.f32 v32, v40;
	v30 =	vunpack.i.u.bf16.f32 v43;
	v28 =	vadd.f32 v45, v21  }
0x2ca: {  	v34 =	vunpack.i.l.bf16.f32 v34;
	v32 =	vunpack.i.l.bf16.f32 v43;
	v45 =	vunpack.i.l.bf16.f32 v36  }
0x2cb: {  	v37 =	vunpack.i.l.bf16.f32 v37;
	v34 =	vadd.f32 v34, v46;
	v43 =	vunpack.i.u.bf16.f32 v42  }
.Ltmp7:
0x2cc: {  	v41 =	vadd.f32 v41, v21;
	v31 =	vunpack.i.u.bf16.f32 v31;
	v37 =	vadd.f32 v37, v44;
	(pc) =	sbr.rel @p1 .LBB2_18-.Ltmp7, $4  }
0x2cd: {  	v46 =	vadd.f32 v47, v31;
	v44 =	vmul.f32 $3.333333430e-01, v34;
	v34 =	vadd.f32 v45, v38  }
0x2ce: {  	v33 =	vadd.f32 v33, v40;
	v40 =	vunpack.i.u.bf16.f32 v36;
	v38 =	vunpack.i.l.bf16.f32 v42  }
0x2cf: {  	v36 =	vunpack.i.u.bf16.f32 v35;
	v38 =	vadd.f32 v38, v37;
	v31 =	vadd.f32 v44, v41  }
0x2d0: {  	s7 =	smov.u32 s19;
	s2 =	sadd.s32 $0x1100, s2;
	v33 =	vmul.f32 $3.333333430e-01, v33;
	v35 =	vadd.f32 v40, v39;
	v37 =	vadd.f32 v43, v46  }
0x2d1: {  	v13 =	vmul.f32 $3.333333430e-01, v38;
	v14 =	vadd.f32 v32, v34  }
0x2d2: {  	v15 =	vmul.f32 $3.333333430e-01, v37;
	v16 =	vadd.f32 v30, v35;
	v18 =	vadd.f32 v33, v23  }
0x2d3: {  	v17 =	vadd.f32 v36, v21;
	[tilespmem:s22+$0xFFFFC040] =	vst v31;
	v13 =	vadd.f32 v13, v27;
	v14 =	vmul.f32 $3.333333430e-01, v14  }
0x2d4: {  	v12 =	vor.u32 $0x7F, v12;
	v16 =	vmul.f32 $3.333333430e-01, v16;
	v15 =	vadd.f32 v15, v25;
	[tilespmem:s22+$0x440] =	vst v18  }
0x2d5: {  	v53 =	vor.u32 $0x3F9, v11;
	[tilespmem:s22+$0xFFFFC480] =	vst v13;
	v50 =	vadd.f32 v14, v28  }
0x2d6: {  	v51 =	vor.u32 $0x3F8, v11;
	[tilespmem:s22+$0x880] =	vst v15;
	v52 =	vadd.f32 v16, v17  }
0x2d7: {  	[tilespmem:s22+$0xFFFFC8C0] =	vst v50  }
0x2d8: {  	v11 =	vor.u32 $0x3FA, v11;
	[tilespmem:s22+$0xCC0] =	vst v52  }
0x2d9: {  	v12 =	vld.idx.msk [tilespmem:v12+s16+$0x0], $0xffff  }
0x2da: {  	v54 =	vld.idx.msk [tilespmem:v53+s17+$0x0], $0xffff  }
0x2db: {  	v13 =	vld.idx.msk [tilespmem:v51+s17+$0x0], $0xffff;
	_ =	sdelay $0x1  }
0x2dc: {  	v11 =	vld.idx.msk [tilespmem:v11+s17+$0x0], $0xffff;
	_ =	sdelay $0x1  }
0x2dd: {  	vm2 =	vgt.s32 v12, $0x0;
	vm3 =	vgt.s32 v54, $0x0  }
0x2de: {  	v12 =	vnsel vm2, $0x0, v12;
	vm2 =	vgt.s32 v13, $0x0;
	v14 =	vnsel vm3, $0x0, v54  }
0x2df: {  	v13 =	vnsel vm2, $0x0, v13;
	v14 =	vmin.u32 v14, $0x601  }
0x2e0: {  	vm2 =	vgt.s32 v11, $0x0;
	v13 =	vmin.u32 v13, $0x601;
	v14 =	vmul.u32 $0x11, v14  }
0x2e1: {  	v11 =	vnsel vm2, $0x0, v11;
	v13 =	vmul.u32 $0x11, v13  }
0x2e2: {  	v56 =	vadd.s32 $0x6611, v2;
	v11 =	vmin.u32 v11, $0x601;
	v14 =	vadd.s32 v2, v14  }
0x2e3: {  	v11 =	vmul.u32 $0x11, v11;
	v13 =	vadd.s32 v2, v13;
	v14 =	vpsel p0, v56, v14  }
0x2e4: {  	v12 =	vmin.u32 v12, $0x200;
	v13 =	vpsel p0, v56, v13  }
0x2e5: {  	v12 =	vmul.u32 $0x11, v12;
	v11 =	vadd.s32 v2, v11  }
0x2e6: {  	v57 =	vmov s21;
	v11 =	vpsel p0, v56, v11  }
0x2e7: {  	v55 =	vor.u32 $0x2200, v2;
	v58 =	vmul.u32 $0x90, v57;
	v12 =	vadd.s32 v2, v12  }
0x2e8: {  	v12 =	vpsel p0, v55, v12;
	v14 =	vld.idx.msk [tilespmem:v14+s15+$0x0], $0xffff  }
0x2e9: {  	v15 =	vadd.s32 $0x80, v58;
	v13 =	vld.idx.msk [tilespmem:v13+s15+$0x0], $0xffff;
	_ =	sdelay $0x1  }
0x2ea: {  	v61 =	vmul.u32 $0x440, v2;
	v11 =	vld.idx.msk [tilespmem:v11+s15+$0x0], $0xffff;
	_ =	sdelay $0x1  }
0x2eb: {  	v62 =	vadd.s32 $0x80, v61;
	v12 =	vld.idx.msk [tilespmem:v12+s3+$0x0], $0xffff  }
0x2ec: {  	v15 =	vld.idx.msk [tilespmem:v15+s18+$0x0], $0xffff;
	v19 =	vunpack.i.l.bf16.f32 v14;
	v60 =	vunpack.i.u.bf16.f32 v13;
	v13 =	vunpack.i.l.bf16.f32 v13  }
0x2ed: {  	v16 =	vmul.u32 $0x88, v57;
	v14 =	vunpack.i.u.bf16.f32 v14;
	v13 =	vadd.f32 v19, v13  }
0x2ee: {  	v63 =	vadd.s32 $0x4480, v61;
	v20 =	vunpack.i.l.bf16.f32 v11;
	v14 =	vadd.f32 v14, v60  }
0x2ef: {  	v18 =	vadd.s32 v62, v16;
	v11 =	vunpack.i.u.bf16.f32 v11;
	v13 =	vadd.f32 v20, v13  }
0x2f0: {  	s21 =	sadd.s32 $0x1, s21;
	v59 =	vunpack.i.u.bf16.f32 v12;
	v12 =	vunpack.i.l.bf16.f32 v12;
	v11 =	vadd.f32 v11, v14  }
0x2f1: {  	p0 =	sne.s32 s21, $0x8;
	v12 =	vadd.f32 v12, v15;
	v14 =	vadd.s32 v63, v16;
	v13 =	vmul.f32 $3.333333430e-01, v13  }
.Ltmp8:
0x2f2: {  	v15 =	vadd.f32 v59, v15;
	v11 =	vmul.f32 $3.333333430e-01, v11;
	(pc) =	sbr.rel @p0 .LBB2_3-.Ltmp8, $4  }
0x2f3: {  	v12 =	vadd.f32 v13, v12  }
0x2f4: {  	s28 =	sadd.s32 $0x88, s28;
	s29 =	sadd.s32 $0x88, s29;
	v11 =	vadd.f32 v11, v15  }
0x2f5: {  	s0 =	sadd.s32 $0x88, s0;
	s31 =	sadd.s32 $0x88, s31;
	s1 =	sadd.s32 $0x88, s1;
	[tilespmem:v18+s26+$0x0] =	vst.idx.msk $0xffff, v12  }
0x2f6: {  	s5 =	sadd.s32 $0x88, s5;
	s4 =	sadd.s32 $0x88, s4;
	s6 =	sadd.s32 $0x88, s6;
	[tilespmem:v14+s26+$0x0] =	vst.idx.msk $0xffff, v11  }
0x2f7: {  	s23 =	sadd.s32 $0x1, s23  }
0x2f8: {  	s0 =	smul.u32 $0x88, s24;
	p0 =	sne.s32 s23, $0x11  }
.Ltmp9:
0x2f9: {  	_ = 	snop;
	(pc) =	sbr.rel @p0 .LBB2_2-.Ltmp9, $4  }
0x2fa: {  	s0 =	sadd.s32 s12, s0  }
0x2fb: {  	s1 =	rddreg [dreg:$0x2];
	s0 =	sshrl.u32 s0, $0x3  }
0x2fc: {  	s31 =	simm.s32 $0x440;
	s2 =	simm.s32 $0x4488;
	s0 =	sadd.s32 s1, s0  }
0x2fd: {  	[hbm4b:s0+s31] =	stream.strided.scatter [tilespmem:s26], [sflag:$0x2], $0x8800, s2, s31, $0x38;
	[tilespmem:$0x1C0C0] =	vst v63  }
0x2fe: {  	s1 =	simm.s32 $0x2  }
0x2ff: {  	_ =	swait.ge [sflag:s1], $0x8800  }
0x300: {  	[sflag:s1] =	ssyncset.done $0x0  }
0x301: {  	[sflag:s1] =	ssyncadd.s32 $0xFFFF7800  }
0x302: {  	_ =	swait.ge [sflag:s1], $0x8800  }
0x303: {  	s2 =	rddreg [dreg:$0xb]  }
0x304: {  	s0 =	rddreg [dreg:$0xa];
	s2 =	sadd.s32 $0x1, s2  }
0x305: {  	p0 =	sne.s32 s2, s0  }
.Ltmp10:
0x306: {  	_ = 	snop;
	(pc) =	sbr.rel @p0 .LBB2_1-.Ltmp10, $3  }
0x307: {  	_ =	sdelay $0x1  }
0x308: {  	[sflag:s1] =	ssyncset.done $0x0  }
0x309: {  	[sflag:s1] =	ssyncadd.s32 $0xFFFF7800  }
0x30a: {  	_ =	sfence.sel $0x180000  }
0x30b: {  	[bflag:$0x0] =	sbarrier.arrive $0xFFFF  }
0x30c: {  	_ =	strace $0x90000047  }
0x30d: {  	s0 =	stileid.u32;
	[bflag:$0x2] =	sbarrier.arrive $0xFFFF  }
0x30e: {  	p0 =	sne.s32 s0, $0x0;
	s0 =	rddreg [dreg:$0x3]  }
0x30f: {  	s0 =	sadd.s32 @!p0 $0x100000, s0  }
0x310: {  	[sflag:s0] =	ssyncadd.tile.s32 @!p0 $0x1;
	_ =	shalt  }
.Lfunc_end2:
_tile_overlayer_lowered:
.L_overlay_start_2:
0x311: {  	(tag) =	ssettag $0x2  }
0x312: {  	s0 =	rddreg [dreg:$0x0];
	s2 =	stileid.u32  }
0x313: {  	s1 =	rddreg [dreg:$0x1];
	p0 =	sne.s32 s2, $0x0  }
0x314: {  	s3 =	rddreg [dreg:$0x2];
	[bflag:$0x3] =	sbarrier.arrive $0xFFFF;
	s2 =	simm.s32 @!p0 $0x1C03  }
0x315: {  	[timem:s3], [sflag:s2] =	dma.local @!p0 [hbm:s0], s1  }
0x316: {  	s0 =	simm.s32 @!p0 $0x3  }
0x317: {  	_ =	swait.ge @!p0 [sflag:s0], s1  }
0x318: {  	s1 =	ssub.s32 @!p0 $0x0, s1;
	[sflag:s0] =	ssyncset.done @!p0 $0x0  }
0x319: {  	[sflag:s0] =	ssyncadd.s32 @!p0 s1  }
0x31a: {  	[bflag:$0x3] =	sbarrier.arrive $0xFFFF  }
0x31b: {  	_ =	shalt  }

// kernel: sparse-core-data-format-call.cloned.1.call-start
scs
called_computation_lowered:
.L_overlay_start_0:
0x0: {  	s2 =	sld [smem:$0x3FD9]  }
0x1: {  	s3 =	sld [smem:$0x3FFE];
	_ =	sdelay $0x1  }
0x2: {  	s1 =	srdreg.scid  }
0x3: {  	s0 =	sand.u32 $0x1, s1  }
0x4: {  	s18 =	sshll.u32 s0, $0xA;
	s2 =	sadd.s32 s3, s2  }
0x5: {  	s2 =	sadd.s32 s2, s18  }
0x6: {  	[smem:$0x3FC2] =	sst s2  }
0x7: {  	_ = 	snop  }
0x8: {  	s2 =	sld [smem:$0x3FD0];
	(tm) =	ssettm $0x1  }
0x9: {  	s19 =	sld [smem:$0x3FFB];
	_ =	sdelay $0x3  }
0xa: {  	_ =	strace s19  }
0xb: {  	s3 =	sld [smem:$0x3FFC];
	_ =	sdelay $0x3  }
0xc: {  	_ =	strace s3  }
0xd: {  	s3 =	sld [smem:$0x3FFD];
	_ =	sdelay $0x3  }
0xe: {  	_ =	strace s3  }
0xf: {  	_ =	strace $0x8FFFFFFF  }
0x10: {  	s20 =	sld [smem:$0x3FDB];
	_ =	sdelay $0x1  }
0x11: {  	s4 =	simm.s32 $_scs_section_size  }
0x12: {  	s5 =	simm.s32 $_size__tile_overlayer_lowered;
	s6 =	simm.s32 $_tile_overlayer_lowered  }
0x13: {  	s23 =	simm.s32 $0x1BFF;
	s22 =	sshll.u32 s6, $0x1;
	s3 =	sadd.s32 s4, s20  }
0x14: {  	s7 =	simm.s32 $0x0;
	s21 =	sshll.u32 s5, $0x1;
	s5 =	sadd.s32 s22, s3  }
0x15: {  	[timem:s7], [sflag:s23] =	dma.local [hbm:s5], s21  }
0x16: {  	_ =	swait.ge [sflag:s23], s21  }
0x17: {  	s4 =	ssub.s32 $0x0, s21;
	[sflag:s23] =	ssyncset.done $0x0  }
0x18: {  	[sflag:s23] =	ssyncadd.s32 s4;
	_ =	sdelay $0x1  }
0x19: {  	s24 =	simm.s32 $0x1B8B  }
0x1a: {  	_ =	swait.ge [sflag:s24], $0x1  }
0x1b: {  	[sflag:s24] =	ssyncset.done $0x0  }
0x1c: {  	s26 =	simm.s32 $0x1B8E;
	s25 =	sld [smem:$0x3FFE];
	[sflag:s24] =	ssyncadd.s32 $0xFFFFFFFF  }
0x1d: {  	s27 =	simm.s32 $execute0_lowered;
	[smem:$0x3FD2] =	sst s26  }
0x1e: {  	s5 =	sshll.u32 s27, $0x1;
	_ =	strace $0x80000049;
	[dreg:$0x1] =	wrdreg $0xFFFFFFFF  }
0x1f: {  	s28 =	simm.s32 $_size_execute0_lowered;
	s3 =	sadd.s32 s3, s5;
	[dreg:$0x0] =	wrdreg $0x0  }
0x20: {  	s5 =	sshll.u32 s28, $0x1;
	[dreg:$0x2] =	wrdreg s3  }
0x21: {  	[dreg:$0x3] =	wrdreg s5  }
0x22: {  	[dreg:$0x4] =	wrdreg $0xC0  }
0x23: {  	_ =	task [dreg:s7], $0x5FFFF  }
0x24: {  	[dreg:$0x1] =	wrdreg $0xFFFFFFFF  }
0x25: {  	[dreg:$0x0] =	wrdreg $0x60  }
0x26: {  	[dreg:$0x2] =	wrdreg s25  }
0x27: {  	[dreg:$0x3] =	wrdreg s2  }
0x28: {  	[dreg:$0x4] =	wrdreg $0x9  }
0x29: {  	_ =	task.clear_ibuf [dreg:s7], $0x5FFFF;
	_ =	strace $0x90000049  }
0x2a: {  	s29 =	simm.s32 $0x9;
	_ =	strace $0x8000004B  }
0x2b: {  	_ =	swait.ge [sflag:s29], $0x1  }
0x2c: {  	[sflag:s29] =	ssyncadd.s32 $0xFFFFFFFF  }
0x2d: {  	_ =	strace $0x9000004B  }
0x2e: {  	_ =	sfence  }
0x2f: {  	s30 =	sld [smem:$0x0];
	_ =	sdelay $0x2  }
0x30: {  	s31 =	sshll.u32 s1, $0xD;
	s1 =	sshrl.u32 s1, $0x2  }
0x31: {  	s3 =	sand.u32 $0x4000, s31;
	s1 =	sadd.s32 s1, s30  }
0x32: {  	s0 =	sor.u32 s3, s0;
	s1 =	sshll.u32 s1, $0x11  }
0x33: {  	s0 =	sor.u32 s1, s0  }
0x34: {  	s0 =	sadd.s32 $0x8F2B, s0  }
0x35: {  	[sflag:s0] =	ssyncadd.remote.s32 $0x1  }
0x36: {  	_ =	sfence.sel $0xFFFF  }
0x37: {  	[dreg:$0x0] =	wrdreg $0xFFFFFFFF;
	(pc) =	sbr.abs _section_cstart, $3  }
0x38: {  	[dreg:$0x1] =	wrdreg $0xFFFFFFFF  }
0x39: {  	_ =	task.clear_ibuf [dreg:s7], $0x2FFFF;
	_ =	strace $0x9FFFFFFF  }
0x3a: {  	(tm) =	ssettm $0x7FFFFFFF  }
0x3b: {  	_ =	shalt  }
tec
execute0_lowered:
.L_overlay_start_1:
0x0: {  	(tag) =	ssettag $0x1  }
0x1: {  	s1 =	rddreg [dreg:$0x0]  }
0x2: {  	s2 =	rddreg [dreg:$0x1]  }
0x3: {  	s0 =	rddreg [dreg:$0x2]  }
0x4: {  	s4 =	srdreg.scid;
	_ =	strace $0x8000004A;
	s6 =	simm.s32 $0x2  }
0x5: {  	s16 =	simm.s32 $0x0;
	p0 =	por $0x0, $0x0;
	s18 =	simm.s32 $0x0  }
0x6: {  	s17 =	simm.s32 $0x0;
	s19 =	simm.s32 $0x0;
	s7 =	simm.s32 $0x0  }
0x7: {  	s8 =	simm.s32 $0x0;
	s10 =	simm.s32 $0x0;
	s11 =	simm.s32 $0x0  }
.Ltmp0:
0x8: {  	s12 =	simm.s32 $0x0;
	s13 =	simm.s32 $0x0;
	(pc) =	sbr.rel .LBB1_1-.Ltmp0, $4  }
0x9: {  	s14 =	simm.s32 $0x0;
	s3 =	sadd.s32 $0x1000, s1;
	s4 =	sshll.u32 s4, $0x4  }
0xa: {  	s1 =	stileid.u32;
	s5 =	sand.u32 $0x10, s4;
	s4 =	simm.s32 $0x1  }
0xb: {  	s9 =	simm.s32 $0x0;
	s5 =	sor.u32 s1, s5;
	[sflag:s4] =	ssyncpa.u1 $0x0  }
0xc: {  	[sflag:s6] =	ssyncpa.u1 $0x0;
	s6 =	simm.s32 $0x800;
	s15 =	smov.u32 s5  }
.LBB1_7:
0xd: {  	p1 =	slt.u32 s9, $0x2;
	s20 =	smov.u32 s19  }
0xe: {  	s22 =	smov.u32 s14;
	s23 =	smov.u32 s15;
	s9 =	sadd.s32 $0x1, s9  }
0xf: {  	p0 =	por !p0, !p0;
	p2 =	sgt.s32 @!p1 s19, $0x1F;
	s21 =	sshra.s32 @!p1 s19, $0x1F  }
0x10: {  	p3 =	sgt.s32 @!p1 s16, $0x80;
	p2 =	por !p2, p1;
	s19 =	sand.u32 @!p1 s21, s19  }
0x11: {  	s21 =	sshra.s32 @!p1 s18, $0x1F;
	s20 =	simm.s32 @p2 $0x1F;
	p2 =	sgt.s32 @!p1 s18, $0x7D  }
0x12: {  	s19 =	ssub.s32 @!p1 s20, s19;
	p2 =	por !p2, p1;
	s20 =	smov.u32 s18  }
0x13: {  	s18 =	sand.u32 @!p1 s21, s18;
	s21 =	sadd.s32 @!p1 $0xFFFFFFE1, s19;
	s20 =	simm.s32 @p2 $0x7D  }
0x14: {  	p3 =	por !p3, p1;
	p2 =	sgt.s32 @!p1 s21, $0x0;
	s18 =	ssub.s32 @!p1 s20, s18  }
0x15: {  	s19 =	ssub.s32 @!p1 $0x20, s19;
	p2 =	por !p2, p1;
	s20 =	sadd.s32 @!p1 $0xFFFFFF83, s18  }
0x16: {  	s21 =	sshra.s32 @!p1 s16, $0x1F;
	s19 =	simm.s32 @!p2 $0x0;
	p2 =	sgt.s32 @!p1 s20, $0x3  }
0x17: {  	s18 =	ssub.s32 @!p1 $0x81, s18;
	s20 =	ssub.s32 @!p1 $0x0, s17;
	p2 =	por !p2, p1  }
0x18: {  	s17 =	smin.u32 @!p1 s17, s20;
	s20 =	smov.u32 s16;
	s16 =	sand.u32 @!p1 s21, s16  }
0x19: {  	s21 =	smov.u32 s13;
	s20 =	simm.s32 @p3 $0x80;
	p3 =	sgt.s32 @!p1 s17, $0x1F  }
0x1a: {  	s17 =	ssub.s32 @!p1 $0x20, s17;
	p3 =	por !p3, p1;
	s16 =	ssub.s32 @!p1 s20, s16  }
0x1b: {  	s18 =	simm.s32 @!p2 $0x0;
	s17 =	simm.s32 @!p3 $0x0;
	s20 =	sadd.s32 @!p1 $0xFFFFFF80, s16  }
0x1c: {  	p2 =	sgt.s32 @!p1 s20, $0x7F;
	s17 =	smul.u32 @!p1 s19, s17;
	s20 =	sadd.s32 $0x80, s12  }
0x1d: {  	s16 =	ssub.s32 @!p1 $0x100, s16;
	s19 =	sadd.s32 $0x4, s13;
	p3 =	sgt.s32 s20, $0x80  }
0x1e: {  	p2 =	por !p2, p1;
	s17 =	smul.u32 @!p1 s18, s17;
	s21 =	smov.u32 @p3 s19  }
0x1f: {  	s16 =	simm.s32 @!p2 $0x0;
	s18 =	sadd.s32 $0x20, s14;
	p2 =	sgt.s32 s21, $0x80  }
0x20: {  	s24 =	simm.s32 @!p1 $0x2;
	s20 =	simm.s32 @p3 $0x0;
	s22 =	smov.u32 @p2 s18  }
0x21: {  	s16 =	smul.u32 @!p1 s16, s17;
	s17 =	sadd.s32 $0x20, s15;
	p3 =	sgt.s32 s22, $0x1F  }
0x22: {  	s19 =	smov.u32 s11;
	s11 =	smov.u32 s15;
	s23 =	smov.u32 @p3 s17  }
0x23: {  	s21 =	simm.s32 @p2 $0x0;
	s18 =	smov.u32 s8;
	p2 =	sgt.s32 s23, $0x1F  }
0x24: {  	s8 =	smov.u32 s13;
	s23 =	smov.u32 @p2 s5;
	p2 =	sne.s32 s9, $0x44  }
.Ltmp1:
0x25: {  	s13 =	smov.u32 s21;
	s16 =	sand.u32 @!p1 $0x3FFFFFFF, s16;
	(pc) =	sbr.rel @!p2 .LBB1_8-.Ltmp1, $4  }
0x26: {  	s22 =	simm.s32 @p3 $0x0;
	s17 =	smov.u32 s10;
	s10 =	smov.u32 s14  }
0x27: {  	_ =	swait.ge @!p1 [sflag:s24], s16;
	s25 =	ssub.s32 @!p1 $0x0, s16;
	s16 =	smov.u32 s7  }
0x28: {  	s7 =	smov.u32 s12;
	s12 =	smov.u32 s20;
	[sflag:s24] =	ssyncset.done @!p1 $0x0  }
0x29: {  	s14 =	smov.u32 s22;
	[sflag:s24] =	ssyncadd.s32 @!p1 s25;
	s15 =	smov.u32 s23  }
.LBB1_1:
0x2a: {  	p1 =	sgt.u32 s9, $0x41  }
0x2b: {  	s20 =	sshll.u32 @!p1 s13, $0x8;
	s21 =	sshll.u32 @!p1 s12, $0x3  }
0x2c: {  	s22 =	sshll.u32 @!p1 s13, $0x7;
	s20 =	sand.u32 @!p1 $0xFFFFF800, s20;
	s21 =	sand.u32 @!p1 $0xFFFFFC00, s21  }
0x2d: {  	s20 =	sadd.s32 @!p1 s20, s21;
	s21 =	sand.u32 @!p1 $0x300, s22  }
0x2e: {  	s20 =	sor.u32 @!p1 s21, s20  }
0x2f: {  	s20 =	sshrl.u32 @!p1 s20, $0x8  }
0x30: {  	s21 =	smulhi.u32 @!p1 $0x1E1E1E2, s20  }
0x31: {  	s23 =	sxor.u32 @!p1 $0xFFFFFFFF, s9;
	s25 =	smul.u32 @!p1 $0x22000, s15  }
0x32: {  	s24 =	sand.u32 @!p1 $0x78, s12;
	s22 =	sand.u32 @!p1 $0x80, s22;
	s21 =	smul.u32 @!p1 $0x88, s21  }
0x33: {  	s23 =	sshll.u32 @!p1 s23, $0xE;
	s22 =	sor.u32 @!p1 s24, s22;
	s24 =	smul.u32 @!p1 $0x1100, s14  }
0x34: {  	s20 =	ssub.s32 @!p1 s20, s21;
	s21 =	sand.u32 @!p1 $0x4000, s23;
	s23 =	sadd.s32 @!p1 s3, s25  }
0x35: {  	s22 =	sshrl.u32 @!p1 s22, $0x3;
	s23 =	sadd.s32 @!p1 s24, s23;
	s24 =	sand.u32 @!p1 $0x7, s12  }
0x36: {  	s20 =	sshll.u32 @!p1 s20, $0x5;
	s22 =	sadd.s32 @!p1 s22, s23;
	s23 =	sshll.u32 @!p1 s24, $0x12  }
0x37: {  	s20 =	sadd.s32 @!p1 s20, s22;
	s22 =	sor.u32 @!p1 $0x200, s23;
	s23 =	simm.s32 @!p1 $0x8800  }
0x38: {  	[tilespmem:s21], [sflag:$0x1] =	stream.strided.gather @!p1 [hbm4b:s20+s22], $0x4000, s23, s22, $0x38;
	[tilespmem:$0x10000] =	vst v63  }
0x39: {  	p1 =	seq.s32 s9, $0x0  }
0x3a: {  	p2 =	seq.s32 @!p1 s9, $0x43  }
0x3b: {  	p1 =	por p1, p2  }
.Ltmp2:
0x3c: {  	_ = 	snop;
	(pc) =	sbr.rel @p1 .LBB1_7-.Ltmp2, $1  }
0x3d: {  	_ =	sdelay $0x3  }
0x3e: {  	s20 =	simm.s32 $0x1;
	_ =	swait.ge [sflag:s4], $0x4000;
	s23 =	sshll.u32 s9, $0xE  }
0x3f: {  	s20 =	simm.s32 @!p0 $0x0;
	[sflag:s4] =	ssyncset.done $0x0;
	s31 =	sand.u32 $0x4000, s23  }
0x40: {  	s23 =	simm.s32 $0x0;
	s20 =	sshll.u32 s20, $0xE;
	[sflag:s4] =	ssyncadd.s32 $0xFFFFC000  }
0x41: {  	s21 =	sor.u32 $0x8040, s20;
	s22 =	sor.u32 $0x40, s20;
	s20 =	sor.u32 $0x8000, s31  }
.LBB1_3:
0x42: {  	v0 =	vmov s22;
	_ =	sdelay $0x3  }
0x43: {  	s25 =	simm.s32 $0x0  }
0x44: {  	v6 =	vld.idx.msk [tilespmem:v0+s25+$0x30 ss:$0x1], $0xffff  }
0x45: {  	v7 =	vld.idx.msk [tilespmem:v0+s25+$0xFFFFFFC0 ss:$0x1], $0xffff  }
0x46: {  	v5 =	vld.idx.msk [tilespmem:v0+s25+$0xFFFFFFD0 ss:$0x1], $0xffff  }
0x47: {  	v4 =	vld.idx.msk [tilespmem:v0+s25+$0xFFFFFFE0 ss:$0x1], $0xffff  }
0x48: {  	v3 =	vld.idx.msk [tilespmem:v0+s25+$0xFFFFFFF0 ss:$0x1], $0xffff  }
0x49: {  	v1 =	vld.idx.msk [tilespmem:v0+s25+$0x0 ss:$0x1], $0xffff  }
0x4a: {  	v2 =	vld.idx.msk [tilespmem:v0+s25+$0x10 ss:$0x1], $0xffff;
	[tilespmem:s21+$0x30] =	vst v6  }
0x4b: {  	s24 =	simm.s32 $0x80;
	s26 =	simm.s32 $0x400;
	[tilespmem:s21+$0xFFFFFFC0] =	vst v7;
	v6 =	vld.idx.msk [tilespmem:v0+s25+$0x20 ss:$0x1], $0xffff;
	s25 =	smov.u32 s21  }
.LBB1_4:
0x4c: {  	p1 =	sne.s32 s26, $0x600;
	v7 =	vld.idx.msk [tilespmem:v0+s24+$0x30 ss:$0x1], $0xffff;
	[tilespmem:s25+$0xFFFFFFD0] =	vst v5  }
0x4d: {  	v8 =	vld.idx.msk [tilespmem:v0+s24+$0xFFFFFFC0 ss:$0x1], $0xffff;
	[tilespmem:s25+$0xFFFFFFE0] =	vst v4  }
0x4e: {  	v5 =	vld.idx.msk [tilespmem:v0+s24+$0xFFFFFFD0 ss:$0x1], $0xffff;
	[tilespmem:s25+$0xFFFFFFF0] =	vst v3  }
.Ltmp3:
0x4f: {  	v4 =	vld.idx.msk [tilespmem:v0+s24+$0xFFFFFFE0 ss:$0x1], $0xffff;
	[tilespmem:s25+$0x0] =	vst v1;
	(pc) =	sbr.rel @p1 .LBB1_4-.Ltmp3, $4  }
0x50: {  	v3 =	vld.idx.msk [tilespmem:v0+s24+$0xFFFFFFF0 ss:$0x1], $0xffff;
	[tilespmem:s25+$0x10] =	vst v2  }
0x51: {  	v1 =	vld.idx.msk [tilespmem:v0+s24+$0x0 ss:$0x1], $0xffff;
	[tilespmem:s25+$0x20] =	vst v6;
	s25 =	sadd.s32 $0x1000, s25  }
0x52: {  	v2 =	vld.idx.msk [tilespmem:v0+s24+$0x10 ss:$0x1], $0xffff;
	[tilespmem:s25+$0x30] =	vst v7  }
0x53: {  	[tilespmem:s25+$0xFFFFFFC0] =	vst v8;
	v6 =	vld.idx.msk [tilespmem:v0+s24+$0x20 ss:$0x1], $0xffff;
	s24 =	sshra.s32 s26, $0x2;
	s26 =	sadd.s32 $0x200, s26  }
0x54: {  	_ =	sdelay $0x2  }
0x55: {  	[tilespmem:s25+$0xFFFFFFD0] =	vst v5  }
0x56: {  	v56 =	vld.idx.msk [tilespmem:v0+s24+$0x30 ss:$0x1], $0xffff;
	[tilespmem:s25+$0xFFFFFFE0] =	vst v4  }
0x57: {  	v57 =	vld.idx.msk [tilespmem:v0+s24+$0xFFFFFFC0 ss:$0x1], $0xffff;
	[tilespmem:s25+$0xFFFFFFF0] =	vst v3  }
0x58: {  	v58 =	vld.idx.msk [tilespmem:v0+s24+$0xFFFFFFD0 ss:$0x1], $0xffff;
	[tilespmem:s25+$0x0] =	vst v1  }
0x59: {  	v59 =	vld.idx.msk [tilespmem:v0+s24+$0xFFFFFFE0 ss:$0x1], $0xffff;
	[tilespmem:s25+$0x10] =	vst v2  }
0x5a: {  	v60 =	vld.idx.msk [tilespmem:v0+s24+$0xFFFFFFF0 ss:$0x1], $0xffff;
	s31 =	sadd.s32 $0x1000, s25;
	[tilespmem:s25+$0x20] =	vst v6  }
0x5b: {  	v61 =	vld.idx.msk [tilespmem:v0+s24+$0x0 ss:$0x1], $0xffff;
	[tilespmem:s31+$0x30] =	vst v56  }
0x5c: {  	v62 =	vld.idx.msk [tilespmem:v0+s24+$0x10 ss:$0x1], $0xffff;
	s23 =	sadd.s32 $0x1, s23;
	[tilespmem:s31+$0xFFFFFFC0] =	vst v57  }
0x5d: {  	v63 =	vld.idx.msk [tilespmem:v0+s24+$0x20 ss:$0x1], $0xffff;
	p1 =	sne.s32 s23, $0x20;
	[tilespmem:s31+$0xFFFFFFD0] =	vst v58  }
.Ltmp4:
0x5e: {  	[tilespmem:s31+$0xFFFFFFE0] =	vst v59;
	(pc) =	sbr.rel @p1 .LBB1_3-.Ltmp4, $4  }
0x5f: {  	[tilespmem:s31+$0xFFFFFFF0] =	vst v60  }
0x60: {  	[tilespmem:s31+$0x0] =	vst v61  }
0x61: {  	[tilespmem:s31+$0x10] =	vst v62  }
0x62: {  	s21 =	sadd.s32 $0x80, s21;
	s22 =	sadd.s32 $0x200, s22;
	[tilespmem:s31+$0x20] =	vst v63  }
0x63: {  	s21 =	sshll.u32 s10, $0x8;
	p1 =	sgt.s32 s11, $0x1F;
	s22 =	smov.u32 s11  }
0x64: {  	s23 =	sshra.s32 s11, $0x1F;
	s24 =	sshll.u32 s7, $0x3;
	s31 =	sshll.u32 s10, $0x7  }
0x65: {  	s27 =	sshra.s32 s8, $0x1F;
	s29 =	sshra.s32 s7, $0x1F;
	s30 =	sand.u32 $0x78, s7  }
0x66: {  	s22 =	simm.s32 @!p1 $0x1F;
	s23 =	sand.u32 s23, s11;
	s21 =	sand.u32 $0x1800, s21  }
0x67: {  	s24 =	sand.u32 $0x1C00, s24;
	s25 =	sand.u32 $0x300, s31;
	s22 =	ssub.s32 s22, s23  }
0x68: {  	s21 =	sadd.s32 s21, s24;
	s24 =	smov.u32 s8;
	s23 =	sand.u32 $0x80, s31  }
0x69: {  	s31 =	smul.u32 $0x20400, s11;
	s26 =	sadd.s32 $0xFFFFFFE1, s22;
	s22 =	ssub.s32 $0x20, s22  }
0x6a: {  	s21 =	sor.u32 s25, s21;
	s25 =	sand.u32 s27, s8;
	s27 =	smov.u32 s7  }
0x6b: {  	s23 =	sor.u32 s23, s30;
	p1 =	sgt.s32 s26, $0x0;
	s26 =	ssub.s32 $0x0, s10  }
0x6c: {  	s21 =	sshrl.u32 s21, $0x3;
	s22 =	simm.s32 @p1 $0x0;
	p1 =	sgt.s32 s8, $0x7D  }
0x6d: {  	s23 =	sshrl.u32 s23, $0x3;
	s26 =	smin.u32 s10, s26;
	s24 =	simm.s32 @!p1 $0x7D  }
0x6e: {  	p1 =	sgt.s32 s26, $0x1F;
	s24 =	ssub.s32 s24, s25;
	s25 =	ssub.s32 $0x20, s26  }
0x6f: {  	s26 =	sand.u32 s29, s7;
	s25 =	simm.s32 @p1 $0x0;
	p1 =	sgt.s32 s7, $0x80  }
0x70: {  	s28 =	sadd.s32 $0xFFFFFF83, s24;
	s24 =	ssub.s32 $0x81, s24;
	s27 =	simm.s32 @!p1 $0x80  }
0x71: {  	p1 =	sgt.s32 s28, $0x3;
	s22 =	smul.u32 s22, s25;
	s26 =	ssub.s32 s27, s26  }
0x72: {  	s28 =	sadd.s32 s2, s31;
	s24 =	simm.s32 @p1 $0x0;
	s27 =	sadd.s32 $0xFFFFFF80, s26  }
0x73: {  	s22 =	smul.u32 s24, s22;
	s24 =	ssub.s32 $0x100, s26;
	p1 =	sgt.s32 s27, $0x7F  }
.Ltmp5:
0x74: {  	s27 =	sshll.u32 s8, $0xA;
	s24 =	simm.s32 @p1 $0x0;
	(pc) =	sbr.rel .LBB1_7-.Ltmp5, $4  }
0x75: {  	s29 =	sand.u32 $0x7, s7;
	s22 =	smul.u32 s24, s22;
	s24 =	sadd.s32 s27, s28  }
0x76: {  	s21 =	sand.u32 $0x3E0, s21;
	s30 =	sshll.u32 s29, $0x12;
	s23 =	sadd.s32 s23, s24  }
0x77: {  	s31 =	sor.u32 $0x400, s30;
	s22 =	sand.u32 $0x3FFFFFFF, s22;
	s21 =	sadd.s32 s21, s23  }
0x78: {  	[hbm4b:s21+s31] =	stream.strided.scatter [tilespmem:s20], [sflag:$0x2], s22, s6, s31, $0x38;
	[tilespmem:$0x10000] =	vst v63  }
.LBB1_8:
0x79: {  	_ =	sfence.sel $0x180000  }
0x7a: {  	s2 =	simm.s32 $0x1;
	[bflag:$0x0] =	sbarrier.arrive $0xFFFF  }
0x7b: {  	s31 =	simm.s32 $0x2;
	[sflag:s2] =	ssyncpa.u1 $0x1  }
0x7c: {  	[sflag:s31] =	ssyncpa.u1 $0x1  }
0x7d: {  	p0 =	sne.s32 s1, $0x0;
	_ =	strace $0x9000004A  }
0x7e: {  	s0 =	sadd.s32 @!p0 $0x100000, s0;
	[bflag:$0x2] =	sbarrier.arrive $0xFFFF  }
0x7f: {  	[sflag:s0] =	ssyncadd.tile.s32 @!p0 $0x1;
	_ =	shalt  }
.Lfunc_end1:
_tile_overlayer_lowered:
.L_overlay_start_2:
0x80: {  	(tag) =	ssettag $0x2  }
0x81: {  	s0 =	rddreg [dreg:$0x0];
	s2 =	stileid.u32  }
0x82: {  	s1 =	rddreg [dreg:$0x1];
	p0 =	sne.s32 s2, $0x0  }
0x83: {  	s3 =	rddreg [dreg:$0x2];
	[bflag:$0x3] =	sbarrier.arrive $0xFFFF;
	s2 =	simm.s32 @!p0 $0x1C01  }
0x84: {  	[timem:s3], [sflag:s2] =	dma.local @!p0 [hbm:s0], s1  }
0x85: {  	s0 =	simm.s32 @!p0 $0x1  }
0x86: {  	_ =	swait.ge @!p0 [sflag:s0], s1  }
0x87: {  	s1 =	ssub.s32 @!p0 $0x0, s1;
	[sflag:s0] =	ssyncset.done @!p0 $0x0  }
0x88: {  	[sflag:s0] =	ssyncadd.s32 @!p0 s1  }
0x89: {  	[bflag:$0x3] =	sbarrier.arrive $0xFFFF  }
0x8a: {  	_ =	shalt  }

</sc_bundles>
